<compile_context>
chip_gen: v7x
topology: tpu7x:2x2x1
jax: 0.10.2.dev20260603
libtpu: 0.0.44.dev20260713+nightly
codegen_flags: <defaults>
</compile_context>

<pallas_src>
import functools

import jax
import jax.numpy as jnp
from jax import lax
from jax.experimental import pallas as pl
from jax.experimental.pallas import tpu as pltpu
from jax.experimental.pallas import tpu_sc as plsc

LATENT = 16
LANES = 16
HALF = 8


def _gmf_sc(user, item, user_table, item_table):
    B = user.shape[0]
    info = plsc.get_sparse_core_info()
    NC, NS = info.num_cores, info.num_subcores
    NW = NC * NS
    assert B % (LANES * NW) == 0
    b_per_w = B // NW
    n_groups = b_per_w // LANES

    mesh = plsc.VectorSubcoreMesh(core_axis_name="c", subcore_axis_name="s")

    @functools.partial(
        pl.kernel,
        mesh=mesh,
        compiler_params=pltpu.CompilerParams(needs_layout_passes=False),
        out_type=jax.ShapeDtypeStruct((B,), jnp.float32),
        scratch_types=[
            pltpu.VMEM((b_per_w,), jnp.int32),
            pltpu.VMEM((b_per_w,), jnp.int32),
            pltpu.VMEM((LANES, HALF, 128), jnp.float32),
            pltpu.VMEM((LANES, HALF, 128), jnp.float32),
            pltpu.VMEM((LANES, HALF, 128), jnp.float32),
            pltpu.VMEM((LANES, HALF, 128), jnp.float32),
            pltpu.VMEM((b_per_w,), jnp.float32),
            pltpu.SemaphoreType.DMA,
            pltpu.SemaphoreType.DMA,
        ],
    )
    def gmf_kernel(user_hbm, item_hbm, ut_hbm, it_hbm, out_hbm,
                   uidx_v, iidx_v, uslots0, islots0, uslots1, islots1,
                   out_v, sem0, sem1):
        wid = lax.axis_index("s") * NC + lax.axis_index("c")
        base = wid * b_per_w
        pltpu.sync_copy(user_hbm.at[pl.ds(base, b_per_w)], uidx_v)
        pltpu.sync_copy(item_hbm.at[pl.ds(base, b_per_w)], iidx_v)

        lane = lax.iota(jnp.int32, LANES)

        def fire(g, h, uslots, islots, sem):
            s = g * LANES
            ru = uidx_v[pl.ds(s, LANES)]
            ri = iidx_v[pl.ds(s, LANES)]
            bu_vec = (ru >> 7) * 128
            bi_vec = (ri >> 7) * 128
            row = pl.ds(h * HALF, HALF)
            for j in range(LANES):
                bu = pl.multiple_of(bu_vec[j], 128)
                bi = pl.multiple_of(bi_vec[j], 128)
                pltpu.async_copy(
                    ut_hbm.at[row, pl.ds(bu, 128)], uslots.at[j], sem)
                pltpu.async_copy(
                    it_hbm.at[row, pl.ds(bi, 128)], islots.at[j], sem)

        def drain(j, carry, *, uslots, islots, sem):
            pltpu.make_async_copy(
                ut_hbm.at[pl.ds(0, HALF), pl.ds(0, 128)],
                uslots.at[0], sem).wait()
            pltpu.make_async_copy(
                it_hbm.at[pl.ds(0, HALF), pl.ds(0, 128)],
                islots.at[0], sem).wait()
            return carry

        def reduce_half(g, uslots, islots):
            s = g * LANES
            ru = uidx_v[pl.ds(s, LANES)]
            ri = iidx_v[pl.ds(s, LANES)]
            lu = ru & 127
            li = ri & 127
            acc = jnp.zeros((LANES,), jnp.float32)
            for d in range(HALF):
                dd = jnp.full((LANES,), d, jnp.int32)
                uc = plsc.load_gather(uslots, [lane, dd, lu])
                ic = plsc.load_gather(islots, [lane, dd, li])
                acc = acc + uc * ic
            return acc

        fire(0, 0, uslots0, islots0, sem0)

        def group_body(g, carry):
            fire(g, 1, uslots1, islots1, sem1)
            lax.fori_loop(0, LANES, functools.partial(
                drain, uslots=uslots0, islots=islots0, sem=sem0), 0)
            acc0 = reduce_half(g, uslots0, islots0)

            @pl.when(g + 1 < n_groups)
            def _():
                fire(g + 1, 0, uslots0, islots0, sem0)

            lax.fori_loop(0, LANES, functools.partial(
                drain, uslots=uslots1, islots=islots1, sem=sem1), 0)
            acc1 = reduce_half(g, uslots1, islots1)

            acc = acc0 + acc1
            z = jnp.exp(-jnp.abs(acc))
            r = jnp.where(acc >= 0.0, 1.0 / (1.0 + z), z / (1.0 + z))
            out_v[pl.ds(g * LANES, LANES)] = r
            return carry

        lax.fori_loop(0, n_groups, group_body, 0)
        pltpu.sync_copy(out_v, out_hbm.at[pl.ds(base, b_per_w)])

    return gmf_kernel(user, item, user_table.T, item_table.T)


def kernel(user, item, user_table, item_table):
    return _gmf_sc(user, item, user_table, item_table)

# --- scband reference (transcript-rebuilt; emitter-appended) ---
"""Pipeline reference for scband-gmf-34213709480101 (READ-ONLY COPY).

The authoritative reference and input builder live on the scoring server;
editing this copy changes nothing except your own understanding.
"""

import jax, jax.numpy as jnp
import numpy as np

NUM_USERS = 1000000
NUM_ITEMS = 1000000
LATENT_DIM = 16
BATCH = 16384


def setup_inputs(seed: int = 0) -> dict:
    key = jax.random.key(seed)
    k_user, k_item, k_ut, k_it = jax.random.split(key, 4)
    user = jax.random.randint(k_user, (BATCH,), 0, NUM_USERS, dtype=jnp.int64 if jax.config.read('jax_enable_x64') else jnp.int32).astype(jnp.int32)
    item = jax.random.randint(k_item, (BATCH,), 0, NUM_ITEMS, dtype=jnp.int32)
    # nn.Embedding weights initialized with normal(std=0.01), per _init_weight_
    user_table = jax.random.normal(k_ut, (NUM_USERS, LATENT_DIM), dtype=jnp.float32) * 0.01
    item_table = jax.random.normal(k_it, (NUM_ITEMS, LATENT_DIM), dtype=jnp.float32) * 0.01
    return {"user": user, "item": item, "user_table": user_table, "item_table": item_table}


def reference(user, item, user_table, item_table):
    # embedding lookups (gather)
    user_vec = jnp.take(user_table, user, axis=0)  # [B, d]
    item_vec = jnp.take(item_table, item, axis=0)  # [B, d]
    # GMF interaction: per-sample inner product of user/item latent vectors
    # (the original torch.matmul on two [B, d] tensors is interpreted as the
    # standard GMF batched dot product)
    output = jnp.sum(user_vec * item_vec, axis=-1)  # [B]
    ratings = jax.nn.sigmoid(output)
    return ratings

if __name__ == "__main__":
    import jax
    _d = setup_inputs()
    print(jax.jit(kernel)(*tuple(_d.values())))

</pallas_src>

<mosaic_0001>
#map = affine_map<(d0, d1) -> (0)>
#map1 = affine_map<(d0, d1) -> (0, 0)>
module attributes {stable_mosaic.version = 14 : i64} {
  func.func @gmf_kernel(%arg0: i32, %arg1: i32, %arg2: memref<16384xi32, #tpu.memory_space<hbm>>, %arg3: memref<16384xi32, #tpu.memory_space<hbm>>, %arg4: memref<16x1000000xf32, #tpu.memory_space<hbm>>, %arg5: memref<16x1000000xf32, #tpu.memory_space<hbm>>, %arg6: memref<16384xf32, #tpu.memory_space<hbm>>, %arg7: memref<512xi32, #tpu.memory_space<vmem>>, %arg8: memref<512xi32, #tpu.memory_space<vmem>>, %arg9: memref<16x8x128xf32, #tpu.memory_space<vmem>>, %arg10: memref<16x8x128xf32, #tpu.memory_space<vmem>>, %arg11: memref<16x8x128xf32, #tpu.memory_space<vmem>>, %arg12: memref<16x8x128xf32, #tpu.memory_space<vmem>>, %arg13: memref<512xf32, #tpu.memory_space<vmem>>, %arg14: memref<!tpu.dma_semaphore, #tpu.memory_space<semaphore_mem>>, %arg15: memref<!tpu.dma_semaphore, #tpu.memory_space<semaphore_mem>>) attributes {dimension_semantics = [#tpu.dimension_semantics<core_parallel>, #tpu.dimension_semantics<subcore_parallel>], iteration_bounds = array<i64: 2, 16>, scalar_prefetch = 0 : i64, scratch_operands = 9 : i64, tpu.core_type = #tpu.core_type<sc_vector_subcore>, window_params = [{transform_indices = #map}, {transform_indices = #map}, {transform_indices = #map1}, {transform_indices = #map1}, {transform_indices = #map}]} {
    %mul3A = arith.constant 2 : i32
    %mul3A_0 = arith.muli %arg1, %mul3A : i32
    %add3A = arith.addi %mul3A_0, %arg0 : i32
    %mul3A_1 = arith.constant 512 : i32
    %mul3A_2 = arith.muli %add3A, %mul3A_1 : i32
    "tpu.region"() ({
      %run_scoped3A = tpu.sem_alloc : memref<!tpu.dma_semaphore, #tpu.memory_space<semaphore_mem>>
      %dma_start3A_530 = tpu.memref_slice %arg2[%mul3A_2] : memref<16384xi32, #tpu.memory_space<hbm>> -> memref<512xi32, #tpu.memory_space<hbm>>
      %dma_start3A_531 = tpu.memref_slice %arg2[%mul3A_2] : memref<16384xi32, #tpu.memory_space<hbm>> -> memref<512xi32, #tpu.memory_space<hbm>>
      tpu.enqueue_dma source(%dma_start3A_531 : memref<512xi32, #tpu.memory_space<hbm>>) target(%arg7 : memref<512xi32, #tpu.memory_space<vmem>>) target_semaphore(%run_scoped3A : memref<!tpu.dma_semaphore, #tpu.memory_space<semaphore_mem>>)
      %dma_wait3A = tpu.memref_slice %arg2[%mul3A_2] : memref<16384xi32, #tpu.memory_space<hbm>> -> memref<512xi32, #tpu.memory_space<hbm>>
      %dma_wait3A_532 = tpu.memref_slice %arg2[%mul3A_2] : memref<16384xi32, #tpu.memory_space<hbm>> -> memref<512xi32, #tpu.memory_space<hbm>>
      tpu.wait_dma2 semaphore(%run_scoped3A : memref<!tpu.dma_semaphore, #tpu.memory_space<semaphore_mem>>) src(%dma_wait3A_532 : memref<512xi32, #tpu.memory_space<hbm>>) dst(%arg7 : memref<512xi32, #tpu.memory_space<vmem>>)
      tpu.yield
    }) : () -> ()
    "tpu.region"() ({
      %run_scoped3A = tpu.sem_alloc : memref<!tpu.dma_semaphore, #tpu.memory_space<semaphore_mem>>
      %dma_start3A_530 = tpu.memref_slice %arg3[%mul3A_2] : memref<16384xi32, #tpu.memory_space<hbm>> -> memref<512xi32, #tpu.memory_space<hbm>>
      %dma_start3A_531 = tpu.memref_slice %arg3[%mul3A_2] : memref<16384xi32, #tpu.memory_space<hbm>> -> memref<512xi32, #tpu.memory_space<hbm>>
      tpu.enqueue_dma source(%dma_start3A_531 : memref<512xi32, #tpu.memory_space<hbm>>) target(%arg8 : memref<512xi32, #tpu.memory_space<vmem>>) target_semaphore(%run_scoped3A : memref<!tpu.dma_semaphore, #tpu.memory_space<semaphore_mem>>)
      %dma_wait3A = tpu.memref_slice %arg3[%mul3A_2] : memref<16384xi32, #tpu.memory_space<hbm>> -> memref<512xi32, #tpu.memory_space<hbm>>
      %dma_wait3A_532 = tpu.memref_slice %arg3[%mul3A_2] : memref<16384xi32, #tpu.memory_space<hbm>> -> memref<512xi32, #tpu.memory_space<hbm>>
      tpu.wait_dma2 semaphore(%run_scoped3A : memref<!tpu.dma_semaphore, #tpu.memory_space<semaphore_mem>>) src(%dma_wait3A_532 : memref<512xi32, #tpu.memory_space<hbm>>) dst(%arg8 : memref<512xi32, #tpu.memory_space<vmem>>)
      tpu.yield
    }) : () -> ()
    %iota3A = tpu.iota {dimensions = array<i32: 0>} : vector<16xi32>
    %get3A = arith.constant 0 : index
    %get3A_3 = tpu.vector_load %arg7[%get3A] {strides = array<i32>} : memref<512xi32, #tpu.memory_space<vmem>>, vector<16xi32>,
    %get3A_4 = arith.constant 0 : index
    %get3A_5 = tpu.vector_load %arg8[%get3A_4] {strides = array<i32>} : memref<512xi32, #tpu.memory_space<vmem>>, vector<16xi32>,
    %shift_right_arithmetic3A = arith.constant 7 : i32
    %shift_right_arithmetic3A_6 = vector.broadcast %shift_right_arithmetic3A : i32 to vector<16xi32>
    %shift_right_arithmetic3A_7 = arith.shrsi %get3A_3, %shift_right_arithmetic3A_6 : vector<16xi32>
    %mul3A_8 = arith.constant 128 : i32
    %mul3A_9 = vector.broadcast %mul3A_8 : i32 to vector<16xi32>
    %mul3A_10 = arith.muli %shift_right_arithmetic3A_7, %mul3A_9 : vector<16xi32>
    %shift_right_arithmetic3A_11 = arith.constant 7 : i32
    %shift_right_arithmetic3A_12 = vector.broadcast %shift_right_arithmetic3A_11 : i32 to vector<16xi32>
    %shift_right_arithmetic3A_13 = arith.shrsi %get3A_5, %shift_right_arithmetic3A_12 : vector<16xi32>
    %mul3A_14 = arith.constant 128 : i32
    %mul3A_15 = vector.broadcast %mul3A_14 : i32 to vector<16xi32>
    %mul3A_16 = arith.muli %shift_right_arithmetic3A_13, %mul3A_15 : vector<16xi32>
    %slice3A = vector.extract_strided_slice %mul3A_10 {offsets = [0], sizes = [1], strides = [1]} : vector<16xi32> to vector<1xi32>
    %squeeze3A = vector.extract %slice3A[0] : i32 from vector<1xi32>
    %multiple_of3A = tpu.assume_multiple %squeeze3A, 128 : i32
    %slice3A_17 = vector.extract_strided_slice %mul3A_16 {offsets = [0], sizes = [1], strides = [1]} : vector<16xi32> to vector<1xi32>
    %squeeze3A_18 = vector.extract %slice3A_17[0] : i32 from vector<1xi32>
    %multiple_of3A_19 = tpu.assume_multiple %squeeze3A_18, 128 : i32
    %dma_start3A = arith.constant 0 : i32
    %dma_start3A_20 = arith.constant 0 : i32
    %dma_start3A_21 = arith.constant 0 : i32
    %dma_start3A_22 = tpu.memref_slice %arg9[%dma_start3A, %dma_start3A_20, %dma_start3A_21] : memref<16x8x128xf32, #tpu.memory_space<vmem>> -> memref<1x8x128xf32, #tpu.memory_space<vmem>>
    %dma_start3A_23 = tpu.memref_squeeze %dma_start3A_22 : memref<1x8x128xf32, #tpu.memory_space<vmem>> -> memref<8x128xf32, #tpu.memory_space<vmem>>
    %dma_start3A_24 = arith.constant 0 : i32
    %dma_start3A_25 = tpu.memref_slice %arg4[%dma_start3A_24, %multiple_of3A] : memref<16x1000000xf32, #tpu.memory_space<hbm>> -> memref<8x128xf32, #tpu.memory_space<hbm>>
    %dma_start3A_26 = arith.constant 0 : i32
    %dma_start3A_27 = arith.constant 0 : i32
    %dma_start3A_28 = tpu.memref_slice %arg9[%dma_start3A, %dma_start3A_26, %dma_start3A_27] : memref<16x8x128xf32, #tpu.memory_space<vmem>> -> memref<1x8x128xf32, #tpu.memory_space<vmem>>
    %dma_start3A_29 = tpu.memref_squeeze %dma_start3A_28 : memref<1x8x128xf32, #tpu.memory_space<vmem>> -> memref<8x128xf32, #tpu.memory_space<vmem>>
    %dma_start3A_30 = arith.constant 0 : i32
    %dma_start3A_31 = tpu.memref_slice %arg4[%dma_start3A_30, %multiple_of3A] : memref<16x1000000xf32, #tpu.memory_space<hbm>> -> memref<8x128xf32, #tpu.memory_space<hbm>>
    tpu.enqueue_dma source(%dma_start3A_31 : memref<8x128xf32, #tpu.memory_space<hbm>>) target(%dma_start3A_29 : memref<8x128xf32, #tpu.memory_space<vmem>>) target_semaphore(%arg14 : memref<!tpu.dma_semaphore, #tpu.memory_space<semaphore_mem>>)
    %dma_start3A_32 = arith.constant 0 : i32
    %dma_start3A_33 = arith.constant 0 : i32
    %dma_start3A_34 = arith.constant 0 : i32
    %dma_start3A_35 = tpu.memref_slice %arg10[%dma_start3A_32, %dma_start3A_33, %dma_start3A_34] : memref<16x8x128xf32, #tpu.memory_space<vmem>> -> memref<1x8x128xf32, #tpu.memory_space<vmem>>
    %dma_start3A_36 = tpu.memref_squeeze %dma_start3A_35 : memref<1x8x128xf32, #tpu.memory_space<vmem>> -> memref<8x128xf32, #tpu.memory_space<vmem>>
    %dma_start3A_37 = arith.constant 0 : i32
    %dma_start3A_38 = tpu.memref_slice %arg5[%dma_start3A_37, %multiple_of3A_19] : memref<16x1000000xf32, #tpu.memory_space<hbm>> -> memref<8x128xf32, #tpu.memory_space<hbm>>
    %dma_start3A_39 = arith.constant 0 : i32
    %dma_start3A_40 = arith.constant 0 : i32
    %dma_start3A_41 = tpu.memref_slice %arg10[%dma_start3A_32, %dma_start3A_39, %dma_start3A_40] : memref<16x8x128xf32, #tpu.memory_space<vmem>> -> memref<1x8x128xf32, #tpu.memory_space<vmem>>
    %dma_start3A_42 = tpu.memref_squeeze %dma_start3A_41 : memref<1x8x128xf32, #tpu.memory_space<vmem>> -> memref<8x128xf32, #tpu.memory_space<vmem>>
    %dma_start3A_43 = arith.constant 0 : i32
    %dma_start3A_44 = tpu.memref_slice %arg5[%dma_start3A_43, %multiple_of3A_19] : memref<16x1000000xf32, #tpu.memory_space<hbm>> -> memref<8x128xf32, #tpu.memory_space<hbm>>
    tpu.enqueue_dma source(%dma_start3A_44 : memref<8x128xf32, #tpu.memory_space<hbm>>) target(%dma_start3A_42 : memref<8x128xf32, #tpu.memory_space<vmem>>) target_semaphore(%arg14 : memref<!tpu.dma_semaphore, #tpu.memory_space<semaphore_mem>>)
    %slice3A_45 = vector.extract_strided_slice %mul3A_10 {offsets = [1], sizes = [1], strides = [1]} : vector<16xi32> to vector<1xi32>
    %squeeze3A_46 = vector.extract %slice3A_45[0] : i32 from vector<1xi32>
    %multiple_of3A_47 = tpu.assume_multiple %squeeze3A_46, 128 : i32
    %slice3A_48 = vector.extract_strided_slice %mul3A_16 {offsets = [1], sizes = [1], strides = [1]} : vector<16xi32> to vector<1xi32>
    %squeeze3A_49 = vector.extract %slice3A_48[0] : i32 from vector<1xi32>
    %multiple_of3A_50 = tpu.assume_multiple %squeeze3A_49, 128 : i32
    %dma_start3A_51 = arith.constant 1 : i32
    %dma_start3A_52 = arith.constant 0 : i32
    %dma_start3A_53 = arith.constant 0 : i32
    %dma_start3A_54 = tpu.memref_slice %arg9[%dma_start3A_51, %dma_start3A_52, %dma_start3A_53] : memref<16x8x128xf32, #tpu.memory_space<vmem>> -> memref<1x8x128xf32, #tpu.memory_space<vmem>>
    %dma_start3A_55 = tpu.memref_squeeze %dma_start3A_54 : memref<1x8x128xf32, #tpu.memory_space<vmem>> -> memref<8x128xf32, #tpu.memory_space<vmem>>
    %dma_start3A_56 = arith.constant 0 : i32
    %dma_start3A_57 = tpu.memref_slice %arg4[%dma_start3A_56, %multiple_of3A_47] : memref<16x1000000xf32, #tpu.memory_space<hbm>> -> memref<8x128xf32, #tpu.memory_space<hbm>>
    %dma_start3A_58 = arith.constant 0 : i32
    %dma_start3A_59 = arith.constant 0 : i32
    %dma_start3A_60 = tpu.memref_slice %arg9[%dma_start3A_51, %dma_start3A_58, %dma_start3A_59] : memref<16x8x128xf32, #tpu.memory_space<vmem>> -> memref<1x8x128xf32, #tpu.memory_space<vmem>>
    %dma_start3A_61 = tpu.memref_squeeze %dma_start3A_60 : memref<1x8x128xf32, #tpu.memory_space<vmem>> -> memref<8x128xf32, #tpu.memory_space<vmem>>
    %dma_start3A_62 = arith.constant 0 : i32
    %dma_start3A_63 = tpu.memref_slice %arg4[%dma_start3A_62, %multiple_of3A_47] : memref<16x1000000xf32, #tpu.memory_space<hbm>> -> memref<8x128xf32, #tpu.memory_space<hbm>>
    tpu.enqueue_dma source(%dma_start3A_63 : memref<8x128xf32, #tpu.memory_space<hbm>>) target(%dma_start3A_61 : memref<8x128xf32, #tpu.memory_space<vmem>>) target_semaphore(%arg14 : memref<!tpu.dma_semaphore, #tpu.memory_space<semaphore_mem>>)
    %dma_start3A_64 = arith.constant 1 : i32
    %dma_start3A_65 = arith.constant 0 : i32
    %dma_start3A_66 = arith.constant 0 : i32
    %dma_start3A_67 = tpu.memref_slice %arg10[%dma_start3A_64, %dma_start3A_65, %dma_start3A_66] : memref<16x8x128xf32, #tpu.memory_space<vmem>> -> memref<1x8x128xf32, #tpu.memory_space<vmem>>
    %dma_start3A_68 = tpu.memref_squeeze %dma_start3A_67 : memref<1x8x128xf32, #tpu.memory_space<vmem>> -> memref<8x128xf32, #tpu.memory_space<vmem>>
    %dma_start3A_69 = arith.constant 0 : i32
    %dma_start3A_70 = tpu.memref_slice %arg5[%dma_start3A_69, %multiple_of3A_50] : memref<16x1000000xf32, #tpu.memory_space<hbm>> -> memref<8x128xf32, #tpu.memory_space<hbm>>
    %dma_start3A_71 = arith.constant 0 : i32
    %dma_start3A_72 = arith.constant 0 : i32
    %dma_start3A_73 = tpu.memref_slice %arg10[%dma_start3A_64, %dma_start3A_71, %dma_start3A_72] : memref<16x8x128xf32, #tpu.memory_space<vmem>> -> memref<1x8x128xf32, #tpu.memory_space<vmem>>
    %dma_start3A_74 = tpu.memref_squeeze %dma_start3A_73 : memref<1x8x128xf32, #tpu.memory_space<vmem>> -> memref<8x128xf32, #tpu.memory_space<vmem>>
    %dma_start3A_75 = arith.constant 0 : i32
    %dma_start3A_76 = tpu.memref_slice %arg5[%dma_start3A_75, %multiple_of3A_50] : memref<16x1000000xf32, #tpu.memory_space<hbm>> -> memref<8x128xf32, #tpu.memory_space<hbm>>
    tpu.enqueue_dma source(%dma_start3A_76 : memref<8x128xf32, #tpu.memory_space<hbm>>) target(%dma_start3A_74 : memref<8x128xf32, #tpu.memory_space<vmem>>) target_semaphore(%arg14 : memref<!tpu.dma_semaphore, #tpu.memory_space<semaphore_mem>>)
    %slice3A_77 = vector.extract_strided_slice %mul3A_10 {offsets = [2], sizes = [1], strides = [1]} : vector<16xi32> to vector<1xi32>
    %squeeze3A_78 = vector.extract %slice3A_77[0] : i32 from vector<1xi32>
    %multiple_of3A_79 = tpu.assume_multiple %squeeze3A_78, 128 : i32
    %slice3A_80 = vector.extract_strided_slice %mul3A_16 {offsets = [2], sizes = [1], strides = [1]} : vector<16xi32> to vector<1xi32>
    %squeeze3A_81 = vector.extract %slice3A_80[0] : i32 from vector<1xi32>
    %multiple_of3A_82 = tpu.assume_multiple %squeeze3A_81, 128 : i32
    %dma_start3A_83 = arith.constant 2 : i32
    %dma_start3A_84 = arith.constant 0 : i32
    %dma_start3A_85 = arith.constant 0 : i32
    %dma_start3A_86 = tpu.memref_slice %arg9[%dma_start3A_83, %dma_start3A_84, %dma_start3A_85] : memref<16x8x128xf32, #tpu.memory_space<vmem>> -> memref<1x8x128xf32, #tpu.memory_space<vmem>>
    %dma_start3A_87 = tpu.memref_squeeze %dma_start3A_86 : memref<1x8x128xf32, #tpu.memory_space<vmem>> -> memref<8x128xf32, #tpu.memory_space<vmem>>
    %dma_start3A_88 = arith.constant 0 : i32
    %dma_start3A_89 = tpu.memref_slice %arg4[%dma_start3A_88, %multiple_of3A_79] : memref<16x1000000xf32, #tpu.memory_space<hbm>> -> memref<8x128xf32, #tpu.memory_space<hbm>>
    %dma_start3A_90 = arith.constant 0 : i32
    %dma_start3A_91 = arith.constant 0 : i32
    %dma_start3A_92 = tpu.memref_slice %arg9[%dma_start3A_83, %dma_start3A_90, %dma_start3A_91] : memref<16x8x128xf32, #tpu.memory_space<vmem>> -> memref<1x8x128xf32, #tpu.memory_space<vmem>>
    %dma_start3A_93 = tpu.memref_squeeze %dma_start3A_92 : memref<1x8x128xf32, #tpu.memory_space<vmem>> -> memref<8x128xf32, #tpu.memory_space<vmem>>
    %dma_start3A_94 = arith.constant 0 : i32
    %dma_start3A_95 = tpu.memref_slice %arg4[%dma_start3A_94, %multiple_of3A_79] : memref<16x1000000xf32, #tpu.memory_space<hbm>> -> memref<8x128xf32, #tpu.memory_space<hbm>>
    tpu.enqueue_dma source(%dma_start3A_95 : memref<8x128xf32, #tpu.memory_space<hbm>>) target(%dma_start3A_93 : memref<8x128xf32, #tpu.memory_space<vmem>>) target_semaphore(%arg14 : memref<!tpu.dma_semaphore, #tpu.memory_space<semaphore_mem>>)
    %dma_start3A_96 = arith.constant 2 : i32
    %dma_start3A_97 = arith.constant 0 : i32
    %dma_start3A_98 = arith.constant 0 : i32
    %dma_start3A_99 = tpu.memref_slice %arg10[%dma_start3A_96, %dma_start3A_97, %dma_start3A_98] : memref<16x8x128xf32, #tpu.memory_space<vmem>> -> memref<1x8x128xf32, #tpu.memory_space<vmem>>
    %dma_start3A_100 = tpu.memref_squeeze %dma_start3A_99 : memref<1x8x128xf32, #tpu.memory_space<vmem>> -> memref<8x128xf32, #tpu.memory_space<vmem>>
    %dma_start3A_101 = arith.constant 0 : i32
    %dma_start3A_102 = tpu.memref_slice %arg5[%dma_start3A_101, %multiple_of3A_82] : memref<16x1000000xf32, #tpu.memory_space<hbm>> -> memref<8x128xf32, #tpu.memory_space<hbm>>
    %dma_start3A_103 = arith.constant 0 : i32
    %dma_start3A_104 = arith.constant 0 : i32
    %dma_start3A_105 = tpu.memref_slice %arg10[%dma_start3A_96, %dma_start3A_103, %dma_start3A_104] : memref<16x8x128xf32, #tpu.memory_space<vmem>> -> memref<1x8x128xf32, #tpu.memory_space<vmem>>
    %dma_start3A_106 = tpu.memref_squeeze %dma_start3A_105 : memref<1x8x128xf32, #tpu.memory_space<vmem>> -> memref<8x128xf32, #tpu.memory_space<vmem>>
    %dma_start3A_107 = arith.constant 0 : i32
    %dma_start3A_108 = tpu.memref_slice %arg5[%dma_start3A_107, %multiple_of3A_82] : memref<16x1000000xf32, #tpu.memory_space<hbm>> -> memref<8x128xf32, #tpu.memory_space<hbm>>
    tpu.enqueue_dma source(%dma_start3A_108 : memref<8x128xf32, #tpu.memory_space<hbm>>) target(%dma_start3A_106 : memref<8x128xf32, #tpu.memory_space<vmem>>) target_semaphore(%arg14 : memref<!tpu.dma_semaphore, #tpu.memory_space<semaphore_mem>>)
    %slice3A_109 = vector.extract_strided_slice %mul3A_10 {offsets = [3], sizes = [1], strides = [1]} : vector<16xi32> to vector<1xi32>
    %squeeze3A_110 = vector.extract %slice3A_109[0] : i32 from vector<1xi32>
    %multiple_of3A_111 = tpu.assume_multiple %squeeze3A_110, 128 : i32
    %slice3A_112 = vector.extract_strided_slice %mul3A_16 {offsets = [3], sizes = [1], strides = [1]} : vector<16xi32> to vector<1xi32>
    %squeeze3A_113 = vector.extract %slice3A_112[0] : i32 from vector<1xi32>
    %multiple_of3A_114 = tpu.assume_multiple %squeeze3A_113, 128 : i32
    %dma_start3A_115 = arith.constant 3 : i32
    %dma_start3A_116 = arith.constant 0 : i32
    %dma_start3A_117 = arith.constant 0 : i32
    %dma_start3A_118 = tpu.memref_slice %arg9[%dma_start3A_115, %dma_start3A_116, %dma_start3A_117] : memref<16x8x128xf32, #tpu.memory_space<vmem>> -> memref<1x8x128xf32, #tpu.memory_space<vmem>>
    %dma_start3A_119 = tpu.memref_squeeze %dma_start3A_118 : memref<1x8x128xf32, #tpu.memory_space<vmem>> -> memref<8x128xf32, #tpu.memory_space<vmem>>
    %dma_start3A_120 = arith.constant 0 : i32
    %dma_start3A_121 = tpu.memref_slice %arg4[%dma_start3A_120, %multiple_of3A_111] : memref<16x1000000xf32, #tpu.memory_space<hbm>> -> memref<8x128xf32, #tpu.memory_space<hbm>>
    %dma_start3A_122 = arith.constant 0 : i32
    %dma_start3A_123 = arith.constant 0 : i32
    %dma_start3A_124 = tpu.memref_slice %arg9[%dma_start3A_115, %dma_start3A_122, %dma_start3A_123] : memref<16x8x128xf32, #tpu.memory_space<vmem>> -> memref<1x8x128xf32, #tpu.memory_space<vmem>>
    %dma_start3A_125 = tpu.memref_squeeze %dma_start3A_124 : memref<1x8x128xf32, #tpu.memory_space<vmem>> -> memref<8x128xf32, #tpu.memory_space<vmem>>
    %dma_start3A_126 = arith.constant 0 : i32
    %dma_start3A_127 = tpu.memref_slice %arg4[%dma_start3A_126, %multiple_of3A_111] : memref<16x1000000xf32, #tpu.memory_space<hbm>> -> memref<8x128xf32, #tpu.memory_space<hbm>>
    tpu.enqueue_dma source(%dma_start3A_127 : memref<8x128xf32, #tpu.memory_space<hbm>>) target(%dma_start3A_125 : memref<8x128xf32, #tpu.memory_space<vmem>>) target_semaphore(%arg14 : memref<!tpu.dma_semaphore, #tpu.memory_space<semaphore_mem>>)
    %dma_start3A_128 = arith.constant 3 : i32
    %dma_start3A_129 = arith.constant 0 : i32
    %dma_start3A_130 = arith.constant 0 : i32
    %dma_start3A_131 = tpu.memref_slice %arg10[%dma_start3A_128, %dma_start3A_129, %dma_start3A_130] : memref<16x8x128xf32, #tpu.memory_space<vmem>> -> memref<1x8x128xf32, #tpu.memory_space<vmem>>
    %dma_start3A_132 = tpu.memref_squeeze %dma_start3A_131 : memref<1x8x128xf32, #tpu.memory_space<vmem>> -> memref<8x128xf32, #tpu.memory_space<vmem>>
    %dma_start3A_133 = arith.constant 0 : i32
    %dma_start3A_134 = tpu.memref_slice %arg5[%dma_start3A_133, %multiple_of3A_114] : memref<16x1000000xf32, #tpu.memory_space<hbm>> -> memref<8x128xf32, #tpu.memory_space<hbm>>
    %dma_start3A_135 = arith.constant 0 : i32
    %dma_start3A_136 = arith.constant 0 : i32
    %dma_start3A_137 = tpu.memref_slice %arg10[%dma_start3A_128, %dma_start3A_135, %dma_start3A_136] : memref<16x8x128xf32, #tpu.memory_space<vmem>> -> memref<1x8x128xf32, #tpu.memory_space<vmem>>
    %dma_start3A_138 = tpu.memref_squeeze %dma_start3A_137 : memref<1x8x128xf32, #tpu.memory_space<vmem>> -> memref<8x128xf32, #tpu.memory_space<vmem>>
    %dma_start3A_139 = arith.constant 0 : i32
    %dma_start3A_140 = tpu.memref_slice %arg5[%dma_start3A_139, %multiple_of3A_114] : memref<16x1000000xf32, #tpu.memory_space<hbm>> -> memref<8x128xf32, #tpu.memory_space<hbm>>
    tpu.enqueue_dma source(%dma_start3A_140 : memref<8x128xf32, #tpu.memory_space<hbm>>) target(%dma_start3A_138 : memref<8x128xf32, #tpu.memory_space<vmem>>) target_semaphore(%arg14 : memref<!tpu.dma_semaphore, #tpu.memory_space<semaphore_mem>>)
    %slice3A_141 = vector.extract_strided_slice %mul3A_10 {offsets = [4], sizes = [1], strides = [1]} : vector<16xi32> to vector<1xi32>
    %squeeze3A_142 = vector.extract %slice3A_141[0] : i32 from vector<1xi32>
    %multiple_of3A_143 = tpu.assume_multiple %squeeze3A_142, 128 : i32
    %slice3A_144 = vector.extract_strided_slice %mul3A_16 {offsets = [4], sizes = [1], strides = [1]} : vector<16xi32> to vector<1xi32>
    %squeeze3A_145 = vector.extract %slice3A_144[0] : i32 from vector<1xi32>
    %multiple_of3A_146 = tpu.assume_multiple %squeeze3A_145, 128 : i32
    %dma_start3A_147 = arith.constant 4 : i32
    %dma_start3A_148 = arith.constant 0 : i32
    %dma_start3A_149 = arith.constant 0 : i32
    %dma_start3A_150 = tpu.memref_slice %arg9[%dma_start3A_147, %dma_start3A_148, %dma_start3A_149] : memref<16x8x128xf32, #tpu.memory_space<vmem>> -> memref<1x8x128xf32, #tpu.memory_space<vmem>>
    %dma_start3A_151 = tpu.memref_squeeze %dma_start3A_150 : memref<1x8x128xf32, #tpu.memory_space<vmem>> -> memref<8x128xf32, #tpu.memory_space<vmem>>
    %dma_start3A_152 = arith.constant 0 : i32
    %dma_start3A_153 = tpu.memref_slice %arg4[%dma_start3A_152, %multiple_of3A_143] : memref<16x1000000xf32, #tpu.memory_space<hbm>> -> memref<8x128xf32, #tpu.memory_space<hbm>>
    %dma_start3A_154 = arith.constant 0 : i32
    %dma_start3A_155 = arith.constant 0 : i32
    %dma_start3A_156 = tpu.memref_slice %arg9[%dma_start3A_147, %dma_start3A_154, %dma_start3A_155] : memref<16x8x128xf32, #tpu.memory_space<vmem>> -> memref<1x8x128xf32, #tpu.memory_space<vmem>>
    %dma_start3A_157 = tpu.memref_squeeze %dma_start3A_156 : memref<1x8x128xf32, #tpu.memory_space<vmem>> -> memref<8x128xf32, #tpu.memory_space<vmem>>
    %dma_start3A_158 = arith.constant 0 : i32
    %dma_start3A_159 = tpu.memref_slice %arg4[%dma_start3A_158, %multiple_of3A_143] : memref<16x1000000xf32, #tpu.memory_space<hbm>> -> memref<8x128xf32, #tpu.memory_space<hbm>>
    tpu.enqueue_dma source(%dma_start3A_159 : memref<8x128xf32, #tpu.memory_space<hbm>>) target(%dma_start3A_157 : memref<8x128xf32, #tpu.memory_space<vmem>>) target_semaphore(%arg14 : memref<!tpu.dma_semaphore, #tpu.memory_space<semaphore_mem>>)
    %dma_start3A_160 = arith.constant 4 : i32
    %dma_start3A_161 = arith.constant 0 : i32
    %dma_start3A_162 = arith.constant 0 : i32
    %dma_start3A_163 = tpu.memref_slice %arg10[%dma_start3A_160, %dma_start3A_161, %dma_start3A_162] : memref<16x8x128xf32, #tpu.memory_space<vmem>> -> memref<1x8x128xf32, #tpu.memory_space<vmem>>
    %dma_start3A_164 = tpu.memref_squeeze %dma_start3A_163 : memref<1x8x128xf32, #tpu.memory_space<vmem>> -> memref<8x128xf32, #tpu.memory_space<vmem>>
    %dma_start3A_165 = arith.constant 0 : i32
    %dma_start3A_166 = tpu.memref_slice %arg5[%dma_start3A_165, %multiple_of3A_146] : memref<16x1000000xf32, #tpu.memory_space<hbm>> -> memref<8x128xf32, #tpu.memory_space<hbm>>
    %dma_start3A_167 = arith.constant 0 : i32
    %dma_start3A_168 = arith.constant 0 : i32
    %dma_start3A_169 = tpu.memref_slice %arg10[%dma_start3A_160, %dma_start3A_167, %dma_start3A_168] : memref<16x8x128xf32, #tpu.memory_space<vmem>> -> memref<1x8x128xf32, #tpu.memory_space<vmem>>
    %dma_start3A_170 = tpu.memref_squeeze %dma_start3A_169 : memref<1x8x128xf32, #tpu.memory_space<vmem>> -> memref<8x128xf32, #tpu.memory_space<vmem>>
    %dma_start3A_171 = arith.constant 0 : i32
    %dma_start3A_172 = tpu.memref_slice %arg5[%dma_start3A_171, %multiple_of3A_146] : memref<16x1000000xf32, #tpu.memory_space<hbm>> -> memref<8x128xf32, #tpu.memory_space<hbm>>
    tpu.enqueue_dma source(%dma_start3A_172 : memref<8x128xf32, #tpu.memory_space<hbm>>) target(%dma_start3A_170 : memref<8x128xf32, #tpu.memory_space<vmem>>) target_semaphore(%arg14 : memref<!tpu.dma_semaphore, #tpu.memory_space<semaphore_mem>>)
    %slice3A_173 = vector.extract_strided_slice %mul3A_10 {offsets = [5], sizes = [1], strides = [1]} : vector<16xi32> to vector<1xi32>
    %squeeze3A_174 = vector.extract %slice3A_173[0] : i32 from vector<1xi32>
    %multiple_of3A_175 = tpu.assume_multiple %squeeze3A_174, 128 : i32
    %slice3A_176 = vector.extract_strided_slice %mul3A_16 {offsets = [5], sizes = [1], strides = [1]} : vector<16xi32> to vector<1xi32>
    %squeeze3A_177 = vector.extract %slice3A_176[0] : i32 from vector<1xi32>
    %multiple_of3A_178 = tpu.assume_multiple %squeeze3A_177, 128 : i32
    %dma_start3A_179 = arith.constant 5 : i32
    %dma_start3A_180 = arith.constant 0 : i32
    %dma_start3A_181 = arith.constant 0 : i32
    %dma_start3A_182 = tpu.memref_slice %arg9[%dma_start3A_179, %dma_start3A_180, %dma_start3A_181] : memref<16x8x128xf32, #tpu.memory_space<vmem>> -> memref<1x8x128xf32, #tpu.memory_space<vmem>>
    %dma_start3A_183 = tpu.memref_squeeze %dma_start3A_182 : memref<1x8x128xf32, #tpu.memory_space<vmem>> -> memref<8x128xf32, #tpu.memory_space<vmem>>
    %dma_start3A_184 = arith.constant 0 : i32
    %dma_start3A_185 = tpu.memref_slice %arg4[%dma_start3A_184, %multiple_of3A_175] : memref<16x1000000xf32, #tpu.memory_space<hbm>> -> memref<8x128xf32, #tpu.memory_space<hbm>>
    %dma_start3A_186 = arith.constant 0 : i32
    %dma_start3A_187 = arith.constant 0 : i32
    %dma_start3A_188 = tpu.memref_slice %arg9[%dma_start3A_179, %dma_start3A_186, %dma_start3A_187] : memref<16x8x128xf32, #tpu.memory_space<vmem>> -> memref<1x8x128xf32, #tpu.memory_space<vmem>>
    %dma_start3A_189 = tpu.memref_squeeze %dma_start3A_188 : memref<1x8x128xf32, #tpu.memory_space<vmem>> -> memref<8x128xf32, #tpu.memory_space<vmem>>
    %dma_start3A_190 = arith.constant 0 : i32
    %dma_start3A_191 = tpu.memref_slice %arg4[%dma_start3A_190, %multiple_of3A_175] : memref<16x1000000xf32, #tpu.memory_space<hbm>> -> memref<8x128xf32, #tpu.memory_space<hbm>>
    tpu.enqueue_dma source(%dma_start3A_191 : memref<8x128xf32, #tpu.memory_space<hbm>>) target(%dma_start3A_189 : memref<8x128xf32, #tpu.memory_space<vmem>>) target_semaphore(%arg14 : memref<!tpu.dma_semaphore, #tpu.memory_space<semaphore_mem>>)
    %dma_start3A_192 = arith.constant 5 : i32
    %dma_start3A_193 = arith.constant 0 : i32
    %dma_start3A_194 = arith.constant 0 : i32
    %dma_start3A_195 = tpu.memref_slice %arg10[%dma_start3A_192, %dma_start3A_193, %dma_start3A_194] : memref<16x8x128xf32, #tpu.memory_space<vmem>> -> memref<1x8x128xf32, #tpu.memory_space<vmem>>
    %dma_start3A_196 = tpu.memref_squeeze %dma_start3A_195 : memref<1x8x128xf32, #tpu.memory_space<vmem>> -> memref<8x128xf32, #tpu.memory_space<vmem>>
    %dma_start3A_197 = arith.constant 0 : i32
    %dma_start3A_198 = tpu.memref_slice %arg5[%dma_start3A_197, %multiple_of3A_178] : memref<16x1000000xf32, #tpu.memory_space<hbm>> -> memref<8x128xf32, #tpu.memory_space<hbm>>
    %dma_start3A_199 = arith.constant 0 : i32
    %dma_start3A_200 = arith.constant 0 : i32
    %dma_start3A_201 = tpu.memref_slice %arg10[%dma_start3A_192, %dma_start3A_199, %dma_start3A_200] : memref<16x8x128xf32, #tpu.memory_space<vmem>> -> memref<1x8x128xf32, #tpu.memory_space<vmem>>
    %dma_start3A_202 = tpu.memref_squeeze %dma_start3A_201 : memref<1x8x128xf32, #tpu.memory_space<vmem>> -> memref<8x128xf32, #tpu.memory_space<vmem>>
    %dma_start3A_203 = arith.constant 0 : i32
    %dma_start3A_204 = tpu.memref_slice %arg5[%dma_start3A_203, %multiple_of3A_178] : memref<16x1000000xf32, #tpu.memory_space<hbm>> -> memref<8x128xf32, #tpu.memory_space<hbm>>
    tpu.enqueue_dma source(%dma_start3A_204 : memref<8x128xf32, #tpu.memory_space<hbm>>) target(%dma_start3A_202 : memref<8x128xf32, #tpu.memory_space<vmem>>) target_semaphore(%arg14 : memref<!tpu.dma_semaphore, #tpu.memory_space<semaphore_mem>>)
    %slice3A_205 = vector.extract_strided_slice %mul3A_10 {offsets = [6], sizes = [1], strides = [1]} : vector<16xi32> to vector<1xi32>
    %squeeze3A_206 = vector.extract %slice3A_205[0] : i32 from vector<1xi32>
    %multiple_of3A_207 = tpu.assume_multiple %squeeze3A_206, 128 : i32
    %slice3A_208 = vector.extract_strided_slice %mul3A_16 {offsets = [6], sizes = [1], strides = [1]} : vector<16xi32> to vector<1xi32>
    %squeeze3A_209 = vector.extract %slice3A_208[0] : i32 from vector<1xi32>
    %multiple_of3A_210 = tpu.assume_multiple %squeeze3A_209, 128 : i32
    %dma_start3A_211 = arith.constant 6 : i32
    %dma_start3A_212 = arith.constant 0 : i32
    %dma_start3A_213 = arith.constant 0 : i32
    %dma_start3A_214 = tpu.memref_slice %arg9[%dma_start3A_211, %dma_start3A_212, %dma_start3A_213] : memref<16x8x128xf32, #tpu.memory_space<vmem>> -> memref<1x8x128xf32, #tpu.memory_space<vmem>>
    %dma_start3A_215 = tpu.memref_squeeze %dma_start3A_214 : memref<1x8x128xf32, #tpu.memory_space<vmem>> -> memref<8x128xf32, #tpu.memory_space<vmem>>
    %dma_start3A_216 = arith.constant 0 : i32
    %dma_start3A_217 = tpu.memref_slice %arg4[%dma_start3A_216, %multiple_of3A_207] : memref<16x1000000xf32, #tpu.memory_space<hbm>> -> memref<8x128xf32, #tpu.memory_space<hbm>>
    %dma_start3A_218 = arith.constant 0 : i32
    %dma_start3A_219 = arith.constant 0 : i32
    %dma_start3A_220 = tpu.memref_slice %arg9[%dma_start3A_211, %dma_start3A_218, %dma_start3A_219] : memref<16x8x128xf32, #tpu.memory_space<vmem>> -> memref<1x8x128xf32, #tpu.memory_space<vmem>>
    %dma_start3A_221 = tpu.memref_squeeze %dma_start3A_220 : memref<1x8x128xf32, #tpu.memory_space<vmem>> -> memref<8x128xf32, #tpu.memory_space<vmem>>
    %dma_start3A_222 = arith.constant 0 : i32
    %dma_start3A_223 = tpu.memref_slice %arg4[%dma_start3A_222, %multiple_of3A_207] : memref<16x1000000xf32, #tpu.memory_space<hbm>> -> memref<8x128xf32, #tpu.memory_space<hbm>>
    tpu.enqueue_dma source(%dma_start3A_223 : memref<8x128xf32, #tpu.memory_space<hbm>>) target(%dma_start3A_221 : memref<8x128xf32, #tpu.memory_space<vmem>>) target_semaphore(%arg14 : memref<!tpu.dma_semaphore, #tpu.memory_space<semaphore_mem>>)
    %dma_start3A_224 = arith.constant 6 : i32
    %dma_start3A_225 = arith.constant 0 : i32
    %dma_start3A_226 = arith.constant 0 : i32
    %dma_start3A_227 = tpu.memref_slice %arg10[%dma_start3A_224, %dma_start3A_225, %dma_start3A_226] : memref<16x8x128xf32, #tpu.memory_space<vmem>> -> memref<1x8x128xf32, #tpu.memory_space<vmem>>
    %dma_start3A_228 = tpu.memref_squeeze %dma_start3A_227 : memref<1x8x128xf32, #tpu.memory_space<vmem>> -> memref<8x128xf32, #tpu.memory_space<vmem>>
    %dma_start3A_229 = arith.constant 0 : i32
    %dma_start3A_230 = tpu.memref_slice %arg5[%dma_start3A_229, %multiple_of3A_210] : memref<16x1000000xf32, #tpu.memory_space<hbm>> -> memref<8x128xf32, #tpu.memory_space<hbm>>
    %dma_start3A_231 = arith.constant 0 : i32
    %dma_start3A_232 = arith.constant 0 : i32
    %dma_start3A_233 = tpu.memref_slice %arg10[%dma_start3A_224, %dma_start3A_231, %dma_start3A_232] : memref<16x8x128xf32, #tpu.memory_space<vmem>> -> memref<1x8x128xf32, #tpu.memory_space<vmem>>
    %dma_start3A_234 = tpu.memref_squeeze %dma_start3A_233 : memref<1x8x128xf32, #tpu.memory_space<vmem>> -> memref<8x128xf32, #tpu.memory_space<vmem>>
    %dma_start3A_235 = arith.constant 0 : i32
    %dma_start3A_236 = tpu.memref_slice %arg5[%dma_start3A_235, %multiple_of3A_210] : memref<16x1000000xf32, #tpu.memory_space<hbm>> -> memref<8x128xf32, #tpu.memory_space<hbm>>
    tpu.enqueue_dma source(%dma_start3A_236 : memref<8x128xf32, #tpu.memory_space<hbm>>) target(%dma_start3A_234 : memref<8x128xf32, #tpu.memory_space<vmem>>) target_semaphore(%arg14 : memref<!tpu.dma_semaphore, #tpu.memory_space<semaphore_mem>>)
    %slice3A_237 = vector.extract_strided_slice %mul3A_10 {offsets = [7], sizes = [1], strides = [1]} : vector<16xi32> to vector<1xi32>
    %squeeze3A_238 = vector.extract %slice3A_237[0] : i32 from vector<1xi32>
    %multiple_of3A_239 = tpu.assume_multiple %squeeze3A_238, 128 : i32
    %slice3A_240 = vector.extract_strided_slice %mul3A_16 {offsets = [7], sizes = [1], strides = [1]} : vector<16xi32> to vector<1xi32>
    %squeeze3A_241 = vector.extract %slice3A_240[0] : i32 from vector<1xi32>
    %multiple_of3A_242 = tpu.assume_multiple %squeeze3A_241, 128 : i32
    %dma_start3A_243 = arith.constant 7 : i32
    %dma_start3A_244 = arith.constant 0 : i32
    %dma_start3A_245 = arith.constant 0 : i32
    %dma_start3A_246 = tpu.memref_slice %arg9[%dma_start3A_243, %dma_start3A_244, %dma_start3A_245] : memref<16x8x128xf32, #tpu.memory_space<vmem>> -> memref<1x8x128xf32, #tpu.memory_space<vmem>>
    %dma_start3A_247 = tpu.memref_squeeze %dma_start3A_246 : memref<1x8x128xf32, #tpu.memory_space<vmem>> -> memref<8x128xf32, #tpu.memory_space<vmem>>
    %dma_start3A_248 = arith.constant 0 : i32
    %dma_start3A_249 = tpu.memref_slice %arg4[%dma_start3A_248, %multiple_of3A_239] : memref<16x1000000xf32, #tpu.memory_space<hbm>> -> memref<8x128xf32, #tpu.memory_space<hbm>>
    %dma_start3A_250 = arith.constant 0 : i32
    %dma_start3A_251 = arith.constant 0 : i32
    %dma_start3A_252 = tpu.memref_slice %arg9[%dma_start3A_243, %dma_start3A_250, %dma_start3A_251] : memref<16x8x128xf32, #tpu.memory_space<vmem>> -> memref<1x8x128xf32, #tpu.memory_space<vmem>>
    %dma_start3A_253 = tpu.memref_squeeze %dma_start3A_252 : memref<1x8x128xf32, #tpu.memory_space<vmem>> -> memref<8x128xf32, #tpu.memory_space<vmem>>
    %dma_start3A_254 = arith.constant 0 : i32
    %dma_start3A_255 = tpu.memref_slice %arg4[%dma_start3A_254, %multiple_of3A_239] : memref<16x1000000xf32, #tpu.memory_space<hbm>> -> memref<8x128xf32, #tpu.memory_space<hbm>>
    tpu.enqueue_dma source(%dma_start3A_255 : memref<8x128xf32, #tpu.memory_space<hbm>>) target(%dma_start3A_253 : memref<8x128xf32, #tpu.memory_space<vmem>>) target_semaphore(%arg14 : memref<!tpu.dma_semaphore, #tpu.memory_space<semaphore_mem>>)
    %dma_start3A_256 = arith.constant 7 : i32
    %dma_start3A_257 = arith.constant 0 : i32
    %dma_start3A_258 = arith.constant 0 : i32
    %dma_start3A_259 = tpu.memref_slice %arg10[%dma_start3A_256, %dma_start3A_257, %dma_start3A_258] : memref<16x8x128xf32, #tpu.memory_space<vmem>> -> memref<1x8x128xf32, #tpu.memory_space<vmem>>
    %dma_start3A_260 = tpu.memref_squeeze %dma_start3A_259 : memref<1x8x128xf32, #tpu.memory_space<vmem>> -> memref<8x128xf32, #tpu.memory_space<vmem>>
    %dma_start3A_261 = arith.constant 0 : i32
    %dma_start3A_262 = tpu.memref_slice %arg5[%dma_start3A_261, %multiple_of3A_242] : memref<16x1000000xf32, #tpu.memory_space<hbm>> -> memref<8x128xf32, #tpu.memory_space<hbm>>
    %dma_start3A_263 = arith.constant 0 : i32
    %dma_start3A_264 = arith.constant 0 : i32
    %dma_start3A_265 = tpu.memref_slice %arg10[%dma_start3A_256, %dma_start3A_263, %dma_start3A_264] : memref<16x8x128xf32, #tpu.memory_space<vmem>> -> memref<1x8x128xf32, #tpu.memory_space<vmem>>
    %dma_start3A_266 = tpu.memref_squeeze %dma_start3A_265 : memref<1x8x128xf32, #tpu.memory_space<vmem>> -> memref<8x128xf32, #tpu.memory_space<vmem>>
    %dma_start3A_267 = arith.constant 0 : i32
    %dma_start3A_268 = tpu.memref_slice %arg5[%dma_start3A_267, %multiple_of3A_242] : memref<16x1000000xf32, #tpu.memory_space<hbm>> -> memref<8x128xf32, #tpu.memory_space<hbm>>
    tpu.enqueue_dma source(%dma_start3A_268 : memref<8x128xf32, #tpu.memory_space<hbm>>) target(%dma_start3A_266 : memref<8x128xf32, #tpu.memory_space<vmem>>) target_semaphore(%arg14 : memref<!tpu.dma_semaphore, #tpu.memory_space<semaphore_mem>>)
    %slice3A_269 = vector.extract_strided_slice %mul3A_10 {offsets = [8], sizes = [1], strides = [1]} : vector<16xi32> to vector<1xi32>
    %squeeze3A_270 = vector.extract %slice3A_269[0] : i32 from vector<1xi32>
    %multiple_of3A_271 = tpu.assume_multiple %squeeze3A_270, 128 : i32
    %slice3A_272 = vector.extract_strided_slice %mul3A_16 {offsets = [8], sizes = [1], strides = [1]} : vector<16xi32> to vector<1xi32>
    %squeeze3A_273 = vector.extract %slice3A_272[0] : i32 from vector<1xi32>
    %multiple_of3A_274 = tpu.assume_multiple %squeeze3A_273, 128 : i32
    %dma_start3A_275 = arith.constant 8 : i32
    %dma_start3A_276 = arith.constant 0 : i32
    %dma_start3A_277 = arith.constant 0 : i32
    %dma_start3A_278 = tpu.memref_slice %arg9[%dma_start3A_275, %dma_start3A_276, %dma_start3A_277] : memref<16x8x128xf32, #tpu.memory_space<vmem>> -> memref<1x8x128xf32, #tpu.memory_space<vmem>>
    %dma_start3A_279 = tpu.memref_squeeze %dma_start3A_278 : memref<1x8x128xf32, #tpu.memory_space<vmem>> -> memref<8x128xf32, #tpu.memory_space<vmem>>
    %dma_start3A_280 = arith.constant 0 : i32
    %dma_start3A_281 = tpu.memref_slice %arg4[%dma_start3A_280, %multiple_of3A_271] : memref<16x1000000xf32, #tpu.memory_space<hbm>> -> memref<8x128xf32, #tpu.memory_space<hbm>>
    %dma_start3A_282 = arith.constant 0 : i32
    %dma_start3A_283 = arith.constant 0 : i32
    %dma_start3A_284 = tpu.memref_slice %arg9[%dma_start3A_275, %dma_start3A_282, %dma_start3A_283] : memref<16x8x128xf32, #tpu.memory_space<vmem>> -> memref<1x8x128xf32, #tpu.memory_space<vmem>>
    %dma_start3A_285 = tpu.memref_squeeze %dma_start3A_284 : memref<1x8x128xf32, #tpu.memory_space<vmem>> -> memref<8x128xf32, #tpu.memory_space<vmem>>
    %dma_start3A_286 = arith.constant 0 : i32
    %dma_start3A_287 = tpu.memref_slice %arg4[%dma_start3A_286, %multiple_of3A_271] : memref<16x1000000xf32, #tpu.memory_space<hbm>> -> memref<8x128xf32, #tpu.memory_space<hbm>>
    tpu.enqueue_dma source(%dma_start3A_287 : memref<8x128xf32, #tpu.memory_space<hbm>>) target(%dma_start3A_285 : memref<8x128xf32, #tpu.memory_space<vmem>>) target_semaphore(%arg14 : memref<!tpu.dma_semaphore, #tpu.memory_space<semaphore_mem>>)
    %dma_start3A_288 = arith.constant 8 : i32
    %dma_start3A_289 = arith.constant 0 : i32
    %dma_start3A_290 = arith.constant 0 : i32
    %dma_start3A_291 = tpu.memref_slice %arg10[%dma_start3A_288, %dma_start3A_289, %dma_start3A_290] : memref<16x8x128xf32, #tpu.memory_space<vmem>> -> memref<1x8x128xf32, #tpu.memory_space<vmem>>
    %dma_start3A_292 = tpu.memref_squeeze %dma_start3A_291 : memref<1x8x128xf32, #tpu.memory_space<vmem>> -> memref<8x128xf32, #tpu.memory_space<vmem>>
    %dma_start3A_293 = arith.constant 0 : i32
    %dma_start3A_294 = tpu.memref_slice %arg5[%dma_start3A_293, %multiple_of3A_274] : memref<16x1000000xf32, #tpu.memory_space<hbm>> -> memref<8x128xf32, #tpu.memory_space<hbm>>
    %dma_start3A_295 = arith.constant 0 : i32
    %dma_start3A_296 = arith.constant 0 : i32
    %dma_start3A_297 = tpu.memref_slice %arg10[%dma_start3A_288, %dma_start3A_295, %dma_start3A_296] : memref<16x8x128xf32, #tpu.memory_space<vmem>> -> memref<1x8x128xf32, #tpu.memory_space<vmem>>
    %dma_start3A_298 = tpu.memref_squeeze %dma_start3A_297 : memref<1x8x128xf32, #tpu.memory_space<vmem>> -> memref<8x128xf32, #tpu.memory_space<vmem>>
    %dma_start3A_299 = arith.constant 0 : i32
    %dma_start3A_300 = tpu.memref_slice %arg5[%dma_start3A_299, %multiple_of3A_274] : memref<16x1000000xf32, #tpu.memory_space<hbm>> -> memref<8x128xf32, #tpu.memory_space<hbm>>
    tpu.enqueue_dma source(%dma_start3A_300 : memref<8x128xf32, #tpu.memory_space<hbm>>) target(%dma_start3A_298 : memref<8x128xf32, #tpu.memory_space<vmem>>) target_semaphore(%arg14 : memref<!tpu.dma_semaphore, #tpu.memory_space<semaphore_mem>>)
    %slice3A_301 = vector.extract_strided_slice %mul3A_10 {offsets = [9], sizes = [1], strides = [1]} : vector<16xi32> to vector<1xi32>
    %squeeze3A_302 = vector.extract %slice3A_301[0] : i32 from vector<1xi32>
    %multiple_of3A_303 = tpu.assume_multiple %squeeze3A_302, 128 : i32
    %slice3A_304 = vector.extract_strided_slice %mul3A_16 {offsets = [9], sizes = [1], strides = [1]} : vector<16xi32> to vector<1xi32>
    %squeeze3A_305 = vector.extract %slice3A_304[0] : i32 from vector<1xi32>
    %multiple_of3A_306 = tpu.assume_multiple %squeeze3A_305, 128 : i32
    %dma_start3A_307 = arith.constant 9 : i32
    %dma_start3A_308 = arith.constant 0 : i32
    %dma_start3A_309 = arith.constant 0 : i32
    %dma_start3A_310 = tpu.memref_slice %arg9[%dma_start3A_307, %dma_start3A_308, %dma_start3A_309] : memref<16x8x128xf32, #tpu.memory_space<vmem>> -> memref<1x8x128xf32, #tpu.memory_space<vmem>>
    %dma_start3A_311 = tpu.memref_squeeze %dma_start3A_310 : memref<1x8x128xf32, #tpu.memory_space<vmem>> -> memref<8x128xf32, #tpu.memory_space<vmem>>
    %dma_start3A_312 = arith.constant 0 : i32
    %dma_start3A_313 = tpu.memref_slice %arg4[%dma_start3A_312, %multiple_of3A_303] : memref<16x1000000xf32, #tpu.memory_space<hbm>> -> memref<8x128xf32, #tpu.memory_space<hbm>>
    %dma_start3A_314 = arith.constant 0 : i32
    %dma_start3A_315 = arith.constant 0 : i32
    %dma_start3A_316 = tpu.memref_slice %arg9[%dma_start3A_307, %dma_start3A_314, %dma_start3A_315] : memref<16x8x128xf32, #tpu.memory_space<vmem>> -> memref<1x8x128xf32, #tpu.memory_space<vmem>>
    %dma_start3A_317 = tpu.memref_squeeze %dma_start3A_316 : memref<1x8x128xf32, #tpu.memory_space<vmem>> -> memref<8x128xf32, #tpu.memory_space<vmem>>
    %dma_start3A_318 = arith.constant 0 : i32
    %dma_start3A_319 = tpu.memref_slice %arg4[%dma_start3A_318, %multiple_of3A_303] : memref<16x1000000xf32, #tpu.memory_space<hbm>> -> memref<8x128xf32, #tpu.memory_space<hbm>>
    tpu.enqueue_dma source(%dma_start3A_319 : memref<8x128xf32, #tpu.memory_space<hbm>>) target(%dma_start3A_317 : memref<8x128xf32, #tpu.memory_space<vmem>>) target_semaphore(%arg14 : memref<!tpu.dma_semaphore, #tpu.memory_space<semaphore_mem>>)
    %dma_start3A_320 = arith.constant 9 : i32
    %dma_start3A_321 = arith.constant 0 : i32
    %dma_start3A_322 = arith.constant 0 : i32
    %dma_start3A_323 = tpu.memref_slice %arg10[%dma_start3A_320, %dma_start3A_321, %dma_start3A_322] : memref<16x8x128xf32, #tpu.memory_space<vmem>> -> memref<1x8x128xf32, #tpu.memory_space<vmem>>
    %dma_start3A_324 = tpu.memref_squeeze %dma_start3A_323 : memref<1x8x128xf32, #tpu.memory_space<vmem>> -> memref<8x128xf32, #tpu.memory_space<vmem>>
    %dma_start3A_325 = arith.constant 0 : i32
    %dma_start3A_326 = tpu.memref_slice %arg5[%dma_start3A_325, %multiple_of3A_306] : memref<16x1000000xf32, #tpu.memory_space<hbm>> -> memref<8x128xf32, #tpu.memory_space<hbm>>
    %dma_start3A_327 = arith.constant 0 : i32
    %dma_start3A_328 = arith.constant 0 : i32
    %dma_start3A_329 = tpu.memref_slice %arg10[%dma_start3A_320, %dma_start3A_327, %dma_start3A_328] : memref<16x8x128xf32, #tpu.memory_space<vmem>> -> memref<1x8x128xf32, #tpu.memory_space<vmem>>
    %dma_start3A_330 = tpu.memref_squeeze %dma_start3A_329 : memref<1x8x128xf32, #tpu.memory_space<vmem>> -> memref<8x128xf32, #tpu.memory_space<vmem>>
    %dma_start3A_331 = arith.constant 0 : i32
    %dma_start3A_332 = tpu.memref_slice %arg5[%dma_start3A_331, %multiple_of3A_306] : memref<16x1000000xf32, #tpu.memory_space<hbm>> -> memref<8x128xf32, #tpu.memory_space<hbm>>
    tpu.enqueue_dma source(%dma_start3A_332 : memref<8x128xf32, #tpu.memory_space<hbm>>) target(%dma_start3A_330 : memref<8x128xf32, #tpu.memory_space<vmem>>) target_semaphore(%arg14 : memref<!tpu.dma_semaphore, #tpu.memory_space<semaphore_mem>>)
    %slice3A_333 = vector.extract_strided_slice %mul3A_10 {offsets = [10], sizes = [1], strides = [1]} : vector<16xi32> to vector<1xi32>
    %squeeze3A_334 = vector.extract %slice3A_333[0] : i32 from vector<1xi32>
    %multiple_of3A_335 = tpu.assume_multiple %squeeze3A_334, 128 : i32
    %slice3A_336 = vector.extract_strided_slice %mul3A_16 {offsets = [10], sizes = [1], strides = [1]} : vector<16xi32> to vector<1xi32>
    %squeeze3A_337 = vector.extract %slice3A_336[0] : i32 from vector<1xi32>
    %multiple_of3A_338 = tpu.assume_multiple %squeeze3A_337, 128 : i32
    %dma_start3A_339 = arith.constant 10 : i32
    %dma_start3A_340 = arith.constant 0 : i32
    %dma_start3A_341 = arith.constant 0 : i32
    %dma_start3A_342 = tpu.memref_slice %arg9[%dma_start3A_339, %dma_start3A_340, %dma_start3A_341] : memref<16x8x128xf32, #tpu.memory_space<vmem>> -> memref<1x8x128xf32, #tpu.memory_space<vmem>>
    %dma_start3A_343 = tpu.memref_squeeze %dma_start3A_342 : memref<1x8x128xf32, #tpu.memory_space<vmem>> -> memref<8x128xf32, #tpu.memory_space<vmem>>
    %dma_start3A_344 = arith.constant 0 : i32
    %dma_start3A_345 = tpu.memref_slice %arg4[%dma_start3A_344, %multiple_of3A_335] : memref<16x1000000xf32, #tpu.memory_space<hbm>> -> memref<8x128xf32, #tpu.memory_space<hbm>>
    %dma_start3A_346 = arith.constant 0 : i32
    %dma_start3A_347 = arith.constant 0 : i32
    %dma_start3A_348 = tpu.memref_slice %arg9[%dma_start3A_339, %dma_start3A_346, %dma_start3A_347] : memref<16x8x128xf32, #tpu.memory_space<vmem>> -> memref<1x8x128xf32, #tpu.memory_space<vmem>>
    %dma_start3A_349 = tpu.memref_squeeze %dma_start3A_348 : memref<1x8x128xf32, #tpu.memory_space<vmem>> -> memref<8x128xf32, #tpu.memory_space<vmem>>
    %dma_start3A_350 = arith.constant 0 : i32
    %dma_start3A_351 = tpu.memref_slice %arg4[%dma_start3A_350, %multiple_of3A_335] : memref<16x1000000xf32, #tpu.memory_space<hbm>> -> memref<8x128xf32, #tpu.memory_space<hbm>>
    tpu.enqueue_dma source(%dma_start3A_351 : memref<8x128xf32, #tpu.memory_space<hbm>>) target(%dma_start3A_349 : memref<8x128xf32, #tpu.memory_space<vmem>>) target_semaphore(%arg14 : memref<!tpu.dma_semaphore, #tpu.memory_space<semaphore_mem>>)
    %dma_start3A_352 = arith.constant 10 : i32
    %dma_start3A_353 = arith.constant 0 : i32
    %dma_start3A_354 = arith.constant 0 : i32
    %dma_start3A_355 = tpu.memref_slice %arg10[%dma_start3A_352, %dma_start3A_353, %dma_start3A_354] : memref<16x8x128xf32, #tpu.memory_space<vmem>> -> memref<1x8x128xf32, #tpu.memory_space<vmem>>
    %dma_start3A_356 = tpu.memref_squeeze %dma_start3A_355 : memref<1x8x128xf32, #tpu.memory_space<vmem>> -> memref<8x128xf32, #tpu.memory_space<vmem>>
    %dma_start3A_357 = arith.constant 0 : i32
    %dma_start3A_358 = tpu.memref_slice %arg5[%dma_start3A_357, %multiple_of3A_338] : memref<16x1000000xf32, #tpu.memory_space<hbm>> -> memref<8x128xf32, #tpu.memory_space<hbm>>
    %dma_start3A_359 = arith.constant 0 : i32
    %dma_start3A_360 = arith.constant 0 : i32
    %dma_start3A_361 = tpu.memref_slice %arg10[%dma_start3A_352, %dma_start3A_359, %dma_start3A_360] : memref<16x8x128xf32, #tpu.memory_space<vmem>> -> memref<1x8x128xf32, #tpu.memory_space<vmem>>
    %dma_start3A_362 = tpu.memref_squeeze %dma_start3A_361 : memref<1x8x128xf32, #tpu.memory_space<vmem>> -> memref<8x128xf32, #tpu.memory_space<vmem>>
    %dma_start3A_363 = arith.constant 0 : i32
    %dma_start3A_364 = tpu.memref_slice %arg5[%dma_start3A_363, %multiple_of3A_338] : memref<16x1000000xf32, #tpu.memory_space<hbm>> -> memref<8x128xf32, #tpu.memory_space<hbm>>
    tpu.enqueue_dma source(%dma_start3A_364 : memref<8x128xf32, #tpu.memory_space<hbm>>) target(%dma_start3A_362 : memref<8x128xf32, #tpu.memory_space<vmem>>) target_semaphore(%arg14 : memref<!tpu.dma_semaphore, #tpu.memory_space<semaphore_mem>>)
    %slice3A_365 = vector.extract_strided_slice %mul3A_10 {offsets = [11], sizes = [1], strides = [1]} : vector<16xi32> to vector<1xi32>
    %squeeze3A_366 = vector.extract %slice3A_365[0] : i32 from vector<1xi32>
    %multiple_of3A_367 = tpu.assume_multiple %squeeze3A_366, 128 : i32
    %slice3A_368 = vector.extract_strided_slice %mul3A_16 {offsets = [11], sizes = [1], strides = [1]} : vector<16xi32> to vector<1xi32>
    %squeeze3A_369 = vector.extract %slice3A_368[0] : i32 from vector<1xi32>
    %multiple_of3A_370 = tpu.assume_multiple %squeeze3A_369, 128 : i32
    %dma_start3A_371 = arith.constant 11 : i32
    %dma_start3A_372 = arith.constant 0 : i32
    %dma_start3A_373 = arith.constant 0 : i32
    %dma_start3A_374 = tpu.memref_slice %arg9[%dma_start3A_371, %dma_start3A_372, %dma_start3A_373] : memref<16x8x128xf32, #tpu.memory_space<vmem>> -> memref<1x8x128xf32, #tpu.memory_space<vmem>>
    %dma_start3A_375 = tpu.memref_squeeze %dma_start3A_374 : memref<1x8x128xf32, #tpu.memory_space<vmem>> -> memref<8x128xf32, #tpu.memory_space<vmem>>
    %dma_start3A_376 = arith.constant 0 : i32
    %dma_start3A_377 = tpu.memref_slice %arg4[%dma_start3A_376, %multiple_of3A_367] : memref<16x1000000xf32, #tpu.memory_space<hbm>> -> memref<8x128xf32, #tpu.memory_space<hbm>>
    %dma_start3A_378 = arith.constant 0 : i32
    %dma_start3A_379 = arith.constant 0 : i32
    %dma_start3A_380 = tpu.memref_slice %arg9[%dma_start3A_371, %dma_start3A_378, %dma_start3A_379] : memref<16x8x128xf32, #tpu.memory_space<vmem>> -> memref<1x8x128xf32, #tpu.memory_space<vmem>>
    %dma_start3A_381 = tpu.memref_squeeze %dma_start3A_380 : memref<1x8x128xf32, #tpu.memory_space<vmem>> -> memref<8x128xf32, #tpu.memory_space<vmem>>
    %dma_start3A_382 = arith.constant 0 : i32
    %dma_start3A_383 = tpu.memref_slice %arg4[%dma_start3A_382, %multiple_of3A_367] : memref<16x1000000xf32, #tpu.memory_space<hbm>> -> memref<8x128xf32, #tpu.memory_space<hbm>>
    tpu.enqueue_dma source(%dma_start3A_383 : memref<8x128xf32, #tpu.memory_space<hbm>>) target(%dma_start3A_381 : memref<8x128xf32, #tpu.memory_space<vmem>>) target_semaphore(%arg14 : memref<!tpu.dma_semaphore, #tpu.memory_space<semaphore_mem>>)
    %dma_start3A_384 = arith.constant 11 : i32
    %dma_start3A_385 = arith.constant 0 : i32
    %dma_start3A_386 = arith.constant 0 : i32
    %dma_start3A_387 = tpu.memref_slice %arg10[%dma_start3A_384, %dma_start3A_385, %dma_start3A_386] : memref<16x8x128xf32, #tpu.memory_space<vmem>> -> memref<1x8x128xf32, #tpu.memory_space<vmem>>
    %dma_start3A_388 = tpu.memref_squeeze %dma_start3A_387 : memref<1x8x128xf32, #tpu.memory_space<vmem>> -> memref<8x128xf32, #tpu.memory_space<vmem>>
    %dma_start3A_389 = arith.constant 0 : i32
    %dma_start3A_390 = tpu.memref_slice %arg5[%dma_start3A_389, %multiple_of3A_370] : memref<16x1000000xf32, #tpu.memory_space<hbm>> -> memref<8x128xf32, #tpu.memory_space<hbm>>
    %dma_start3A_391 = arith.constant 0 : i32
    %dma_start3A_392 = arith.constant 0 : i32
    %dma_start3A_393 = tpu.memref_slice %arg10[%dma_start3A_384, %dma_start3A_391, %dma_start3A_392] : memref<16x8x128xf32, #tpu.memory_space<vmem>> -> memref<1x8x128xf32, #tpu.memory_space<vmem>>
    %dma_start3A_394 = tpu.memref_squeeze %dma_start3A_393 : memref<1x8x128xf32, #tpu.memory_space<vmem>> -> memref<8x128xf32, #tpu.memory_space<vmem>>
    %dma_start3A_395 = arith.constant 0 : i32
    %dma_start3A_396 = tpu.memref_slice %arg5[%dma_start3A_395, %multiple_of3A_370] : memref<16x1000000xf32, #tpu.memory_space<hbm>> -> memref<8x128xf32, #tpu.memory_space<hbm>>
    tpu.enqueue_dma source(%dma_start3A_396 : memref<8x128xf32, #tpu.memory_space<hbm>>) target(%dma_start3A_394 : memref<8x128xf32, #tpu.memory_space<vmem>>) target_semaphore(%arg14 : memref<!tpu.dma_semaphore, #tpu.memory_space<semaphore_mem>>)
    %slice3A_397 = vector.extract_strided_slice %mul3A_10 {offsets = [12], sizes = [1], strides = [1]} : vector<16xi32> to vector<1xi32>
    %squeeze3A_398 = vector.extract %slice3A_397[0] : i32 from vector<1xi32>
    %multiple_of3A_399 = tpu.assume_multiple %squeeze3A_398, 128 : i32
    %slice3A_400 = vector.extract_strided_slice %mul3A_16 {offsets = [12], sizes = [1], strides = [1]} : vector<16xi32> to vector<1xi32>
    %squeeze3A_401 = vector.extract %slice3A_400[0] : i32 from vector<1xi32>
    %multiple_of3A_402 = tpu.assume_multiple %squeeze3A_401, 128 : i32
    %dma_start3A_403 = arith.constant 12 : i32
    %dma_start3A_404 = arith.constant 0 : i32
    %dma_start3A_405 = arith.constant 0 : i32
    %dma_start3A_406 = tpu.memref_slice %arg9[%dma_start3A_403, %dma_start3A_404, %dma_start3A_405] : memref<16x8x128xf32, #tpu.memory_space<vmem>> -> memref<1x8x128xf32, #tpu.memory_space<vmem>>
    %dma_start3A_407 = tpu.memref_squeeze %dma_start3A_406 : memref<1x8x128xf32, #tpu.memory_space<vmem>> -> memref<8x128xf32, #tpu.memory_space<vmem>>
    %dma_start3A_408 = arith.constant 0 : i32
    %dma_start3A_409 = tpu.memref_slice %arg4[%dma_start3A_408, %multiple_of3A_399] : memref<16x1000000xf32, #tpu.memory_space<hbm>> -> memref<8x128xf32, #tpu.memory_space<hbm>>
    %dma_start3A_410 = arith.constant 0 : i32
    %dma_start3A_411 = arith.constant 0 : i32
    %dma_start3A_412 = tpu.memref_slice %arg9[%dma_start3A_403, %dma_start3A_410, %dma_start3A_411] : memref<16x8x128xf32, #tpu.memory_space<vmem>> -> memref<1x8x128xf32, #tpu.memory_space<vmem>>
    %dma_start3A_413 = tpu.memref_squeeze %dma_start3A_412 : memref<1x8x128xf32, #tpu.memory_space<vmem>> -> memref<8x128xf32, #tpu.memory_space<vmem>>
    %dma_start3A_414 = arith.constant 0 : i32
    %dma_start3A_415 = tpu.memref_slice %arg4[%dma_start3A_414, %multiple_of3A_399] : memref<16x1000000xf32, #tpu.memory_space<hbm>> -> memref<8x128xf32, #tpu.memory_space<hbm>>
    tpu.enqueue_dma source(%dma_start3A_415 : memref<8x128xf32, #tpu.memory_space<hbm>>) target(%dma_start3A_413 : memref<8x128xf32, #tpu.memory_space<vmem>>) target_semaphore(%arg14 : memref<!tpu.dma_semaphore, #tpu.memory_space<semaphore_mem>>)
    %dma_start3A_416 = arith.constant 12 : i32
    %dma_start3A_417 = arith.constant 0 : i32
    %dma_start3A_418 = arith.constant 0 : i32
    %dma_start3A_419 = tpu.memref_slice %arg10[%dma_start3A_416, %dma_start3A_417, %dma_start3A_418] : memref<16x8x128xf32, #tpu.memory_space<vmem>> -> memref<1x8x128xf32, #tpu.memory_space<vmem>>
    %dma_start3A_420 = tpu.memref_squeeze %dma_start3A_419 : memref<1x8x128xf32, #tpu.memory_space<vmem>> -> memref<8x128xf32, #tpu.memory_space<vmem>>
    %dma_start3A_421 = arith.constant 0 : i32
    %dma_start3A_422 = tpu.memref_slice %arg5[%dma_start3A_421, %multiple_of3A_402] : memref<16x1000000xf32, #tpu.memory_space<hbm>> -> memref<8x128xf32, #tpu.memory_space<hbm>>
    %dma_start3A_423 = arith.constant 0 : i32
    %dma_start3A_424 = arith.constant 0 : i32
    %dma_start3A_425 = tpu.memref_slice %arg10[%dma_start3A_416, %dma_start3A_423, %dma_start3A_424] : memref<16x8x128xf32, #tpu.memory_space<vmem>> -> memref<1x8x128xf32, #tpu.memory_space<vmem>>
    %dma_start3A_426 = tpu.memref_squeeze %dma_start3A_425 : memref<1x8x128xf32, #tpu.memory_space<vmem>> -> memref<8x128xf32, #tpu.memory_space<vmem>>
    %dma_start3A_427 = arith.constant 0 : i32
    %dma_start3A_428 = tpu.memref_slice %arg5[%dma_start3A_427, %multiple_of3A_402] : memref<16x1000000xf32, #tpu.memory_space<hbm>> -> memref<8x128xf32, #tpu.memory_space<hbm>>
    tpu.enqueue_dma source(%dma_start3A_428 : memref<8x128xf32, #tpu.memory_space<hbm>>) target(%dma_start3A_426 : memref<8x128xf32, #tpu.memory_space<vmem>>) target_semaphore(%arg14 : memref<!tpu.dma_semaphore, #tpu.memory_space<semaphore_mem>>)
    %slice3A_429 = vector.extract_strided_slice %mul3A_10 {offsets = [13], sizes = [1], strides = [1]} : vector<16xi32> to vector<1xi32>
    %squeeze3A_430 = vector.extract %slice3A_429[0] : i32 from vector<1xi32>
    %multiple_of3A_431 = tpu.assume_multiple %squeeze3A_430, 128 : i32
    %slice3A_432 = vector.extract_strided_slice %mul3A_16 {offsets = [13], sizes = [1], strides = [1]} : vector<16xi32> to vector<1xi32>
    %squeeze3A_433 = vector.extract %slice3A_432[0] : i32 from vector<1xi32>
    %multiple_of3A_434 = tpu.assume_multiple %squeeze3A_433, 128 : i32
    %dma_start3A_435 = arith.constant 13 : i32
    %dma_start3A_436 = arith.constant 0 : i32
    %dma_start3A_437 = arith.constant 0 : i32
    %dma_start3A_438 = tpu.memref_slice %arg9[%dma_start3A_435, %dma_start3A_436, %dma_start3A_437] : memref<16x8x128xf32, #tpu.memory_space<vmem>> -> memref<1x8x128xf32, #tpu.memory_space<vmem>>
    %dma_start3A_439 = tpu.memref_squeeze %dma_start3A_438 : memref<1x8x128xf32, #tpu.memory_space<vmem>> -> memref<8x128xf32, #tpu.memory_space<vmem>>
    %dma_start3A_440 = arith.constant 0 : i32
    %dma_start3A_441 = tpu.memref_slice %arg4[%dma_start3A_440, %multiple_of3A_431] : memref<16x1000000xf32, #tpu.memory_space<hbm>> -> memref<8x128xf32, #tpu.memory_space<hbm>>
    %dma_start3A_442 = arith.constant 0 : i32
    %dma_start3A_443 = arith.constant 0 : i32
    %dma_start3A_444 = tpu.memref_slice %arg9[%dma_start3A_435, %dma_start3A_442, %dma_start3A_443] : memref<16x8x128xf32, #tpu.memory_space<vmem>> -> memref<1x8x128xf32, #tpu.memory_space<vmem>>
    %dma_start3A_445 = tpu.memref_squeeze %dma_start3A_444 : memref<1x8x128xf32, #tpu.memory_space<vmem>> -> memref<8x128xf32, #tpu.memory_space<vmem>>
    %dma_start3A_446 = arith.constant 0 : i32
    %dma_start3A_447 = tpu.memref_slice %arg4[%dma_start3A_446, %multiple_of3A_431] : memref<16x1000000xf32, #tpu.memory_space<hbm>> -> memref<8x128xf32, #tpu.memory_space<hbm>>
    tpu.enqueue_dma source(%dma_start3A_447 : memref<8x128xf32, #tpu.memory_space<hbm>>) target(%dma_start3A_445 : memref<8x128xf32, #tpu.memory_space<vmem>>) target_semaphore(%arg14 : memref<!tpu.dma_semaphore, #tpu.memory_space<semaphore_mem>>)
    %dma_start3A_448 = arith.constant 13 : i32
    %dma_start3A_449 = arith.constant 0 : i32
    %dma_start3A_450 = arith.constant 0 : i32
    %dma_start3A_451 = tpu.memref_slice %arg10[%dma_start3A_448, %dma_start3A_449, %dma_start3A_450] : memref<16x8x128xf32, #tpu.memory_space<vmem>> -> memref<1x8x128xf32, #tpu.memory_space<vmem>>
    %dma_start3A_452 = tpu.memref_squeeze %dma_start3A_451 : memref<1x8x128xf32, #tpu.memory_space<vmem>> -> memref<8x128xf32, #tpu.memory_space<vmem>>
    %dma_start3A_453 = arith.constant 0 : i32
    %dma_start3A_454 = tpu.memref_slice %arg5[%dma_start3A_453, %multiple_of3A_434] : memref<16x1000000xf32, #tpu.memory_space<hbm>> -> memref<8x128xf32, #tpu.memory_space<hbm>>
    %dma_start3A_455 = arith.constant 0 : i32
    %dma_start3A_456 = arith.constant 0 : i32
    %dma_start3A_457 = tpu.memref_slice %arg10[%dma_start3A_448, %dma_start3A_455, %dma_start3A_456] : memref<16x8x128xf32, #tpu.memory_space<vmem>> -> memref<1x8x128xf32, #tpu.memory_space<vmem>>
    %dma_start3A_458 = tpu.memref_squeeze %dma_start3A_457 : memref<1x8x128xf32, #tpu.memory_space<vmem>> -> memref<8x128xf32, #tpu.memory_space<vmem>>
    %dma_start3A_459 = arith.constant 0 : i32
    %dma_start3A_460 = tpu.memref_slice %arg5[%dma_start3A_459, %multiple_of3A_434] : memref<16x1000000xf32, #tpu.memory_space<hbm>> -> memref<8x128xf32, #tpu.memory_space<hbm>>
    tpu.enqueue_dma source(%dma_start3A_460 : memref<8x128xf32, #tpu.memory_space<hbm>>) target(%dma_start3A_458 : memref<8x128xf32, #tpu.memory_space<vmem>>) target_semaphore(%arg14 : memref<!tpu.dma_semaphore, #tpu.memory_space<semaphore_mem>>)
    %slice3A_461 = vector.extract_strided_slice %mul3A_10 {offsets = [14], sizes = [1], strides = [1]} : vector<16xi32> to vector<1xi32>
    %squeeze3A_462 = vector.extract %slice3A_461[0] : i32 from vector<1xi32>
    %multiple_of3A_463 = tpu.assume_multiple %squeeze3A_462, 128 : i32
    %slice3A_464 = vector.extract_strided_slice %mul3A_16 {offsets = [14], sizes = [1], strides = [1]} : vector<16xi32> to vector<1xi32>
    %squeeze3A_465 = vector.extract %slice3A_464[0] : i32 from vector<1xi32>
    %multiple_of3A_466 = tpu.assume_multiple %squeeze3A_465, 128 : i32
    %dma_start3A_467 = arith.constant 14 : i32
    %dma_start3A_468 = arith.constant 0 : i32
    %dma_start3A_469 = arith.constant 0 : i32
    %dma_start3A_470 = tpu.memref_slice %arg9[%dma_start3A_467, %dma_start3A_468, %dma_start3A_469] : memref<16x8x128xf32, #tpu.memory_space<vmem>> -> memref<1x8x128xf32, #tpu.memory_space<vmem>>
    %dma_start3A_471 = tpu.memref_squeeze %dma_start3A_470 : memref<1x8x128xf32, #tpu.memory_space<vmem>> -> memref<8x128xf32, #tpu.memory_space<vmem>>
    %dma_start3A_472 = arith.constant 0 : i32
    %dma_start3A_473 = tpu.memref_slice %arg4[%dma_start3A_472, %multiple_of3A_463] : memref<16x1000000xf32, #tpu.memory_space<hbm>> -> memref<8x128xf32, #tpu.memory_space<hbm>>
    %dma_start3A_474 = arith.constant 0 : i32
    %dma_start3A_475 = arith.constant 0 : i32
    %dma_start3A_476 = tpu.memref_slice %arg9[%dma_start3A_467, %dma_start3A_474, %dma_start3A_475] : memref<16x8x128xf32, #tpu.memory_space<vmem>> -> memref<1x8x128xf32, #tpu.memory_space<vmem>>
    %dma_start3A_477 = tpu.memref_squeeze %dma_start3A_476 : memref<1x8x128xf32, #tpu.memory_space<vmem>> -> memref<8x128xf32, #tpu.memory_space<vmem>>
    %dma_start3A_478 = arith.constant 0 : i32
    %dma_start3A_479 = tpu.memref_slice %arg4[%dma_start3A_478, %multiple_of3A_463] : memref<16x1000000xf32, #tpu.memory_space<hbm>> -> memref<8x128xf32, #tpu.memory_space<hbm>>
    tpu.enqueue_dma source(%dma_start3A_479 : memref<8x128xf32, #tpu.memory_space<hbm>>) target(%dma_start3A_477 : memref<8x128xf32, #tpu.memory_space<vmem>>) target_semaphore(%arg14 : memref<!tpu.dma_semaphore, #tpu.memory_space<semaphore_mem>>)
    %dma_start3A_480 = arith.constant 14 : i32
    %dma_start3A_481 = arith.constant 0 : i32
    %dma_start3A_482 = arith.constant 0 : i32
    %dma_start3A_483 = tpu.memref_slice %arg10[%dma_start3A_480, %dma_start3A_481, %dma_start3A_482] : memref<16x8x128xf32, #tpu.memory_space<vmem>> -> memref<1x8x128xf32, #tpu.memory_space<vmem>>
    %dma_start3A_484 = tpu.memref_squeeze %dma_start3A_483 : memref<1x8x128xf32, #tpu.memory_space<vmem>> -> memref<8x128xf32, #tpu.memory_space<vmem>>
    %dma_start3A_485 = arith.constant 0 : i32
    %dma_start3A_486 = tpu.memref_slice %arg5[%dma_start3A_485, %multiple_of3A_466] : memref<16x1000000xf32, #tpu.memory_space<hbm>> -> memref<8x128xf32, #tpu.memory_space<hbm>>
    %dma_start3A_487 = arith.constant 0 : i32
    %dma_start3A_488 = arith.constant 0 : i32
    %dma_start3A_489 = tpu.memref_slice %arg10[%dma_start3A_480, %dma_start3A_487, %dma_start3A_488] : memref<16x8x128xf32, #tpu.memory_space<vmem>> -> memref<1x8x128xf32, #tpu.memory_space<vmem>>
    %dma_start3A_490 = tpu.memref_squeeze %dma_start3A_489 : memref<1x8x128xf32, #tpu.memory_space<vmem>> -> memref<8x128xf32, #tpu.memory_space<vmem>>
    %dma_start3A_491 = arith.constant 0 : i32
    %dma_start3A_492 = tpu.memref_slice %arg5[%dma_start3A_491, %multiple_of3A_466] : memref<16x1000000xf32, #tpu.memory_space<hbm>> -> memref<8x128xf32, #tpu.memory_space<hbm>>
    tpu.enqueue_dma source(%dma_start3A_492 : memref<8x128xf32, #tpu.memory_space<hbm>>) target(%dma_start3A_490 : memref<8x128xf32, #tpu.memory_space<vmem>>) target_semaphore(%arg14 : memref<!tpu.dma_semaphore, #tpu.memory_space<semaphore_mem>>)
    %slice3A_493 = vector.extract_strided_slice %mul3A_10 {offsets = [15], sizes = [1], strides = [1]} : vector<16xi32> to vector<1xi32>
    %squeeze3A_494 = vector.extract %slice3A_493[0] : i32 from vector<1xi32>
    %multiple_of3A_495 = tpu.assume_multiple %squeeze3A_494, 128 : i32
    %slice3A_496 = vector.extract_strided_slice %mul3A_16 {offsets = [15], sizes = [1], strides = [1]} : vector<16xi32> to vector<1xi32>
    %squeeze3A_497 = vector.extract %slice3A_496[0] : i32 from vector<1xi32>
    %multiple_of3A_498 = tpu.assume_multiple %squeeze3A_497, 128 : i32
    %dma_start3A_499 = arith.constant 15 : i32
    %dma_start3A_500 = arith.constant 0 : i32
    %dma_start3A_501 = arith.constant 0 : i32
    %dma_start3A_502 = tpu.memref_slice %arg9[%dma_start3A_499, %dma_start3A_500, %dma_start3A_501] : memref<16x8x128xf32, #tpu.memory_space<vmem>> -> memref<1x8x128xf32, #tpu.memory_space<vmem>>
    %dma_start3A_503 = tpu.memref_squeeze %dma_start3A_502 : memref<1x8x128xf32, #tpu.memory_space<vmem>> -> memref<8x128xf32, #tpu.memory_space<vmem>>
    %dma_start3A_504 = arith.constant 0 : i32
    %dma_start3A_505 = tpu.memref_slice %arg4[%dma_start3A_504, %multiple_of3A_495] : memref<16x1000000xf32, #tpu.memory_space<hbm>> -> memref<8x128xf32, #tpu.memory_space<hbm>>
    %dma_start3A_506 = arith.constant 0 : i32
    %dma_start3A_507 = arith.constant 0 : i32
    %dma_start3A_508 = tpu.memref_slice %arg9[%dma_start3A_499, %dma_start3A_506, %dma_start3A_507] : memref<16x8x128xf32, #tpu.memory_space<vmem>> -> memref<1x8x128xf32, #tpu.memory_space<vmem>>
    %dma_start3A_509 = tpu.memref_squeeze %dma_start3A_508 : memref<1x8x128xf32, #tpu.memory_space<vmem>> -> memref<8x128xf32, #tpu.memory_space<vmem>>
    %dma_start3A_510 = arith.constant 0 : i32
    %dma_start3A_511 = tpu.memref_slice %arg4[%dma_start3A_510, %multiple_of3A_495] : memref<16x1000000xf32, #tpu.memory_space<hbm>> -> memref<8x128xf32, #tpu.memory_space<hbm>>
    tpu.enqueue_dma source(%dma_start3A_511 : memref<8x128xf32, #tpu.memory_space<hbm>>) target(%dma_start3A_509 : memref<8x128xf32, #tpu.memory_space<vmem>>) target_semaphore(%arg14 : memref<!tpu.dma_semaphore, #tpu.memory_space<semaphore_mem>>)
    %dma_start3A_512 = arith.constant 15 : i32
    %dma_start3A_513 = arith.constant 0 : i32
    %dma_start3A_514 = arith.constant 0 : i32
    %dma_start3A_515 = tpu.memref_slice %arg10[%dma_start3A_512, %dma_start3A_513, %dma_start3A_514] : memref<16x8x128xf32, #tpu.memory_space<vmem>> -> memref<1x8x128xf32, #tpu.memory_space<vmem>>
    %dma_start3A_516 = tpu.memref_squeeze %dma_start3A_515 : memref<1x8x128xf32, #tpu.memory_space<vmem>> -> memref<8x128xf32, #tpu.memory_space<vmem>>
    %dma_start3A_517 = arith.constant 0 : i32
    %dma_start3A_518 = tpu.memref_slice %arg5[%dma_start3A_517, %multiple_of3A_498] : memref<16x1000000xf32, #tpu.memory_space<hbm>> -> memref<8x128xf32, #tpu.memory_space<hbm>>
    %dma_start3A_519 = arith.constant 0 : i32
    %dma_start3A_520 = arith.constant 0 : i32
    %dma_start3A_521 = tpu.memref_slice %arg10[%dma_start3A_512, %dma_start3A_519, %dma_start3A_520] : memref<16x8x128xf32, #tpu.memory_space<vmem>> -> memref<1x8x128xf32, #tpu.memory_space<vmem>>
    %dma_start3A_522 = tpu.memref_squeeze %dma_start3A_521 : memref<1x8x128xf32, #tpu.memory_space<vmem>> -> memref<8x128xf32, #tpu.memory_space<vmem>>
    %dma_start3A_523 = arith.constant 0 : i32
    %dma_start3A_524 = tpu.memref_slice %arg5[%dma_start3A_523, %multiple_of3A_498] : memref<16x1000000xf32, #tpu.memory_space<hbm>> -> memref<8x128xf32, #tpu.memory_space<hbm>>
    tpu.enqueue_dma source(%dma_start3A_524 : memref<8x128xf32, #tpu.memory_space<hbm>>) target(%dma_start3A_522 : memref<8x128xf32, #tpu.memory_space<vmem>>) target_semaphore(%arg14 : memref<!tpu.dma_semaphore, #tpu.memory_space<semaphore_mem>>)
    %scan3A = arith.constant 0 : i32
    %scan3A_525 = arith.constant 0 : i32
    %scan3A_526 = arith.constant 32 : i32
    %scan3A_527 = arith.addi %scan3A_525, %scan3A_526 : i32
    %scan3A_528 = arith.constant 1 : i32
    scf.for %scan3A_530 = %scan3A_525 to %scan3A_527 step %scan3A_528  : i32 {
      %mul3A_531 = arith.constant 16 : i32
      %mul3A_532 = arith.muli %scan3A_530, %mul3A_531 : i32
      %get3A_533 = arith.index_cast %mul3A_532 : i32 to index
      %get3A_534 = tpu.vector_load %arg7[%get3A_533] {strides = array<i32>} : memref<512xi32, #tpu.memory_space<vmem>>, vector<16xi32>,
      %get3A_535 = arith.index_cast %mul3A_532 : i32 to index
      %get3A_536 = tpu.vector_load %arg8[%get3A_535] {strides = array<i32>} : memref<512xi32, #tpu.memory_space<vmem>>, vector<16xi32>,
      %shift_right_arithmetic3A_537 = arith.constant 7 : i32
      %shift_right_arithmetic3A_538 = vector.broadcast %shift_right_arithmetic3A_537 : i32 to vector<16xi32>
      %shift_right_arithmetic3A_539 = arith.shrsi %get3A_534, %shift_right_arithmetic3A_538 : vector<16xi32>
      %mul3A_540 = arith.constant 128 : i32
      %mul3A_541 = vector.broadcast %mul3A_540 : i32 to vector<16xi32>
      %mul3A_542 = arith.muli %shift_right_arithmetic3A_539, %mul3A_541 : vector<16xi32>
      %shift_right_arithmetic3A_543 = arith.constant 7 : i32
      %shift_right_arithmetic3A_544 = vector.broadcast %shift_right_arithmetic3A_543 : i32 to vector<16xi32>
      %shift_right_arithmetic3A_545 = arith.shrsi %get3A_536, %shift_right_arithmetic3A_544 : vector<16xi32>
      %mul3A_546 = arith.constant 128 : i32
      %mul3A_547 = vector.broadcast %mul3A_546 : i32 to vector<16xi32>
      %mul3A_548 = arith.muli %shift_right_arithmetic3A_545, %mul3A_547 : vector<16xi32>
      %slice3A_549 = vector.extract_strided_slice %mul3A_542 {offsets = [0], sizes = [1], strides = [1]} : vector<16xi32> to vector<1xi32>
      %squeeze3A_550 = vector.extract %slice3A_549[0] : i32 from vector<1xi32>
      %multiple_of3A_551 = tpu.assume_multiple %squeeze3A_550, 128 : i32
      %slice3A_552 = vector.extract_strided_slice %mul3A_548 {offsets = [0], sizes = [1], strides = [1]} : vector<16xi32> to vector<1xi32>
      %squeeze3A_553 = vector.extract %slice3A_552[0] : i32 from vector<1xi32>
      %multiple_of3A_554 = tpu.assume_multiple %squeeze3A_553, 128 : i32
      %dma_start3A_555 = arith.constant 0 : i32
      %dma_start3A_556 = arith.constant 0 : i32
      %dma_start3A_557 = arith.constant 0 : i32
      %dma_start3A_558 = tpu.memref_slice %arg11[%dma_start3A_555, %dma_start3A_556, %dma_start3A_557] : memref<16x8x128xf32, #tpu.memory_space<vmem>> -> memref<1x8x128xf32, #tpu.memory_space<vmem>>
      %dma_start3A_559 = tpu.memref_squeeze %dma_start3A_558 : memref<1x8x128xf32, #tpu.memory_space<vmem>> -> memref<8x128xf32, #tpu.memory_space<vmem>>
      %dma_start3A_560 = arith.constant 8 : i32
      %dma_start3A_561 = tpu.memref_slice %arg4[%dma_start3A_560, %multiple_of3A_551] : memref<16x1000000xf32, #tpu.memory_space<hbm>> -> memref<8x128xf32, #tpu.memory_space<hbm>>
      %dma_start3A_562 = arith.constant 0 : i32
      %dma_start3A_563 = arith.constant 0 : i32
      %dma_start3A_564 = tpu.memref_slice %arg11[%dma_start3A_555, %dma_start3A_562, %dma_start3A_563] : memref<16x8x128xf32, #tpu.memory_space<vmem>> -> memref<1x8x128xf32, #tpu.memory_space<vmem>>
      %dma_start3A_565 = tpu.memref_squeeze %dma_start3A_564 : memref<1x8x128xf32, #tpu.memory_space<vmem>> -> memref<8x128xf32, #tpu.memory_space<vmem>>
      %dma_start3A_566 = arith.constant 8 : i32
      %dma_start3A_567 = tpu.memref_slice %arg4[%dma_start3A_566, %multiple_of3A_551] : memref<16x1000000xf32, #tpu.memory_space<hbm>> -> memref<8x128xf32, #tpu.memory_space<hbm>>
      tpu.enqueue_dma source(%dma_start3A_567 : memref<8x128xf32, #tpu.memory_space<hbm>>) target(%dma_start3A_565 : memref<8x128xf32, #tpu.memory_space<vmem>>) target_semaphore(%arg15 : memref<!tpu.dma_semaphore, #tpu.memory_space<semaphore_mem>>)
      %dma_start3A_568 = arith.constant 0 : i32
      %dma_start3A_569 = arith.constant 0 : i32
      %dma_start3A_570 = arith.constant 0 : i32
      %dma_start3A_571 = tpu.memref_slice %arg12[%dma_start3A_568, %dma_start3A_569, %dma_start3A_570] : memref<16x8x128xf32, #tpu.memory_space<vmem>> -> memref<1x8x128xf32, #tpu.memory_space<vmem>>
      %dma_start3A_572 = tpu.memref_squeeze %dma_start3A_571 : memref<1x8x128xf32, #tpu.memory_space<vmem>> -> memref<8x128xf32, #tpu.memory_space<vmem>>
      %dma_start3A_573 = arith.constant 8 : i32
      %dma_start3A_574 = tpu.memref_slice %arg5[%dma_start3A_573, %multiple_of3A_554] : memref<16x1000000xf32, #tpu.memory_space<hbm>> -> memref<8x128xf32, #tpu.memory_space<hbm>>
      %dma_start3A_575 = arith.constant 0 : i32
      %dma_start3A_576 = arith.constant 0 : i32
      %dma_start3A_577 = tpu.memref_slice %arg12[%dma_start3A_568, %dma_start3A_575, %dma_start3A_576] : memref<16x8x128xf32, #tpu.memory_space<vmem>> -> memref<1x8x128xf32, #tpu.memory_space<vmem>>
      %dma_start3A_578 = tpu.memref_squeeze %dma_start3A_577 : memref<1x8x128xf32, #tpu.memory_space<vmem>> -> memref<8x128xf32, #tpu.memory_space<vmem>>
      %dma_start3A_579 = arith.constant 8 : i32
      %dma_start3A_580 = tpu.memref_slice %arg5[%dma_start3A_579, %multiple_of3A_554] : memref<16x1000000xf32, #tpu.memory_space<hbm>> -> memref<8x128xf32, #tpu.memory_space<hbm>>
      tpu.enqueue_dma source(%dma_start3A_580 : memref<8x128xf32, #tpu.memory_space<hbm>>) target(%dma_start3A_578 : memref<8x128xf32, #tpu.memory_space<vmem>>) target_semaphore(%arg15 : memref<!tpu.dma_semaphore, #tpu.memory_space<semaphore_mem>>)
      %slice3A_581 = vector.extract_strided_slice %mul3A_542 {offsets = [1], sizes = [1], strides = [1]} : vector<16xi32> to vector<1xi32>
      %squeeze3A_582 = vector.extract %slice3A_581[0] : i32 from vector<1xi32>
      %multiple_of3A_583 = tpu.assume_multiple %squeeze3A_582, 128 : i32
      %slice3A_584 = vector.extract_strided_slice %mul3A_548 {offsets = [1], sizes = [1], strides = [1]} : vector<16xi32> to vector<1xi32>
      %squeeze3A_585 = vector.extract %slice3A_584[0] : i32 from vector<1xi32>
      %multiple_of3A_586 = tpu.assume_multiple %squeeze3A_585, 128 : i32
      %dma_start3A_587 = arith.constant 1 : i32
      %dma_start3A_588 = arith.constant 0 : i32
      %dma_start3A_589 = arith.constant 0 : i32
      %dma_start3A_590 = tpu.memref_slice %arg11[%dma_start3A_587, %dma_start3A_588, %dma_start3A_589] : memref<16x8x128xf32, #tpu.memory_space<vmem>> -> memref<1x8x128xf32, #tpu.memory_space<vmem>>
      %dma_start3A_591 = tpu.memref_squeeze %dma_start3A_590 : memref<1x8x128xf32, #tpu.memory_space<vmem>> -> memref<8x128xf32, #tpu.memory_space<vmem>>
      %dma_start3A_592 = arith.constant 8 : i32
      %dma_start3A_593 = tpu.memref_slice %arg4[%dma_start3A_592, %multiple_of3A_583] : memref<16x1000000xf32, #tpu.memory_space<hbm>> -> memref<8x128xf32, #tpu.memory_space<hbm>>
      %dma_start3A_594 = arith.constant 0 : i32
      %dma_start3A_595 = arith.constant 0 : i32
      %dma_start3A_596 = tpu.memref_slice %arg11[%dma_start3A_587, %dma_start3A_594, %dma_start3A_595] : memref<16x8x128xf32, #tpu.memory_space<vmem>> -> memref<1x8x128xf32, #tpu.memory_space<vmem>>
      %dma_start3A_597 = tpu.memref_squeeze %dma_start3A_596 : memref<1x8x128xf32, #tpu.memory_space<vmem>> -> memref<8x128xf32, #tpu.memory_space<vmem>>
      %dma_start3A_598 = arith.constant 8 : i32
      %dma_start3A_599 = tpu.memref_slice %arg4[%dma_start3A_598, %multiple_of3A_583] : memref<16x1000000xf32, #tpu.memory_space<hbm>> -> memref<8x128xf32, #tpu.memory_space<hbm>>
      tpu.enqueue_dma source(%dma_start3A_599 : memref<8x128xf32, #tpu.memory_space<hbm>>) target(%dma_start3A_597 : memref<8x128xf32, #tpu.memory_space<vmem>>) target_semaphore(%arg15 : memref<!tpu.dma_semaphore, #tpu.memory_space<semaphore_mem>>)
      %dma_start3A_600 = arith.constant 1 : i32
      %dma_start3A_601 = arith.constant 0 : i32
      %dma_start3A_602 = arith.constant 0 : i32
      %dma_start3A_603 = tpu.memref_slice %arg12[%dma_start3A_600, %dma_start3A_601, %dma_start3A_602] : memref<16x8x128xf32, #tpu.memory_space<vmem>> -> memref<1x8x128xf32, #tpu.memory_space<vmem>>
      %dma_start3A_604 = tpu.memref_squeeze %dma_start3A_603 : memref<1x8x128xf32, #tpu.memory_space<vmem>> -> memref<8x128xf32, #tpu.memory_space<vmem>>
      %dma_start3A_605 = arith.constant 8 : i32
      %dma_start3A_606 = tpu.memref_slice %arg5[%dma_start3A_605, %multiple_of3A_586] : memref<16x1000000xf32, #tpu.memory_space<hbm>> -> memref<8x128xf32, #tpu.memory_space<hbm>>
      %dma_start3A_607 = arith.constant 0 : i32
      %dma_start3A_608 = arith.constant 0 : i32
      %dma_start3A_609 = tpu.memref_slice %arg12[%dma_start3A_600, %dma_start3A_607, %dma_start3A_608] : memref<16x8x128xf32, #tpu.memory_space<vmem>> -> memref<1x8x128xf32, #tpu.memory_space<vmem>>
      %dma_start3A_610 = tpu.memref_squeeze %dma_start3A_609 : memref<1x8x128xf32, #tpu.memory_space<vmem>> -> memref<8x128xf32, #tpu.memory_space<vmem>>
      %dma_start3A_611 = arith.constant 8 : i32
      %dma_start3A_612 = tpu.memref_slice %arg5[%dma_start3A_611, %multiple_of3A_586] : memref<16x1000000xf32, #tpu.memory_space<hbm>> -> memref<8x128xf32, #tpu.memory_space<hbm>>
      tpu.enqueue_dma source(%dma_start3A_612 : memref<8x128xf32, #tpu.memory_space<hbm>>) target(%dma_start3A_610 : memref<8x128xf32, #tpu.memory_space<vmem>>) target_semaphore(%arg15 : memref<!tpu.dma_semaphore, #tpu.memory_space<semaphore_mem>>)
      %slice3A_613 = vector.extract_strided_slice %mul3A_542 {offsets = [2], sizes = [1], strides = [1]} : vector<16xi32> to vector<1xi32>
      %squeeze3A_614 = vector.extract %slice3A_613[0] : i32 from vector<1xi32>
      %multiple_of3A_615 = tpu.assume_multiple %squeeze3A_614, 128 : i32
      %slice3A_616 = vector.extract_strided_slice %mul3A_548 {offsets = [2], sizes = [1], strides = [1]} : vector<16xi32> to vector<1xi32>
      %squeeze3A_617 = vector.extract %slice3A_616[0] : i32 from vector<1xi32>
      %multiple_of3A_618 = tpu.assume_multiple %squeeze3A_617, 128 : i32
      %dma_start3A_619 = arith.constant 2 : i32
      %dma_start3A_620 = arith.constant 0 : i32
      %dma_start3A_621 = arith.constant 0 : i32
      %dma_start3A_622 = tpu.memref_slice %arg11[%dma_start3A_619, %dma_start3A_620, %dma_start3A_621] : memref<16x8x128xf32, #tpu.memory_space<vmem>> -> memref<1x8x128xf32, #tpu.memory_space<vmem>>
      %dma_start3A_623 = tpu.memref_squeeze %dma_start3A_622 : memref<1x8x128xf32, #tpu.memory_space<vmem>> -> memref<8x128xf32, #tpu.memory_space<vmem>>
      %dma_start3A_624 = arith.constant 8 : i32
      %dma_start3A_625 = tpu.memref_slice %arg4[%dma_start3A_624, %multiple_of3A_615] : memref<16x1000000xf32, #tpu.memory_space<hbm>> -> memref<8x128xf32, #tpu.memory_space<hbm>>
      %dma_start3A_626 = arith.constant 0 : i32
      %dma_start3A_627 = arith.constant 0 : i32
      %dma_start3A_628 = tpu.memref_slice %arg11[%dma_start3A_619, %dma_start3A_626, %dma_start3A_627] : memref<16x8x128xf32, #tpu.memory_space<vmem>> -> memref<1x8x128xf32, #tpu.memory_space<vmem>>
      %dma_start3A_629 = tpu.memref_squeeze %dma_start3A_628 : memref<1x8x128xf32, #tpu.memory_space<vmem>> -> memref<8x128xf32, #tpu.memory_space<vmem>>
      %dma_start3A_630 = arith.constant 8 : i32
      %dma_start3A_631 = tpu.memref_slice %arg4[%dma_start3A_630, %multiple_of3A_615] : memref<16x1000000xf32, #tpu.memory_space<hbm>> -> memref<8x128xf32, #tpu.memory_space<hbm>>
      tpu.enqueue_dma source(%dma_start3A_631 : memref<8x128xf32, #tpu.memory_space<hbm>>) target(%dma_start3A_629 : memref<8x128xf32, #tpu.memory_space<vmem>>) target_semaphore(%arg15 : memref<!tpu.dma_semaphore, #tpu.memory_space<semaphore_mem>>)
      %dma_start3A_632 = arith.constant 2 : i32
      %dma_start3A_633 = arith.constant 0 : i32
      %dma_start3A_634 = arith.constant 0 : i32
      %dma_start3A_635 = tpu.memref_slice %arg12[%dma_start3A_632, %dma_start3A_633, %dma_start3A_634] : memref<16x8x128xf32, #tpu.memory_space<vmem>> -> memref<1x8x128xf32, #tpu.memory_space<vmem>>
      %dma_start3A_636 = tpu.memref_squeeze %dma_start3A_635 : memref<1x8x128xf32, #tpu.memory_space<vmem>> -> memref<8x128xf32, #tpu.memory_space<vmem>>
      %dma_start3A_637 = arith.constant 8 : i32
      %dma_start3A_638 = tpu.memref_slice %arg5[%dma_start3A_637, %multiple_of3A_618] : memref<16x1000000xf32, #tpu.memory_space<hbm>> -> memref<8x128xf32, #tpu.memory_space<hbm>>
      %dma_start3A_639 = arith.constant 0 : i32
      %dma_start3A_640 = arith.constant 0 : i32
      %dma_start3A_641 = tpu.memref_slice %arg12[%dma_start3A_632, %dma_start3A_639, %dma_start3A_640] : memref<16x8x128xf32, #tpu.memory_space<vmem>> -> memref<1x8x128xf32, #tpu.memory_space<vmem>>
      %dma_start3A_642 = tpu.memref_squeeze %dma_start3A_641 : memref<1x8x128xf32, #tpu.memory_space<vmem>> -> memref<8x128xf32, #tpu.memory_space<vmem>>
      %dma_start3A_643 = arith.constant 8 : i32
      %dma_start3A_644 = tpu.memref_slice %arg5[%dma_start3A_643, %multiple_of3A_618] : memref<16x1000000xf32, #tpu.memory_space<hbm>> -> memref<8x128xf32, #tpu.memory_space<hbm>>
      tpu.enqueue_dma source(%dma_start3A_644 : memref<8x128xf32, #tpu.memory_space<hbm>>) target(%dma_start3A_642 : memref<8x128xf32, #tpu.memory_space<vmem>>) target_semaphore(%arg15 : memref<!tpu.dma_semaphore, #tpu.memory_space<semaphore_mem>>)
      %slice3A_645 = vector.extract_strided_slice %mul3A_542 {offsets = [3], sizes = [1], strides = [1]} : vector<16xi32> to vector<1xi32>
      %squeeze3A_646 = vector.extract %slice3A_645[0] : i32 from vector<1xi32>
      %multiple_of3A_647 = tpu.assume_multiple %squeeze3A_646, 128 : i32
      %slice3A_648 = vector.extract_strided_slice %mul3A_548 {offsets = [3], sizes = [1], strides = [1]} : vector<16xi32> to vector<1xi32>
      %squeeze3A_649 = vector.extract %slice3A_648[0] : i32 from vector<1xi32>
      %multiple_of3A_650 = tpu.assume_multiple %squeeze3A_649, 128 : i32
      %dma_start3A_651 = arith.constant 3 : i32
      %dma_start3A_652 = arith.constant 0 : i32
      %dma_start3A_653 = arith.constant 0 : i32
      %dma_start3A_654 = tpu.memref_slice %arg11[%dma_start3A_651, %dma_start3A_652, %dma_start3A_653] : memref<16x8x128xf32, #tpu.memory_space<vmem>> -> memref<1x8x128xf32, #tpu.memory_space<vmem>>
      %dma_start3A_655 = tpu.memref_squeeze %dma_start3A_654 : memref<1x8x128xf32, #tpu.memory_space<vmem>> -> memref<8x128xf32, #tpu.memory_space<vmem>>
      %dma_start3A_656 = arith.constant 8 : i32
      %dma_start3A_657 = tpu.memref_slice %arg4[%dma_start3A_656, %multiple_of3A_647] : memref<16x1000000xf32, #tpu.memory_space<hbm>> -> memref<8x128xf32, #tpu.memory_space<hbm>>
      %dma_start3A_658 = arith.constant 0 : i32
      %dma_start3A_659 = arith.constant 0 : i32
      %dma_start3A_660 = tpu.memref_slice %arg11[%dma_start3A_651, %dma_start3A_658, %dma_start3A_659] : memref<16x8x128xf32, #tpu.memory_space<vmem>> -> memref<1x8x128xf32, #tpu.memory_space<vmem>>
      %dma_start3A_661 = tpu.memref_squeeze %dma_start3A_660 : memref<1x8x128xf32, #tpu.memory_space<vmem>> -> memref<8x128xf32, #tpu.memory_space<vmem>>
      %dma_start3A_662 = arith.constant 8 : i32
      %dma_start3A_663 = tpu.memref_slice %arg4[%dma_start3A_662, %multiple_of3A_647] : memref<16x1000000xf32, #tpu.memory_space<hbm>> -> memref<8x128xf32, #tpu.memory_space<hbm>>
      tpu.enqueue_dma source(%dma_start3A_663 : memref<8x128xf32, #tpu.memory_space<hbm>>) target(%dma_start3A_661 : memref<8x128xf32, #tpu.memory_space<vmem>>) target_semaphore(%arg15 : memref<!tpu.dma_semaphore, #tpu.memory_space<semaphore_mem>>)
      %dma_start3A_664 = arith.constant 3 : i32
      %dma_start3A_665 = arith.constant 0 : i32
      %dma_start3A_666 = arith.constant 0 : i32
      %dma_start3A_667 = tpu.memref_slice %arg12[%dma_start3A_664, %dma_start3A_665, %dma_start3A_666] : memref<16x8x128xf32, #tpu.memory_space<vmem>> -> memref<1x8x128xf32, #tpu.memory_space<vmem>>
      %dma_start3A_668 = tpu.memref_squeeze %dma_start3A_667 : memref<1x8x128xf32, #tpu.memory_space<vmem>> -> memref<8x128xf32, #tpu.memory_space<vmem>>
      %dma_start3A_669 = arith.constant 8 : i32
      %dma_start3A_670 = tpu.memref_slice %arg5[%dma_start3A_669, %multiple_of3A_650] : memref<16x1000000xf32, #tpu.memory_space<hbm>> -> memref<8x128xf32, #tpu.memory_space<hbm>>
      %dma_start3A_671 = arith.constant 0 : i32
      %dma_start3A_672 = arith.constant 0 : i32
      %dma_start3A_673 = tpu.memref_slice %arg12[%dma_start3A_664, %dma_start3A_671, %dma_start3A_672] : memref<16x8x128xf32, #tpu.memory_space<vmem>> -> memref<1x8x128xf32, #tpu.memory_space<vmem>>
      %dma_start3A_674 = tpu.memref_squeeze %dma_start3A_673 : memref<1x8x128xf32, #tpu.memory_space<vmem>> -> memref<8x128xf32, #tpu.memory_space<vmem>>
      %dma_start3A_675 = arith.constant 8 : i32
      %dma_start3A_676 = tpu.memref_slice %arg5[%dma_start3A_675, %multiple_of3A_650] : memref<16x1000000xf32, #tpu.memory_space<hbm>> -> memref<8x128xf32, #tpu.memory_space<hbm>>
      tpu.enqueue_dma source(%dma_start3A_676 : memref<8x128xf32, #tpu.memory_space<hbm>>) target(%dma_start3A_674 : memref<8x128xf32, #tpu.memory_space<vmem>>) target_semaphore(%arg15 : memref<!tpu.dma_semaphore, #tpu.memory_space<semaphore_mem>>)
      %slice3A_677 = vector.extract_strided_slice %mul3A_542 {offsets = [4], sizes = [1], strides = [1]} : vector<16xi32> to vector<1xi32>
      %squeeze3A_678 = vector.extract %slice3A_677[0] : i32 from vector<1xi32>
      %multiple_of3A_679 = tpu.assume_multiple %squeeze3A_678, 128 : i32
      %slice3A_680 = vector.extract_strided_slice %mul3A_548 {offsets = [4], sizes = [1], strides = [1]} : vector<16xi32> to vector<1xi32>
      %squeeze3A_681 = vector.extract %slice3A_680[0] : i32 from vector<1xi32>
      %multiple_of3A_682 = tpu.assume_multiple %squeeze3A_681, 128 : i32
      %dma_start3A_683 = arith.constant 4 : i32
      %dma_start3A_684 = arith.constant 0 : i32
      %dma_start3A_685 = arith.constant 0 : i32
      %dma_start3A_686 = tpu.memref_slice %arg11[%dma_start3A_683, %dma_start3A_684, %dma_start3A_685] : memref<16x8x128xf32, #tpu.memory_space<vmem>> -> memref<1x8x128xf32, #tpu.memory_space<vmem>>
      %dma_start3A_687 = tpu.memref_squeeze %dma_start3A_686 : memref<1x8x128xf32, #tpu.memory_space<vmem>> -> memref<8x128xf32, #tpu.memory_space<vmem>>
      %dma_start3A_688 = arith.constant 8 : i32
      %dma_start3A_689 = tpu.memref_slice %arg4[%dma_start3A_688, %multiple_of3A_679] : memref<16x1000000xf32, #tpu.memory_space<hbm>> -> memref<8x128xf32, #tpu.memory_space<hbm>>
      %dma_start3A_690 = arith.constant 0 : i32
      %dma_start3A_691 = arith.constant 0 : i32
      %dma_start3A_692 = tpu.memref_slice %arg11[%dma_start3A_683, %dma_start3A_690, %dma_start3A_691] : memref<16x8x128xf32, #tpu.memory_space<vmem>> -> memref<1x8x128xf32, #tpu.memory_space<vmem>>
      %dma_start3A_693 = tpu.memref_squeeze %dma_start3A_692 : memref<1x8x128xf32, #tpu.memory_space<vmem>> -> memref<8x128xf32, #tpu.memory_space<vmem>>
      %dma_start3A_694 = arith.constant 8 : i32
      %dma_start3A_695 = tpu.memref_slice %arg4[%dma_start3A_694, %multiple_of3A_679] : memref<16x1000000xf32, #tpu.memory_space<hbm>> -> memref<8x128xf32, #tpu.memory_space<hbm>>
      tpu.enqueue_dma source(%dma_start3A_695 : memref<8x128xf32, #tpu.memory_space<hbm>>) target(%dma_start3A_693 : memref<8x128xf32, #tpu.memory_space<vmem>>) target_semaphore(%arg15 : memref<!tpu.dma_semaphore, #tpu.memory_space<semaphore_mem>>)
      %dma_start3A_696 = arith.constant 4 : i32
      %dma_start3A_697 = arith.constant 0 : i32
      %dma_start3A_698 = arith.constant 0 : i32
      %dma_start3A_699 = tpu.memref_slice %arg12[%dma_start3A_696, %dma_start3A_697, %dma_start3A_698] : memref<16x8x128xf32, #tpu.memory_space<vmem>> -> memref<1x8x128xf32, #tpu.memory_space<vmem>>
      %dma_start3A_700 = tpu.memref_squeeze %dma_start3A_699 : memref<1x8x128xf32, #tpu.memory_space<vmem>> -> memref<8x128xf32, #tpu.memory_space<vmem>>
      %dma_start3A_701 = arith.constant 8 : i32
      %dma_start3A_702 = tpu.memref_slice %arg5[%dma_start3A_701, %multiple_of3A_682] : memref<16x1000000xf32, #tpu.memory_space<hbm>> -> memref<8x128xf32, #tpu.memory_space<hbm>>
      %dma_start3A_703 = arith.constant 0 : i32
      %dma_start3A_704 = arith.constant 0 : i32
      %dma_start3A_705 = tpu.memref_slice %arg12[%dma_start3A_696, %dma_start3A_703, %dma_start3A_704] : memref<16x8x128xf32, #tpu.memory_space<vmem>> -> memref<1x8x128xf32, #tpu.memory_space<vmem>>
      %dma_start3A_706 = tpu.memref_squeeze %dma_start3A_705 : memref<1x8x128xf32, #tpu.memory_space<vmem>> -> memref<8x128xf32, #tpu.memory_space<vmem>>
      %dma_start3A_707 = arith.constant 8 : i32
      %dma_start3A_708 = tpu.memref_slice %arg5[%dma_start3A_707, %multiple_of3A_682] : memref<16x1000000xf32, #tpu.memory_space<hbm>> -> memref<8x128xf32, #tpu.memory_space<hbm>>
      tpu.enqueue_dma source(%dma_start3A_708 : memref<8x128xf32, #tpu.memory_space<hbm>>) target(%dma_start3A_706 : memref<8x128xf32, #tpu.memory_space<vmem>>) target_semaphore(%arg15 : memref<!tpu.dma_semaphore, #tpu.memory_space<semaphore_mem>>)
      %slice3A_709 = vector.extract_strided_slice %mul3A_542 {offsets = [5], sizes = [1], strides = [1]} : vector<16xi32> to vector<1xi32>
      %squeeze3A_710 = vector.extract %slice3A_709[0] : i32 from vector<1xi32>
      %multiple_of3A_711 = tpu.assume_multiple %squeeze3A_710, 128 : i32
      %slice3A_712 = vector.extract_strided_slice %mul3A_548 {offsets = [5], sizes = [1], strides = [1]} : vector<16xi32> to vector<1xi32>
      %squeeze3A_713 = vector.extract %slice3A_712[0] : i32 from vector<1xi32>
      %multiple_of3A_714 = tpu.assume_multiple %squeeze3A_713, 128 : i32
      %dma_start3A_715 = arith.constant 5 : i32
      %dma_start3A_716 = arith.constant 0 : i32
      %dma_start3A_717 = arith.constant 0 : i32
      %dma_start3A_718 = tpu.memref_slice %arg11[%dma_start3A_715, %dma_start3A_716, %dma_start3A_717] : memref<16x8x128xf32, #tpu.memory_space<vmem>> -> memref<1x8x128xf32, #tpu.memory_space<vmem>>
      %dma_start3A_719 = tpu.memref_squeeze %dma_start3A_718 : memref<1x8x128xf32, #tpu.memory_space<vmem>> -> memref<8x128xf32, #tpu.memory_space<vmem>>
      %dma_start3A_720 = arith.constant 8 : i32
      %dma_start3A_721 = tpu.memref_slice %arg4[%dma_start3A_720, %multiple_of3A_711] : memref<16x1000000xf32, #tpu.memory_space<hbm>> -> memref<8x128xf32, #tpu.memory_space<hbm>>
      %dma_start3A_722 = arith.constant 0 : i32
      %dma_start3A_723 = arith.constant 0 : i32
      %dma_start3A_724 = tpu.memref_slice %arg11[%dma_start3A_715, %dma_start3A_722, %dma_start3A_723] : memref<16x8x128xf32, #tpu.memory_space<vmem>> -> memref<1x8x128xf32, #tpu.memory_space<vmem>>
      %dma_start3A_725 = tpu.memref_squeeze %dma_start3A_724 : memref<1x8x128xf32, #tpu.memory_space<vmem>> -> memref<8x128xf32, #tpu.memory_space<vmem>>
      %dma_start3A_726 = arith.constant 8 : i32
      %dma_start3A_727 = tpu.memref_slice %arg4[%dma_start3A_726, %multiple_of3A_711] : memref<16x1000000xf32, #tpu.memory_space<hbm>> -> memref<8x128xf32, #tpu.memory_space<hbm>>
      tpu.enqueue_dma source(%dma_start3A_727 : memref<8x128xf32, #tpu.memory_space<hbm>>) target(%dma_start3A_725 : memref<8x128xf32, #tpu.memory_space<vmem>>) target_semaphore(%arg15 : memref<!tpu.dma_semaphore, #tpu.memory_space<semaphore_mem>>)
      %dma_start3A_728 = arith.constant 5 : i32
      %dma_start3A_729 = arith.constant 0 : i32
      %dma_start3A_730 = arith.constant 0 : i32
      %dma_start3A_731 = tpu.memref_slice %arg12[%dma_start3A_728, %dma_start3A_729, %dma_start3A_730] : memref<16x8x128xf32, #tpu.memory_space<vmem>> -> memref<1x8x128xf32, #tpu.memory_space<vmem>>
      %dma_start3A_732 = tpu.memref_squeeze %dma_start3A_731 : memref<1x8x128xf32, #tpu.memory_space<vmem>> -> memref<8x128xf32, #tpu.memory_space<vmem>>
      %dma_start3A_733 = arith.constant 8 : i32
      %dma_start3A_734 = tpu.memref_slice %arg5[%dma_start3A_733, %multiple_of3A_714] : memref<16x1000000xf32, #tpu.memory_space<hbm>> -> memref<8x128xf32, #tpu.memory_space<hbm>>
      %dma_start3A_735 = arith.constant 0 : i32
      %dma_start3A_736 = arith.constant 0 : i32
      %dma_start3A_737 = tpu.memref_slice %arg12[%dma_start3A_728, %dma_start3A_735, %dma_start3A_736] : memref<16x8x128xf32, #tpu.memory_space<vmem>> -> memref<1x8x128xf32, #tpu.memory_space<vmem>>
      %dma_start3A_738 = tpu.memref_squeeze %dma_start3A_737 : memref<1x8x128xf32, #tpu.memory_space<vmem>> -> memref<8x128xf32, #tpu.memory_space<vmem>>
      %dma_start3A_739 = arith.constant 8 : i32
      %dma_start3A_740 = tpu.memref_slice %arg5[%dma_start3A_739, %multiple_of3A_714] : memref<16x1000000xf32, #tpu.memory_space<hbm>> -> memref<8x128xf32, #tpu.memory_space<hbm>>
      tpu.enqueue_dma source(%dma_start3A_740 : memref<8x128xf32, #tpu.memory_space<hbm>>) target(%dma_start3A_738 : memref<8x128xf32, #tpu.memory_space<vmem>>) target_semaphore(%arg15 : memref<!tpu.dma_semaphore, #tpu.memory_space<semaphore_mem>>)
      %slice3A_741 = vector.extract_strided_slice %mul3A_542 {offsets = [6], sizes = [1], strides = [1]} : vector<16xi32> to vector<1xi32>
      %squeeze3A_742 = vector.extract %slice3A_741[0] : i32 from vector<1xi32>
      %multiple_of3A_743 = tpu.assume_multiple %squeeze3A_742, 128 : i32
      %slice3A_744 = vector.extract_strided_slice %mul3A_548 {offsets = [6], sizes = [1], strides = [1]} : vector<16xi32> to vector<1xi32>
      %squeeze3A_745 = vector.extract %slice3A_744[0] : i32 from vector<1xi32>
      %multiple_of3A_746 = tpu.assume_multiple %squeeze3A_745, 128 : i32
      %dma_start3A_747 = arith.constant 6 : i32
      %dma_start3A_748 = arith.constant 0 : i32
      %dma_start3A_749 = arith.constant 0 : i32
      %dma_start3A_750 = tpu.memref_slice %arg11[%dma_start3A_747, %dma_start3A_748, %dma_start3A_749] : memref<16x8x128xf32, #tpu.memory_space<vmem>> -> memref<1x8x128xf32, #tpu.memory_space<vmem>>
      %dma_start3A_751 = tpu.memref_squeeze %dma_start3A_750 : memref<1x8x128xf32, #tpu.memory_space<vmem>> -> memref<8x128xf32, #tpu.memory_space<vmem>>
      %dma_start3A_752 = arith.constant 8 : i32
      %dma_start3A_753 = tpu.memref_slice %arg4[%dma_start3A_752, %multiple_of3A_743] : memref<16x1000000xf32, #tpu.memory_space<hbm>> -> memref<8x128xf32, #tpu.memory_space<hbm>>
      %dma_start3A_754 = arith.constant 0 : i32
      %dma_start3A_755 = arith.constant 0 : i32
      %dma_start3A_756 = tpu.memref_slice %arg11[%dma_start3A_747, %dma_start3A_754, %dma_start3A_755] : memref<16x8x128xf32, #tpu.memory_space<vmem>> -> memref<1x8x128xf32, #tpu.memory_space<vmem>>
      %dma_start3A_757 = tpu.memref_squeeze %dma_start3A_756 : memref<1x8x128xf32, #tpu.memory_space<vmem>> -> memref<8x128xf32, #tpu.memory_space<vmem>>
      %dma_start3A_758 = arith.constant 8 : i32
      %dma_start3A_759 = tpu.memref_slice %arg4[%dma_start3A_758, %multiple_of3A_743] : memref<16x1000000xf32, #tpu.memory_space<hbm>> -> memref<8x128xf32, #tpu.memory_space<hbm>>
      tpu.enqueue_dma source(%dma_start3A_759 : memref<8x128xf32, #tpu.memory_space<hbm>>) target(%dma_start3A_757 : memref<8x128xf32, #tpu.memory_space<vmem>>) target_semaphore(%arg15 : memref<!tpu.dma_semaphore, #tpu.memory_space<semaphore_mem>>)
      %dma_start3A_760 = arith.constant 6 : i32
      %dma_start3A_761 = arith.constant 0 : i32
      %dma_start3A_762 = arith.constant 0 : i32
      %dma_start3A_763 = tpu.memref_slice %arg12[%dma_start3A_760, %dma_start3A_761, %dma_start3A_762] : memref<16x8x128xf32, #tpu.memory_space<vmem>> -> memref<1x8x128xf32, #tpu.memory_space<vmem>>
      %dma_start3A_764 = tpu.memref_squeeze %dma_start3A_763 : memref<1x8x128xf32, #tpu.memory_space<vmem>> -> memref<8x128xf32, #tpu.memory_space<vmem>>
      %dma_start3A_765 = arith.constant 8 : i32
      %dma_start3A_766 = tpu.memref_slice %arg5[%dma_start3A_765, %multiple_of3A_746] : memref<16x1000000xf32, #tpu.memory_space<hbm>> -> memref<8x128xf32, #tpu.memory_space<hbm>>
      %dma_start3A_767 = arith.constant 0 : i32
      %dma_start3A_768 = arith.constant 0 : i32
      %dma_start3A_769 = tpu.memref_slice %arg12[%dma_start3A_760, %dma_start3A_767, %dma_start3A_768] : memref<16x8x128xf32, #tpu.memory_space<vmem>> -> memref<1x8x128xf32, #tpu.memory_space<vmem>>
      %dma_start3A_770 = tpu.memref_squeeze %dma_start3A_769 : memref<1x8x128xf32, #tpu.memory_space<vmem>> -> memref<8x128xf32, #tpu.memory_space<vmem>>
      %dma_start3A_771 = arith.constant 8 : i32
      %dma_start3A_772 = tpu.memref_slice %arg5[%dma_start3A_771, %multiple_of3A_746] : memref<16x1000000xf32, #tpu.memory_space<hbm>> -> memref<8x128xf32, #tpu.memory_space<hbm>>
      tpu.enqueue_dma source(%dma_start3A_772 : memref<8x128xf32, #tpu.memory_space<hbm>>) target(%dma_start3A_770 : memref<8x128xf32, #tpu.memory_space<vmem>>) target_semaphore(%arg15 : memref<!tpu.dma_semaphore, #tpu.memory_space<semaphore_mem>>)
      %slice3A_773 = vector.extract_strided_slice %mul3A_542 {offsets = [7], sizes = [1], strides = [1]} : vector<16xi32> to vector<1xi32>
      %squeeze3A_774 = vector.extract %slice3A_773[0] : i32 from vector<1xi32>
      %multiple_of3A_775 = tpu.assume_multiple %squeeze3A_774, 128 : i32
      %slice3A_776 = vector.extract_strided_slice %mul3A_548 {offsets = [7], sizes = [1], strides = [1]} : vector<16xi32> to vector<1xi32>
      %squeeze3A_777 = vector.extract %slice3A_776[0] : i32 from vector<1xi32>
      %multiple_of3A_778 = tpu.assume_multiple %squeeze3A_777, 128 : i32
      %dma_start3A_779 = arith.constant 7 : i32
      %dma_start3A_780 = arith.constant 0 : i32
      %dma_start3A_781 = arith.constant 0 : i32
      %dma_start3A_782 = tpu.memref_slice %arg11[%dma_start3A_779, %dma_start3A_780, %dma_start3A_781] : memref<16x8x128xf32, #tpu.memory_space<vmem>> -> memref<1x8x128xf32, #tpu.memory_space<vmem>>
      %dma_start3A_783 = tpu.memref_squeeze %dma_start3A_782 : memref<1x8x128xf32, #tpu.memory_space<vmem>> -> memref<8x128xf32, #tpu.memory_space<vmem>>
      %dma_start3A_784 = arith.constant 8 : i32
      %dma_start3A_785 = tpu.memref_slice %arg4[%dma_start3A_784, %multiple_of3A_775] : memref<16x1000000xf32, #tpu.memory_space<hbm>> -> memref<8x128xf32, #tpu.memory_space<hbm>>
      %dma_start3A_786 = arith.constant 0 : i32
      %dma_start3A_787 = arith.constant 0 : i32
      %dma_start3A_788 = tpu.memref_slice %arg11[%dma_start3A_779, %dma_start3A_786, %dma_start3A_787] : memref<16x8x128xf32, #tpu.memory_space<vmem>> -> memref<1x8x128xf32, #tpu.memory_space<vmem>>
      %dma_start3A_789 = tpu.memref_squeeze %dma_start3A_788 : memref<1x8x128xf32, #tpu.memory_space<vmem>> -> memref<8x128xf32, #tpu.memory_space<vmem>>
      %dma_start3A_790 = arith.constant 8 : i32
      %dma_start3A_791 = tpu.memref_slice %arg4[%dma_start3A_790, %multiple_of3A_775] : memref<16x1000000xf32, #tpu.memory_space<hbm>> -> memref<8x128xf32, #tpu.memory_space<hbm>>
      tpu.enqueue_dma source(%dma_start3A_791 : memref<8x128xf32, #tpu.memory_space<hbm>>) target(%dma_start3A_789 : memref<8x128xf32, #tpu.memory_space<vmem>>) target_semaphore(%arg15 : memref<!tpu.dma_semaphore, #tpu.memory_space<semaphore_mem>>)
      %dma_start3A_792 = arith.constant 7 : i32
      %dma_start3A_793 = arith.constant 0 : i32
      %dma_start3A_794 = arith.constant 0 : i32
      %dma_start3A_795 = tpu.memref_slice %arg12[%dma_start3A_792, %dma_start3A_793, %dma_start3A_794] : memref<16x8x128xf32, #tpu.memory_space<vmem>> -> memref<1x8x128xf32, #tpu.memory_space<vmem>>
      %dma_start3A_796 = tpu.memref_squeeze %dma_start3A_795 : memref<1x8x128xf32, #tpu.memory_space<vmem>> -> memref<8x128xf32, #tpu.memory_space<vmem>>
      %dma_start3A_797 = arith.constant 8 : i32
      %dma_start3A_798 = tpu.memref_slice %arg5[%dma_start3A_797, %multiple_of3A_778] : memref<16x1000000xf32, #tpu.memory_space<hbm>> -> memref<8x128xf32, #tpu.memory_space<hbm>>
      %dma_start3A_799 = arith.constant 0 : i32
      %dma_start3A_800 = arith.constant 0 : i32
      %dma_start3A_801 = tpu.memref_slice %arg12[%dma_start3A_792, %dma_start3A_799, %dma_start3A_800] : memref<16x8x128xf32, #tpu.memory_space<vmem>> -> memref<1x8x128xf32, #tpu.memory_space<vmem>>
      %dma_start3A_802 = tpu.memref_squeeze %dma_start3A_801 : memref<1x8x128xf32, #tpu.memory_space<vmem>> -> memref<8x128xf32, #tpu.memory_space<vmem>>
      %dma_start3A_803 = arith.constant 8 : i32
      %dma_start3A_804 = tpu.memref_slice %arg5[%dma_start3A_803, %multiple_of3A_778] : memref<16x1000000xf32, #tpu.memory_space<hbm>> -> memref<8x128xf32, #tpu.memory_space<hbm>>
      tpu.enqueue_dma source(%dma_start3A_804 : memref<8x128xf32, #tpu.memory_space<hbm>>) target(%dma_start3A_802 : memref<8x128xf32, #tpu.memory_space<vmem>>) target_semaphore(%arg15 : memref<!tpu.dma_semaphore, #tpu.memory_space<semaphore_mem>>)
      %slice3A_805 = vector.extract_strided_slice %mul3A_542 {offsets = [8], sizes = [1], strides = [1]} : vector<16xi32> to vector<1xi32>
      %squeeze3A_806 = vector.extract %slice3A_805[0] : i32 from vector<1xi32>
      %multiple_of3A_807 = tpu.assume_multiple %squeeze3A_806, 128 : i32
      %slice3A_808 = vector.extract_strided_slice %mul3A_548 {offsets = [8], sizes = [1], strides = [1]} : vector<16xi32> to vector<1xi32>
      %squeeze3A_809 = vector.extract %slice3A_808[0] : i32 from vector<1xi32>
      %multiple_of3A_810 = tpu.assume_multiple %squeeze3A_809, 128 : i32
      %dma_start3A_811 = arith.constant 8 : i32
      %dma_start3A_812 = arith.constant 0 : i32
      %dma_start3A_813 = arith.constant 0 : i32
      %dma_start3A_814 = tpu.memref_slice %arg11[%dma_start3A_811, %dma_start3A_812, %dma_start3A_813] : memref<16x8x128xf32, #tpu.memory_space<vmem>> -> memref<1x8x128xf32, #tpu.memory_space<vmem>>
      %dma_start3A_815 = tpu.memref_squeeze %dma_start3A_814 : memref<1x8x128xf32, #tpu.memory_space<vmem>> -> memref<8x128xf32, #tpu.memory_space<vmem>>
      %dma_start3A_816 = arith.constant 8 : i32
      %dma_start3A_817 = tpu.memref_slice %arg4[%dma_start3A_816, %multiple_of3A_807] : memref<16x1000000xf32, #tpu.memory_space<hbm>> -> memref<8x128xf32, #tpu.memory_space<hbm>>
      %dma_start3A_818 = arith.constant 0 : i32
      %dma_start3A_819 = arith.constant 0 : i32
      %dma_start3A_820 = tpu.memref_slice %arg11[%dma_start3A_811, %dma_start3A_818, %dma_start3A_819] : memref<16x8x128xf32, #tpu.memory_space<vmem>> -> memref<1x8x128xf32, #tpu.memory_space<vmem>>
      %dma_start3A_821 = tpu.memref_squeeze %dma_start3A_820 : memref<1x8x128xf32, #tpu.memory_space<vmem>> -> memref<8x128xf32, #tpu.memory_space<vmem>>
      %dma_start3A_822 = arith.constant 8 : i32
      %dma_start3A_823 = tpu.memref_slice %arg4[%dma_start3A_822, %multiple_of3A_807] : memref<16x1000000xf32, #tpu.memory_space<hbm>> -> memref<8x128xf32, #tpu.memory_space<hbm>>
      tpu.enqueue_dma source(%dma_start3A_823 : memref<8x128xf32, #tpu.memory_space<hbm>>) target(%dma_start3A_821 : memref<8x128xf32, #tpu.memory_space<vmem>>) target_semaphore(%arg15 : memref<!tpu.dma_semaphore, #tpu.memory_space<semaphore_mem>>)
      %dma_start3A_824 = arith.constant 8 : i32
      %dma_start3A_825 = arith.constant 0 : i32
      %dma_start3A_826 = arith.constant 0 : i32
      %dma_start3A_827 = tpu.memref_slice %arg12[%dma_start3A_824, %dma_start3A_825, %dma_start3A_826] : memref<16x8x128xf32, #tpu.memory_space<vmem>> -> memref<1x8x128xf32, #tpu.memory_space<vmem>>
      %dma_start3A_828 = tpu.memref_squeeze %dma_start3A_827 : memref<1x8x128xf32, #tpu.memory_space<vmem>> -> memref<8x128xf32, #tpu.memory_space<vmem>>
      %dma_start3A_829 = arith.constant 8 : i32
      %dma_start3A_830 = tpu.memref_slice %arg5[%dma_start3A_829, %multiple_of3A_810] : memref<16x1000000xf32, #tpu.memory_space<hbm>> -> memref<8x128xf32, #tpu.memory_space<hbm>>
      %dma_start3A_831 = arith.constant 0 : i32
      %dma_start3A_832 = arith.constant 0 : i32
      %dma_start3A_833 = tpu.memref_slice %arg12[%dma_start3A_824, %dma_start3A_831, %dma_start3A_832] : memref<16x8x128xf32, #tpu.memory_space<vmem>> -> memref<1x8x128xf32, #tpu.memory_space<vmem>>
      %dma_start3A_834 = tpu.memref_squeeze %dma_start3A_833 : memref<1x8x128xf32, #tpu.memory_space<vmem>> -> memref<8x128xf32, #tpu.memory_space<vmem>>
      %dma_start3A_835 = arith.constant 8 : i32
      %dma_start3A_836 = tpu.memref_slice %arg5[%dma_start3A_835, %multiple_of3A_810] : memref<16x1000000xf32, #tpu.memory_space<hbm>> -> memref<8x128xf32, #tpu.memory_space<hbm>>
      tpu.enqueue_dma source(%dma_start3A_836 : memref<8x128xf32, #tpu.memory_space<hbm>>) target(%dma_start3A_834 : memref<8x128xf32, #tpu.memory_space<vmem>>) target_semaphore(%arg15 : memref<!tpu.dma_semaphore, #tpu.memory_space<semaphore_mem>>)
      %slice3A_837 = vector.extract_strided_slice %mul3A_542 {offsets = [9], sizes = [1], strides = [1]} : vector<16xi32> to vector<1xi32>
      %squeeze3A_838 = vector.extract %slice3A_837[0] : i32 from vector<1xi32>
      %multiple_of3A_839 = tpu.assume_multiple %squeeze3A_838, 128 : i32
      %slice3A_840 = vector.extract_strided_slice %mul3A_548 {offsets = [9], sizes = [1], strides = [1]} : vector<16xi32> to vector<1xi32>
      %squeeze3A_841 = vector.extract %slice3A_840[0] : i32 from vector<1xi32>
      %multiple_of3A_842 = tpu.assume_multiple %squeeze3A_841, 128 : i32
      %dma_start3A_843 = arith.constant 9 : i32
      %dma_start3A_844 = arith.constant 0 : i32
      %dma_start3A_845 = arith.constant 0 : i32
      %dma_start3A_846 = tpu.memref_slice %arg11[%dma_start3A_843, %dma_start3A_844, %dma_start3A_845] : memref<16x8x128xf32, #tpu.memory_space<vmem>> -> memref<1x8x128xf32, #tpu.memory_space<vmem>>
      %dma_start3A_847 = tpu.memref_squeeze %dma_start3A_846 : memref<1x8x128xf32, #tpu.memory_space<vmem>> -> memref<8x128xf32, #tpu.memory_space<vmem>>
      %dma_start3A_848 = arith.constant 8 : i32
      %dma_start3A_849 = tpu.memref_slice %arg4[%dma_start3A_848, %multiple_of3A_839] : memref<16x1000000xf32, #tpu.memory_space<hbm>> -> memref<8x128xf32, #tpu.memory_space<hbm>>
      %dma_start3A_850 = arith.constant 0 : i32
      %dma_start3A_851 = arith.constant 0 : i32
      %dma_start3A_852 = tpu.memref_slice %arg11[%dma_start3A_843, %dma_start3A_850, %dma_start3A_851] : memref<16x8x128xf32, #tpu.memory_space<vmem>> -> memref<1x8x128xf32, #tpu.memory_space<vmem>>
      %dma_start3A_853 = tpu.memref_squeeze %dma_start3A_852 : memref<1x8x128xf32, #tpu.memory_space<vmem>> -> memref<8x128xf32, #tpu.memory_space<vmem>>
      %dma_start3A_854 = arith.constant 8 : i32
      %dma_start3A_855 = tpu.memref_slice %arg4[%dma_start3A_854, %multiple_of3A_839] : memref<16x1000000xf32, #tpu.memory_space<hbm>> -> memref<8x128xf32, #tpu.memory_space<hbm>>
      tpu.enqueue_dma source(%dma_start3A_855 : memref<8x128xf32, #tpu.memory_space<hbm>>) target(%dma_start3A_853 : memref<8x128xf32, #tpu.memory_space<vmem>>) target_semaphore(%arg15 : memref<!tpu.dma_semaphore, #tpu.memory_space<semaphore_mem>>)
      %dma_start3A_856 = arith.constant 9 : i32
      %dma_start3A_857 = arith.constant 0 : i32
      %dma_start3A_858 = arith.constant 0 : i32
      %dma_start3A_859 = tpu.memref_slice %arg12[%dma_start3A_856, %dma_start3A_857, %dma_start3A_858] : memref<16x8x128xf32, #tpu.memory_space<vmem>> -> memref<1x8x128xf32, #tpu.memory_space<vmem>>
      %dma_start3A_860 = tpu.memref_squeeze %dma_start3A_859 : memref<1x8x128xf32, #tpu.memory_space<vmem>> -> memref<8x128xf32, #tpu.memory_space<vmem>>
      %dma_start3A_861 = arith.constant 8 : i32
      %dma_start3A_862 = tpu.memref_slice %arg5[%dma_start3A_861, %multiple_of3A_842] : memref<16x1000000xf32, #tpu.memory_space<hbm>> -> memref<8x128xf32, #tpu.memory_space<hbm>>
      %dma_start3A_863 = arith.constant 0 : i32
      %dma_start3A_864 = arith.constant 0 : i32
      %dma_start3A_865 = tpu.memref_slice %arg12[%dma_start3A_856, %dma_start3A_863, %dma_start3A_864] : memref<16x8x128xf32, #tpu.memory_space<vmem>> -> memref<1x8x128xf32, #tpu.memory_space<vmem>>
      %dma_start3A_866 = tpu.memref_squeeze %dma_start3A_865 : memref<1x8x128xf32, #tpu.memory_space<vmem>> -> memref<8x128xf32, #tpu.memory_space<vmem>>
      %dma_start3A_867 = arith.constant 8 : i32
      %dma_start3A_868 = tpu.memref_slice %arg5[%dma_start3A_867, %multiple_of3A_842] : memref<16x1000000xf32, #tpu.memory_space<hbm>> -> memref<8x128xf32, #tpu.memory_space<hbm>>
      tpu.enqueue_dma source(%dma_start3A_868 : memref<8x128xf32, #tpu.memory_space<hbm>>) target(%dma_start3A_866 : memref<8x128xf32, #tpu.memory_space<vmem>>) target_semaphore(%arg15 : memref<!tpu.dma_semaphore, #tpu.memory_space<semaphore_mem>>)
      %slice3A_869 = vector.extract_strided_slice %mul3A_542 {offsets = [10], sizes = [1], strides = [1]} : vector<16xi32> to vector<1xi32>
      %squeeze3A_870 = vector.extract %slice3A_869[0] : i32 from vector<1xi32>
      %multiple_of3A_871 = tpu.assume_multiple %squeeze3A_870, 128 : i32
      %slice3A_872 = vector.extract_strided_slice %mul3A_548 {offsets = [10], sizes = [1], strides = [1]} : vector<16xi32> to vector<1xi32>
      %squeeze3A_873 = vector.extract %slice3A_872[0] : i32 from vector<1xi32>
      %multiple_of3A_874 = tpu.assume_multiple %squeeze3A_873, 128 : i32
      %dma_start3A_875 = arith.constant 10 : i32
      %dma_start3A_876 = arith.constant 0 : i32
      %dma_start3A_877 = arith.constant 0 : i32
      %dma_start3A_878 = tpu.memref_slice %arg11[%dma_start3A_875, %dma_start3A_876, %dma_start3A_877] : memref<16x8x128xf32, #tpu.memory_space<vmem>> -> memref<1x8x128xf32, #tpu.memory_space<vmem>>
      %dma_start3A_879 = tpu.memref_squeeze %dma_start3A_878 : memref<1x8x128xf32, #tpu.memory_space<vmem>> -> memref<8x128xf32, #tpu.memory_space<vmem>>
      %dma_start3A_880 = arith.constant 8 : i32
      %dma_start3A_881 = tpu.memref_slice %arg4[%dma_start3A_880, %multiple_of3A_871] : memref<16x1000000xf32, #tpu.memory_space<hbm>> -> memref<8x128xf32, #tpu.memory_space<hbm>>
      %dma_start3A_882 = arith.constant 0 : i32
      %dma_start3A_883 = arith.constant 0 : i32
      %dma_start3A_884 = tpu.memref_slice %arg11[%dma_start3A_875, %dma_start3A_882, %dma_start3A_883] : memref<16x8x128xf32, #tpu.memory_space<vmem>> -> memref<1x8x128xf32, #tpu.memory_space<vmem>>
      %dma_start3A_885 = tpu.memref_squeeze %dma_start3A_884 : memref<1x8x128xf32, #tpu.memory_space<vmem>> -> memref<8x128xf32, #tpu.memory_space<vmem>>
      %dma_start3A_886 = arith.constant 8 : i32
      %dma_start3A_887 = tpu.memref_slice %arg4[%dma_start3A_886, %multiple_of3A_871] : memref<16x1000000xf32, #tpu.memory_space<hbm>> -> memref<8x128xf32, #tpu.memory_space<hbm>>
      tpu.enqueue_dma source(%dma_start3A_887 : memref<8x128xf32, #tpu.memory_space<hbm>>) target(%dma_start3A_885 : memref<8x128xf32, #tpu.memory_space<vmem>>) target_semaphore(%arg15 : memref<!tpu.dma_semaphore, #tpu.memory_space<semaphore_mem>>)
      %dma_start3A_888 = arith.constant 10 : i32
      %dma_start3A_889 = arith.constant 0 : i32
      %dma_start3A_890 = arith.constant 0 : i32
      %dma_start3A_891 = tpu.memref_slice %arg12[%dma_start3A_888, %dma_start3A_889, %dma_start3A_890] : memref<16x8x128xf32, #tpu.memory_space<vmem>> -> memref<1x8x128xf32, #tpu.memory_space<vmem>>
      %dma_start3A_892 = tpu.memref_squeeze %dma_start3A_891 : memref<1x8x128xf32, #tpu.memory_space<vmem>> -> memref<8x128xf32, #tpu.memory_space<vmem>>
      %dma_start3A_893 = arith.constant 8 : i32
      %dma_start3A_894 = tpu.memref_slice %arg5[%dma_start3A_893, %multiple_of3A_874] : memref<16x1000000xf32, #tpu.memory_space<hbm>> -> memref<8x128xf32, #tpu.memory_space<hbm>>
      %dma_start3A_895 = arith.constant 0 : i32
      %dma_start3A_896 = arith.constant 0 : i32
      %dma_start3A_897 = tpu.memref_slice %arg12[%dma_start3A_888, %dma_start3A_895, %dma_start3A_896] : memref<16x8x128xf32, #tpu.memory_space<vmem>> -> memref<1x8x128xf32, #tpu.memory_space<vmem>>
      %dma_start3A_898 = tpu.memref_squeeze %dma_start3A_897 : memref<1x8x128xf32, #tpu.memory_space<vmem>> -> memref<8x128xf32, #tpu.memory_space<vmem>>
      %dma_start3A_899 = arith.constant 8 : i32
      %dma_start3A_900 = tpu.memref_slice %arg5[%dma_start3A_899, %multiple_of3A_874] : memref<16x1000000xf32, #tpu.memory_space<hbm>> -> memref<8x128xf32, #tpu.memory_space<hbm>>
      tpu.enqueue_dma source(%dma_start3A_900 : memref<8x128xf32, #tpu.memory_space<hbm>>) target(%dma_start3A_898 : memref<8x128xf32, #tpu.memory_space<vmem>>) target_semaphore(%arg15 : memref<!tpu.dma_semaphore, #tpu.memory_space<semaphore_mem>>)
      %slice3A_901 = vector.extract_strided_slice %mul3A_542 {offsets = [11], sizes = [1], strides = [1]} : vector<16xi32> to vector<1xi32>
      %squeeze3A_902 = vector.extract %slice3A_901[0] : i32 from vector<1xi32>
      %multiple_of3A_903 = tpu.assume_multiple %squeeze3A_902, 128 : i32
      %slice3A_904 = vector.extract_strided_slice %mul3A_548 {offsets = [11], sizes = [1], strides = [1]} : vector<16xi32> to vector<1xi32>
      %squeeze3A_905 = vector.extract %slice3A_904[0] : i32 from vector<1xi32>
      %multiple_of3A_906 = tpu.assume_multiple %squeeze3A_905, 128 : i32
      %dma_start3A_907 = arith.constant 11 : i32
      %dma_start3A_908 = arith.constant 0 : i32
      %dma_start3A_909 = arith.constant 0 : i32
      %dma_start3A_910 = tpu.memref_slice %arg11[%dma_start3A_907, %dma_start3A_908, %dma_start3A_909] : memref<16x8x128xf32, #tpu.memory_space<vmem>> -> memref<1x8x128xf32, #tpu.memory_space<vmem>>
      %dma_start3A_911 = tpu.memref_squeeze %dma_start3A_910 : memref<1x8x128xf32, #tpu.memory_space<vmem>> -> memref<8x128xf32, #tpu.memory_space<vmem>>
      %dma_start3A_912 = arith.constant 8 : i32
      %dma_start3A_913 = tpu.memref_slice %arg4[%dma_start3A_912, %multiple_of3A_903] : memref<16x1000000xf32, #tpu.memory_space<hbm>> -> memref<8x128xf32, #tpu.memory_space<hbm>>
      %dma_start3A_914 = arith.constant 0 : i32
      %dma_start3A_915 = arith.constant 0 : i32
      %dma_start3A_916 = tpu.memref_slice %arg11[%dma_start3A_907, %dma_start3A_914, %dma_start3A_915] : memref<16x8x128xf32, #tpu.memory_space<vmem>> -> memref<1x8x128xf32, #tpu.memory_space<vmem>>
      %dma_start3A_917 = tpu.memref_squeeze %dma_start3A_916 : memref<1x8x128xf32, #tpu.memory_space<vmem>> -> memref<8x128xf32, #tpu.memory_space<vmem>>
      %dma_start3A_918 = arith.constant 8 : i32
      %dma_start3A_919 = tpu.memref_slice %arg4[%dma_start3A_918, %multiple_of3A_903] : memref<16x1000000xf32, #tpu.memory_space<hbm>> -> memref<8x128xf32, #tpu.memory_space<hbm>>
      tpu.enqueue_dma source(%dma_start3A_919 : memref<8x128xf32, #tpu.memory_space<hbm>>) target(%dma_start3A_917 : memref<8x128xf32, #tpu.memory_space<vmem>>) target_semaphore(%arg15 : memref<!tpu.dma_semaphore, #tpu.memory_space<semaphore_mem>>)
      %dma_start3A_920 = arith.constant 11 : i32
      %dma_start3A_921 = arith.constant 0 : i32
      %dma_start3A_922 = arith.constant 0 : i32
      %dma_start3A_923 = tpu.memref_slice %arg12[%dma_start3A_920, %dma_start3A_921, %dma_start3A_922] : memref<16x8x128xf32, #tpu.memory_space<vmem>> -> memref<1x8x128xf32, #tpu.memory_space<vmem>>
      %dma_start3A_924 = tpu.memref_squeeze %dma_start3A_923 : memref<1x8x128xf32, #tpu.memory_space<vmem>> -> memref<8x128xf32, #tpu.memory_space<vmem>>
      %dma_start3A_925 = arith.constant 8 : i32
      %dma_start3A_926 = tpu.memref_slice %arg5[%dma_start3A_925, %multiple_of3A_906] : memref<16x1000000xf32, #tpu.memory_space<hbm>> -> memref<8x128xf32, #tpu.memory_space<hbm>>
      %dma_start3A_927 = arith.constant 0 : i32
      %dma_start3A_928 = arith.constant 0 : i32
      %dma_start3A_929 = tpu.memref_slice %arg12[%dma_start3A_920, %dma_start3A_927, %dma_start3A_928] : memref<16x8x128xf32, #tpu.memory_space<vmem>> -> memref<1x8x128xf32, #tpu.memory_space<vmem>>
      %dma_start3A_930 = tpu.memref_squeeze %dma_start3A_929 : memref<1x8x128xf32, #tpu.memory_space<vmem>> -> memref<8x128xf32, #tpu.memory_space<vmem>>
      %dma_start3A_931 = arith.constant 8 : i32
      %dma_start3A_932 = tpu.memref_slice %arg5[%dma_start3A_931, %multiple_of3A_906] : memref<16x1000000xf32, #tpu.memory_space<hbm>> -> memref<8x128xf32, #tpu.memory_space<hbm>>
      tpu.enqueue_dma source(%dma_start3A_932 : memref<8x128xf32, #tpu.memory_space<hbm>>) target(%dma_start3A_930 : memref<8x128xf32, #tpu.memory_space<vmem>>) target_semaphore(%arg15 : memref<!tpu.dma_semaphore, #tpu.memory_space<semaphore_mem>>)
      %slice3A_933 = vector.extract_strided_slice %mul3A_542 {offsets = [12], sizes = [1], strides = [1]} : vector<16xi32> to vector<1xi32>
      %squeeze3A_934 = vector.extract %slice3A_933[0] : i32 from vector<1xi32>
      %multiple_of3A_935 = tpu.assume_multiple %squeeze3A_934, 128 : i32
      %slice3A_936 = vector.extract_strided_slice %mul3A_548 {offsets = [12], sizes = [1], strides = [1]} : vector<16xi32> to vector<1xi32>
      %squeeze3A_937 = vector.extract %slice3A_936[0] : i32 from vector<1xi32>
      %multiple_of3A_938 = tpu.assume_multiple %squeeze3A_937, 128 : i32
      %dma_start3A_939 = arith.constant 12 : i32
      %dma_start3A_940 = arith.constant 0 : i32
      %dma_start3A_941 = arith.constant 0 : i32
      %dma_start3A_942 = tpu.memref_slice %arg11[%dma_start3A_939, %dma_start3A_940, %dma_start3A_941] : memref<16x8x128xf32, #tpu.memory_space<vmem>> -> memref<1x8x128xf32, #tpu.memory_space<vmem>>
      %dma_start3A_943 = tpu.memref_squeeze %dma_start3A_942 : memref<1x8x128xf32, #tpu.memory_space<vmem>> -> memref<8x128xf32, #tpu.memory_space<vmem>>
      %dma_start3A_944 = arith.constant 8 : i32
      %dma_start3A_945 = tpu.memref_slice %arg4[%dma_start3A_944, %multiple_of3A_935] : memref<16x1000000xf32, #tpu.memory_space<hbm>> -> memref<8x128xf32, #tpu.memory_space<hbm>>
      %dma_start3A_946 = arith.constant 0 : i32
      %dma_start3A_947 = arith.constant 0 : i32
      %dma_start3A_948 = tpu.memref_slice %arg11[%dma_start3A_939, %dma_start3A_946, %dma_start3A_947] : memref<16x8x128xf32, #tpu.memory_space<vmem>> -> memref<1x8x128xf32, #tpu.memory_space<vmem>>
      %dma_start3A_949 = tpu.memref_squeeze %dma_start3A_948 : memref<1x8x128xf32, #tpu.memory_space<vmem>> -> memref<8x128xf32, #tpu.memory_space<vmem>>
      %dma_start3A_950 = arith.constant 8 : i32
      %dma_start3A_951 = tpu.memref_slice %arg4[%dma_start3A_950, %multiple_of3A_935] : memref<16x1000000xf32, #tpu.memory_space<hbm>> -> memref<8x128xf32, #tpu.memory_space<hbm>>
      tpu.enqueue_dma source(%dma_start3A_951 : memref<8x128xf32, #tpu.memory_space<hbm>>) target(%dma_start3A_949 : memref<8x128xf32, #tpu.memory_space<vmem>>) target_semaphore(%arg15 : memref<!tpu.dma_semaphore, #tpu.memory_space<semaphore_mem>>)
      %dma_start3A_952 = arith.constant 12 : i32
      %dma_start3A_953 = arith.constant 0 : i32
      %dma_start3A_954 = arith.constant 0 : i32
      %dma_start3A_955 = tpu.memref_slice %arg12[%dma_start3A_952, %dma_start3A_953, %dma_start3A_954] : memref<16x8x128xf32, #tpu.memory_space<vmem>> -> memref<1x8x128xf32, #tpu.memory_space<vmem>>
      %dma_start3A_956 = tpu.memref_squeeze %dma_start3A_955 : memref<1x8x128xf32, #tpu.memory_space<vmem>> -> memref<8x128xf32, #tpu.memory_space<vmem>>
      %dma_start3A_957 = arith.constant 8 : i32
      %dma_start3A_958 = tpu.memref_slice %arg5[%dma_start3A_957, %multiple_of3A_938] : memref<16x1000000xf32, #tpu.memory_space<hbm>> -> memref<8x128xf32, #tpu.memory_space<hbm>>
      %dma_start3A_959 = arith.constant 0 : i32
      %dma_start3A_960 = arith.constant 0 : i32
      %dma_start3A_961 = tpu.memref_slice %arg12[%dma_start3A_952, %dma_start3A_959, %dma_start3A_960] : memref<16x8x128xf32, #tpu.memory_space<vmem>> -> memref<1x8x128xf32, #tpu.memory_space<vmem>>
      %dma_start3A_962 = tpu.memref_squeeze %dma_start3A_961 : memref<1x8x128xf32, #tpu.memory_space<vmem>> -> memref<8x128xf32, #tpu.memory_space<vmem>>
      %dma_start3A_963 = arith.constant 8 : i32
      %dma_start3A_964 = tpu.memref_slice %arg5[%dma_start3A_963, %multiple_of3A_938] : memref<16x1000000xf32, #tpu.memory_space<hbm>> -> memref<8x128xf32, #tpu.memory_space<hbm>>
      tpu.enqueue_dma source(%dma_start3A_964 : memref<8x128xf32, #tpu.memory_space<hbm>>) target(%dma_start3A_962 : memref<8x128xf32, #tpu.memory_space<vmem>>) target_semaphore(%arg15 : memref<!tpu.dma_semaphore, #tpu.memory_space<semaphore_mem>>)
      %slice3A_965 = vector.extract_strided_slice %mul3A_542 {offsets = [13], sizes = [1], strides = [1]} : vector<16xi32> to vector<1xi32>
      %squeeze3A_966 = vector.extract %slice3A_965[0] : i32 from vector<1xi32>
      %multiple_of3A_967 = tpu.assume_multiple %squeeze3A_966, 128 : i32
      %slice3A_968 = vector.extract_strided_slice %mul3A_548 {offsets = [13], sizes = [1], strides = [1]} : vector<16xi32> to vector<1xi32>
      %squeeze3A_969 = vector.extract %slice3A_968[0] : i32 from vector<1xi32>
      %multiple_of3A_970 = tpu.assume_multiple %squeeze3A_969, 128 : i32
      %dma_start3A_971 = arith.constant 13 : i32
      %dma_start3A_972 = arith.constant 0 : i32
      %dma_start3A_973 = arith.constant 0 : i32
      %dma_start3A_974 = tpu.memref_slice %arg11[%dma_start3A_971, %dma_start3A_972, %dma_start3A_973] : memref<16x8x128xf32, #tpu.memory_space<vmem>> -> memref<1x8x128xf32, #tpu.memory_space<vmem>>
      %dma_start3A_975 = tpu.memref_squeeze %dma_start3A_974 : memref<1x8x128xf32, #tpu.memory_space<vmem>> -> memref<8x128xf32, #tpu.memory_space<vmem>>
      %dma_start3A_976 = arith.constant 8 : i32
      %dma_start3A_977 = tpu.memref_slice %arg4[%dma_start3A_976, %multiple_of3A_967] : memref<16x1000000xf32, #tpu.memory_space<hbm>> -> memref<8x128xf32, #tpu.memory_space<hbm>>
      %dma_start3A_978 = arith.constant 0 : i32
      %dma_start3A_979 = arith.constant 0 : i32
      %dma_start3A_980 = tpu.memref_slice %arg11[%dma_start3A_971, %dma_start3A_978, %dma_start3A_979] : memref<16x8x128xf32, #tpu.memory_space<vmem>> -> memref<1x8x128xf32, #tpu.memory_space<vmem>>
      %dma_start3A_981 = tpu.memref_squeeze %dma_start3A_980 : memref<1x8x128xf32, #tpu.memory_space<vmem>> -> memref<8x128xf32, #tpu.memory_space<vmem>>
      %dma_start3A_982 = arith.constant 8 : i32
      %dma_start3A_983 = tpu.memref_slice %arg4[%dma_start3A_982, %multiple_of3A_967] : memref<16x1000000xf32, #tpu.memory_space<hbm>> -> memref<8x128xf32, #tpu.memory_space<hbm>>
      tpu.enqueue_dma source(%dma_start3A_983 : memref<8x128xf32, #tpu.memory_space<hbm>>) target(%dma_start3A_981 : memref<8x128xf32, #tpu.memory_space<vmem>>) target_semaphore(%arg15 : memref<!tpu.dma_semaphore, #tpu.memory_space<semaphore_mem>>)
      %dma_start3A_984 = arith.constant 13 : i32
      %dma_start3A_985 = arith.constant 0 : i32
      %dma_start3A_986 = arith.constant 0 : i32
      %dma_start3A_987 = tpu.memref_slice %arg12[%dma_start3A_984, %dma_start3A_985, %dma_start3A_986] : memref<16x8x128xf32, #tpu.memory_space<vmem>> -> memref<1x8x128xf32, #tpu.memory_space<vmem>>
      %dma_start3A_988 = tpu.memref_squeeze %dma_start3A_987 : memref<1x8x128xf32, #tpu.memory_space<vmem>> -> memref<8x128xf32, #tpu.memory_space<vmem>>
      %dma_start3A_989 = arith.constant 8 : i32
      %dma_start3A_990 = tpu.memref_slice %arg5[%dma_start3A_989, %multiple_of3A_970] : memref<16x1000000xf32, #tpu.memory_space<hbm>> -> memref<8x128xf32, #tpu.memory_space<hbm>>
      %dma_start3A_991 = arith.constant 0 : i32
      %dma_start3A_992 = arith.constant 0 : i32
      %dma_start3A_993 = tpu.memref_slice %arg12[%dma_start3A_984, %dma_start3A_991, %dma_start3A_992] : memref<16x8x128xf32, #tpu.memory_space<vmem>> -> memref<1x8x128xf32, #tpu.memory_space<vmem>>
      %dma_start3A_994 = tpu.memref_squeeze %dma_start3A_993 : memref<1x8x128xf32, #tpu.memory_space<vmem>> -> memref<8x128xf32, #tpu.memory_space<vmem>>
      %dma_start3A_995 = arith.constant 8 : i32
      %dma_start3A_996 = tpu.memref_slice %arg5[%dma_start3A_995, %multiple_of3A_970] : memref<16x1000000xf32, #tpu.memory_space<hbm>> -> memref<8x128xf32, #tpu.memory_space<hbm>>
      tpu.enqueue_dma source(%dma_start3A_996 : memref<8x128xf32, #tpu.memory_space<hbm>>) target(%dma_start3A_994 : memref<8x128xf32, #tpu.memory_space<vmem>>) target_semaphore(%arg15 : memref<!tpu.dma_semaphore, #tpu.memory_space<semaphore_mem>>)
      %slice3A_997 = vector.extract_strided_slice %mul3A_542 {offsets = [14], sizes = [1], strides = [1]} : vector<16xi32> to vector<1xi32>
      %squeeze3A_998 = vector.extract %slice3A_997[0] : i32 from vector<1xi32>
      %multiple_of3A_999 = tpu.assume_multiple %squeeze3A_998, 128 : i32
      %slice3A_1000 = vector.extract_strided_slice %mul3A_548 {offsets = [14], sizes = [1], strides = [1]} : vector<16xi32> to vector<1xi32>
      %squeeze3A_1001 = vector.extract %slice3A_1000[0] : i32 from vector<1xi32>
      %multiple_of3A_1002 = tpu.assume_multiple %squeeze3A_1001, 128 : i32
      %dma_start3A_1003 = arith.constant 14 : i32
      %dma_start3A_1004 = arith.constant 0 : i32
      %dma_start3A_1005 = arith.constant 0 : i32
      %dma_start3A_1006 = tpu.memref_slice %arg11[%dma_start3A_1003, %dma_start3A_1004, %dma_start3A_1005] : memref<16x8x128xf32, #tpu.memory_space<vmem>> -> memref<1x8x128xf32, #tpu.memory_space<vmem>>
      %dma_start3A_1007 = tpu.memref_squeeze %dma_start3A_1006 : memref<1x8x128xf32, #tpu.memory_space<vmem>> -> memref<8x128xf32, #tpu.memory_space<vmem>>
      %dma_start3A_1008 = arith.constant 8 : i32
      %dma_start3A_1009 = tpu.memref_slice %arg4[%dma_start3A_1008, %multiple_of3A_999] : memref<16x1000000xf32, #tpu.memory_space<hbm>> -> memref<8x128xf32, #tpu.memory_space<hbm>>
      %dma_start3A_1010 = arith.constant 0 : i32
      %dma_start3A_1011 = arith.constant 0 : i32
      %dma_start3A_1012 = tpu.memref_slice %arg11[%dma_start3A_1003, %dma_start3A_1010, %dma_start3A_1011] : memref<16x8x128xf32, #tpu.memory_space<vmem>> -> memref<1x8x128xf32, #tpu.memory_space<vmem>>
      %dma_start3A_1013 = tpu.memref_squeeze %dma_start3A_1012 : memref<1x8x128xf32, #tpu.memory_space<vmem>> -> memref<8x128xf32, #tpu.memory_space<vmem>>
      %dma_start3A_1014 = arith.constant 8 : i32
      %dma_start3A_1015 = tpu.memref_slice %arg4[%dma_start3A_1014, %multiple_of3A_999] : memref<16x1000000xf32, #tpu.memory_space<hbm>> -> memref<8x128xf32, #tpu.memory_space<hbm>>
      tpu.enqueue_dma source(%dma_start3A_1015 : memref<8x128xf32, #tpu.memory_space<hbm>>) target(%dma_start3A_1013 : memref<8x128xf32, #tpu.memory_space<vmem>>) target_semaphore(%arg15 : memref<!tpu.dma_semaphore, #tpu.memory_space<semaphore_mem>>)
      %dma_start3A_1016 = arith.constant 14 : i32
      %dma_start3A_1017 = arith.constant 0 : i32
      %dma_start3A_1018 = arith.constant 0 : i32
      %dma_start3A_1019 = tpu.memref_slice %arg12[%dma_start3A_1016, %dma_start3A_1017, %dma_start3A_1018] : memref<16x8x128xf32, #tpu.memory_space<vmem>> -> memref<1x8x128xf32, #tpu.memory_space<vmem>>
      %dma_start3A_1020 = tpu.memref_squeeze %dma_start3A_1019 : memref<1x8x128xf32, #tpu.memory_space<vmem>> -> memref<8x128xf32, #tpu.memory_space<vmem>>
      %dma_start3A_1021 = arith.constant 8 : i32
      %dma_start3A_1022 = tpu.memref_slice %arg5[%dma_start3A_1021, %multiple_of3A_1002] : memref<16x1000000xf32, #tpu.memory_space<hbm>> -> memref<8x128xf32, #tpu.memory_space<hbm>>
      %dma_start3A_1023 = arith.constant 0 : i32
      %dma_start3A_1024 = arith.constant 0 : i32
      %dma_start3A_1025 = tpu.memref_slice %arg12[%dma_start3A_1016, %dma_start3A_1023, %dma_start3A_1024] : memref<16x8x128xf32, #tpu.memory_space<vmem>> -> memref<1x8x128xf32, #tpu.memory_space<vmem>>
      %dma_start3A_1026 = tpu.memref_squeeze %dma_start3A_1025 : memref<1x8x128xf32, #tpu.memory_space<vmem>> -> memref<8x128xf32, #tpu.memory_space<vmem>>
      %dma_start3A_1027 = arith.constant 8 : i32
      %dma_start3A_1028 = tpu.memref_slice %arg5[%dma_start3A_1027, %multiple_of3A_1002] : memref<16x1000000xf32, #tpu.memory_space<hbm>> -> memref<8x128xf32, #tpu.memory_space<hbm>>
      tpu.enqueue_dma source(%dma_start3A_1028 : memref<8x128xf32, #tpu.memory_space<hbm>>) target(%dma_start3A_1026 : memref<8x128xf32, #tpu.memory_space<vmem>>) target_semaphore(%arg15 : memref<!tpu.dma_semaphore, #tpu.memory_space<semaphore_mem>>)
      %slice3A_1029 = vector.extract_strided_slice %mul3A_542 {offsets = [15], sizes = [1], strides = [1]} : vector<16xi32> to vector<1xi32>
      %squeeze3A_1030 = vector.extract %slice3A_1029[0] : i32 from vector<1xi32>
      %multiple_of3A_1031 = tpu.assume_multiple %squeeze3A_1030, 128 : i32
      %slice3A_1032 = vector.extract_strided_slice %mul3A_548 {offsets = [15], sizes = [1], strides = [1]} : vector<16xi32> to vector<1xi32>
      %squeeze3A_1033 = vector.extract %slice3A_1032[0] : i32 from vector<1xi32>
      %multiple_of3A_1034 = tpu.assume_multiple %squeeze3A_1033, 128 : i32
      %dma_start3A_1035 = arith.constant 15 : i32
      %dma_start3A_1036 = arith.constant 0 : i32
      %dma_start3A_1037 = arith.constant 0 : i32
      %dma_start3A_1038 = tpu.memref_slice %arg11[%dma_start3A_1035, %dma_start3A_1036, %dma_start3A_1037] : memref<16x8x128xf32, #tpu.memory_space<vmem>> -> memref<1x8x128xf32, #tpu.memory_space<vmem>>
      %dma_start3A_1039 = tpu.memref_squeeze %dma_start3A_1038 : memref<1x8x128xf32, #tpu.memory_space<vmem>> -> memref<8x128xf32, #tpu.memory_space<vmem>>
      %dma_start3A_1040 = arith.constant 8 : i32
      %dma_start3A_1041 = tpu.memref_slice %arg4[%dma_start3A_1040, %multiple_of3A_1031] : memref<16x1000000xf32, #tpu.memory_space<hbm>> -> memref<8x128xf32, #tpu.memory_space<hbm>>
      %dma_start3A_1042 = arith.constant 0 : i32
      %dma_start3A_1043 = arith.constant 0 : i32
      %dma_start3A_1044 = tpu.memref_slice %arg11[%dma_start3A_1035, %dma_start3A_1042, %dma_start3A_1043] : memref<16x8x128xf32, #tpu.memory_space<vmem>> -> memref<1x8x128xf32, #tpu.memory_space<vmem>>
      %dma_start3A_1045 = tpu.memref_squeeze %dma_start3A_1044 : memref<1x8x128xf32, #tpu.memory_space<vmem>> -> memref<8x128xf32, #tpu.memory_space<vmem>>
      %dma_start3A_1046 = arith.constant 8 : i32
      %dma_start3A_1047 = tpu.memref_slice %arg4[%dma_start3A_1046, %multiple_of3A_1031] : memref<16x1000000xf32, #tpu.memory_space<hbm>> -> memref<8x128xf32, #tpu.memory_space<hbm>>
      tpu.enqueue_dma source(%dma_start3A_1047 : memref<8x128xf32, #tpu.memory_space<hbm>>) target(%dma_start3A_1045 : memref<8x128xf32, #tpu.memory_space<vmem>>) target_semaphore(%arg15 : memref<!tpu.dma_semaphore, #tpu.memory_space<semaphore_mem>>)
      %dma_start3A_1048 = arith.constant 15 : i32
      %dma_start3A_1049 = arith.constant 0 : i32
      %dma_start3A_1050 = arith.constant 0 : i32
      %dma_start3A_1051 = tpu.memref_slice %arg12[%dma_start3A_1048, %dma_start3A_1049, %dma_start3A_1050] : memref<16x8x128xf32, #tpu.memory_space<vmem>> -> memref<1x8x128xf32, #tpu.memory_space<vmem>>
      %dma_start3A_1052 = tpu.memref_squeeze %dma_start3A_1051 : memref<1x8x128xf32, #tpu.memory_space<vmem>> -> memref<8x128xf32, #tpu.memory_space<vmem>>
      %dma_start3A_1053 = arith.constant 8 : i32
      %dma_start3A_1054 = tpu.memref_slice %arg5[%dma_start3A_1053, %multiple_of3A_1034] : memref<16x1000000xf32, #tpu.memory_space<hbm>> -> memref<8x128xf32, #tpu.memory_space<hbm>>
      %dma_start3A_1055 = arith.constant 0 : i32
      %dma_start3A_1056 = arith.constant 0 : i32
      %dma_start3A_1057 = tpu.memref_slice %arg12[%dma_start3A_1048, %dma_start3A_1055, %dma_start3A_1056] : memref<16x8x128xf32, #tpu.memory_space<vmem>> -> memref<1x8x128xf32, #tpu.memory_space<vmem>>
      %dma_start3A_1058 = tpu.memref_squeeze %dma_start3A_1057 : memref<1x8x128xf32, #tpu.memory_space<vmem>> -> memref<8x128xf32, #tpu.memory_space<vmem>>
      %dma_start3A_1059 = arith.constant 8 : i32
      %dma_start3A_1060 = tpu.memref_slice %arg5[%dma_start3A_1059, %multiple_of3A_1034] : memref<16x1000000xf32, #tpu.memory_space<hbm>> -> memref<8x128xf32, #tpu.memory_space<hbm>>
      tpu.enqueue_dma source(%dma_start3A_1060 : memref<8x128xf32, #tpu.memory_space<hbm>>) target(%dma_start3A_1058 : memref<8x128xf32, #tpu.memory_space<vmem>>) target_semaphore(%arg15 : memref<!tpu.dma_semaphore, #tpu.memory_space<semaphore_mem>>)
      %scan3A_1061 = arith.constant 0 : i32
      %scan3A_1062 = arith.constant 0 : i32
      %scan3A_1063 = arith.constant 16 : i32
      %scan3A_1064 = arith.addi %scan3A_1062, %scan3A_1063 : i32
      %scan3A_1065 = arith.constant 1 : i32
      scf.for %scan3A_1215 = %scan3A_1062 to %scan3A_1064 step %scan3A_1065  : i32 {
        %dma_wait3A = arith.constant 0 : i32
        %dma_wait3A_1216 = arith.constant 0 : i32
        %dma_wait3A_1217 = arith.constant 0 : i32
        %dma_wait3A_1218 = tpu.memref_slice %arg9[%dma_wait3A, %dma_wait3A_1216, %dma_wait3A_1217] : memref<16x8x128xf32, #tpu.memory_space<vmem>> -> memref<1x8x128xf32, #tpu.memory_space<vmem>>
        %dma_wait3A_1219 = tpu.memref_squeeze %dma_wait3A_1218 : memref<1x8x128xf32, #tpu.memory_space<vmem>> -> memref<8x128xf32, #tpu.memory_space<vmem>>
        %dma_wait3A_1220 = arith.constant 0 : i32
        %dma_wait3A_1221 = arith.constant 0 : i32
        %dma_wait3A_1222 = tpu.memref_slice %arg4[%dma_wait3A_1220, %dma_wait3A_1221] : memref<16x1000000xf32, #tpu.memory_space<hbm>> -> memref<8x128xf32, #tpu.memory_space<hbm>>
        %dma_wait3A_1223 = arith.constant 0 : i32
        %dma_wait3A_1224 = arith.constant 0 : i32
        %dma_wait3A_1225 = tpu.memref_slice %arg9[%dma_wait3A, %dma_wait3A_1223, %dma_wait3A_1224] : memref<16x8x128xf32, #tpu.memory_space<vmem>> -> memref<1x8x128xf32, #tpu.memory_space<vmem>>
        %dma_wait3A_1226 = tpu.memref_squeeze %dma_wait3A_1225 : memref<1x8x128xf32, #tpu.memory_space<vmem>> -> memref<8x128xf32, #tpu.memory_space<vmem>>
        %dma_wait3A_1227 = arith.constant 0 : i32
        %dma_wait3A_1228 = arith.constant 0 : i32
        %dma_wait3A_1229 = tpu.memref_slice %arg4[%dma_wait3A_1227, %dma_wait3A_1228] : memref<16x1000000xf32, #tpu.memory_space<hbm>> -> memref<8x128xf32, #tpu.memory_space<hbm>>
        tpu.wait_dma2 semaphore(%arg14 : memref<!tpu.dma_semaphore, #tpu.memory_space<semaphore_mem>>) src(%dma_wait3A_1229 : memref<8x128xf32, #tpu.memory_space<hbm>>) dst(%dma_wait3A_1226 : memref<8x128xf32, #tpu.memory_space<vmem>>)
        %dma_wait3A_1230 = arith.constant 0 : i32
        %dma_wait3A_1231 = arith.constant 0 : i32
        %dma_wait3A_1232 = arith.constant 0 : i32
        %dma_wait3A_1233 = tpu.memref_slice %arg10[%dma_wait3A_1230, %dma_wait3A_1231, %dma_wait3A_1232] : memref<16x8x128xf32, #tpu.memory_space<vmem>> -> memref<1x8x128xf32, #tpu.memory_space<vmem>>
        %dma_wait3A_1234 = tpu.memref_squeeze %dma_wait3A_1233 : memref<1x8x128xf32, #tpu.memory_space<vmem>> -> memref<8x128xf32, #tpu.memory_space<vmem>>
        %dma_wait3A_1235 = arith.constant 0 : i32
        %dma_wait3A_1236 = arith.constant 0 : i32
        %dma_wait3A_1237 = tpu.memref_slice %arg5[%dma_wait3A_1235, %dma_wait3A_1236] : memref<16x1000000xf32, #tpu.memory_space<hbm>> -> memref<8x128xf32, #tpu.memory_space<hbm>>
        %dma_wait3A_1238 = arith.constant 0 : i32
        %dma_wait3A_1239 = arith.constant 0 : i32
        %dma_wait3A_1240 = tpu.memref_slice %arg10[%dma_wait3A_1230, %dma_wait3A_1238, %dma_wait3A_1239] : memref<16x8x128xf32, #tpu.memory_space<vmem>> -> memref<1x8x128xf32, #tpu.memory_space<vmem>>
        %dma_wait3A_1241 = tpu.memref_squeeze %dma_wait3A_1240 : memref<1x8x128xf32, #tpu.memory_space<vmem>> -> memref<8x128xf32, #tpu.memory_space<vmem>>
        %dma_wait3A_1242 = arith.constant 0 : i32
        %dma_wait3A_1243 = arith.constant 0 : i32
        %dma_wait3A_1244 = tpu.memref_slice %arg5[%dma_wait3A_1242, %dma_wait3A_1243] : memref<16x1000000xf32, #tpu.memory_space<hbm>> -> memref<8x128xf32, #tpu.memory_space<hbm>>
        tpu.wait_dma2 semaphore(%arg14 : memref<!tpu.dma_semaphore, #tpu.memory_space<semaphore_mem>>) src(%dma_wait3A_1244 : memref<8x128xf32, #tpu.memory_space<hbm>>) dst(%dma_wait3A_1241 : memref<8x128xf32, #tpu.memory_space<vmem>>)
      }
      %scan3A_1066 = arith.constant 16 : i32
      %mul3A_1067 = arith.constant 16 : i32
      %mul3A_1068 = arith.muli %scan3A_530, %mul3A_1067 : i32
      %get3A_1069 = arith.index_cast %mul3A_1068 : i32 to index
      %get3A_1070 = tpu.vector_load %arg7[%get3A_1069] {strides = array<i32>} : memref<512xi32, #tpu.memory_space<vmem>>, vector<16xi32>,
      %get3A_1071 = arith.index_cast %mul3A_1068 : i32 to index
      %get3A_1072 = tpu.vector_load %arg8[%get3A_1071] {strides = array<i32>} : memref<512xi32, #tpu.memory_space<vmem>>, vector<16xi32>,
      %and3A = arith.constant 127 : i32
      %and3A_1073 = vector.broadcast %and3A : i32 to vector<16xi32>
      %and3A_1074 = arith.andi %get3A_1070, %and3A_1073 : vector<16xi32>
      %and3A_1075 = arith.constant 127 : i32
      %and3A_1076 = vector.broadcast %and3A_1075 : i32 to vector<16xi32>
      %and3A_1077 = arith.andi %get3A_1072, %and3A_1076 : vector<16xi32>
      %broadcast_in_dim3A = arith.constant 0.000000e+00 : f32
      %broadcast_in_dim3A_1078 = vector.broadcast %broadcast_in_dim3A : f32 to vector<16xf32>
      %broadcast_in_dim3A_1079 = arith.constant 0 : i32
      %broadcast_in_dim3A_1080 = vector.broadcast %broadcast_in_dim3A_1079 : i32 to vector<16xi32>
      %gather3A = tpu.vector_load_idx %arg9[%iota3A, %broadcast_in_dim3A_1080, %and3A_1074] : memref<16x8x128xf32, #tpu.memory_space<vmem>>[vector<16xi32>, vector<16xi32>, vector<16xi32>], vector<16xf32>,
      %gather3A_1081 = tpu.vector_load_idx %arg10[%iota3A, %broadcast_in_dim3A_1080, %and3A_1077] : memref<16x8x128xf32, #tpu.memory_space<vmem>>[vector<16xi32>, vector<16xi32>, vector<16xi32>], vector<16xf32>,
      %mul3A_1082 = arith.mulf %gather3A, %gather3A_1081 : vector<16xf32>
      %add3A_1083 = arith.addf %broadcast_in_dim3A_1078, %mul3A_1082 : vector<16xf32>
      %broadcast_in_dim3A_1084 = arith.constant 1 : i32
      %broadcast_in_dim3A_1085 = vector.broadcast %broadcast_in_dim3A_1084 : i32 to vector<16xi32>
      %gather3A_1086 = tpu.vector_load_idx %arg9[%iota3A, %broadcast_in_dim3A_1085, %and3A_1074] : memref<16x8x128xf32, #tpu.memory_space<vmem>>[vector<16xi32>, vector<16xi32>, vector<16xi32>], vector<16xf32>,
      %gather3A_1087 = tpu.vector_load_idx %arg10[%iota3A, %broadcast_in_dim3A_1085, %and3A_1077] : memref<16x8x128xf32, #tpu.memory_space<vmem>>[vector<16xi32>, vector<16xi32>, vector<16xi32>], vector<16xf32>,
      %mul3A_1088 = arith.mulf %gather3A_1086, %gather3A_1087 : vector<16xf32>
      %add3A_1089 = arith.addf %add3A_1083, %mul3A_1088 : vector<16xf32>
      %broadcast_in_dim3A_1090 = arith.constant 2 : i32
      %broadcast_in_dim3A_1091 = vector.broadcast %broadcast_in_dim3A_1090 : i32 to vector<16xi32>
      %gather3A_1092 = tpu.vector_load_idx %arg9[%iota3A, %broadcast_in_dim3A_1091, %and3A_1074] : memref<16x8x128xf32, #tpu.memory_space<vmem>>[vector<16xi32>, vector<16xi32>, vector<16xi32>], vector<16xf32>,
      %gather3A_1093 = tpu.vector_load_idx %arg10[%iota3A, %broadcast_in_dim3A_1091, %and3A_1077] : memref<16x8x128xf32, #tpu.memory_space<vmem>>[vector<16xi32>, vector<16xi32>, vector<16xi32>], vector<16xf32>,
      %mul3A_1094 = arith.mulf %gather3A_1092, %gather3A_1093 : vector<16xf32>
      %add3A_1095 = arith.addf %add3A_1089, %mul3A_1094 : vector<16xf32>
      %broadcast_in_dim3A_1096 = arith.constant 3 : i32
      %broadcast_in_dim3A_1097 = vector.broadcast %broadcast_in_dim3A_1096 : i32 to vector<16xi32>
      %gather3A_1098 = tpu.vector_load_idx %arg9[%iota3A, %broadcast_in_dim3A_1097, %and3A_1074] : memref<16x8x128xf32, #tpu.memory_space<vmem>>[vector<16xi32>, vector<16xi32>, vector<16xi32>], vector<16xf32>,
      %gather3A_1099 = tpu.vector_load_idx %arg10[%iota3A, %broadcast_in_dim3A_1097, %and3A_1077] : memref<16x8x128xf32, #tpu.memory_space<vmem>>[vector<16xi32>, vector<16xi32>, vector<16xi32>], vector<16xf32>,
      %mul3A_1100 = arith.mulf %gather3A_1098, %gather3A_1099 : vector<16xf32>
      %add3A_1101 = arith.addf %add3A_1095, %mul3A_1100 : vector<16xf32>
      %broadcast_in_dim3A_1102 = arith.constant 4 : i32
      %broadcast_in_dim3A_1103 = vector.broadcast %broadcast_in_dim3A_1102 : i32 to vector<16xi32>
      %gather3A_1104 = tpu.vector_load_idx %arg9[%iota3A, %broadcast_in_dim3A_1103, %and3A_1074] : memref<16x8x128xf32, #tpu.memory_space<vmem>>[vector<16xi32>, vector<16xi32>, vector<16xi32>], vector<16xf32>,
      %gather3A_1105 = tpu.vector_load_idx %arg10[%iota3A, %broadcast_in_dim3A_1103, %and3A_1077] : memref<16x8x128xf32, #tpu.memory_space<vmem>>[vector<16xi32>, vector<16xi32>, vector<16xi32>], vector<16xf32>,
      %mul3A_1106 = arith.mulf %gather3A_1104, %gather3A_1105 : vector<16xf32>
      %add3A_1107 = arith.addf %add3A_1101, %mul3A_1106 : vector<16xf32>
      %broadcast_in_dim3A_1108 = arith.constant 5 : i32
      %broadcast_in_dim3A_1109 = vector.broadcast %broadcast_in_dim3A_1108 : i32 to vector<16xi32>
      %gather3A_1110 = tpu.vector_load_idx %arg9[%iota3A, %broadcast_in_dim3A_1109, %and3A_1074] : memref<16x8x128xf32, #tpu.memory_space<vmem>>[vector<16xi32>, vector<16xi32>, vector<16xi32>], vector<16xf32>,
      %gather3A_1111 = tpu.vector_load_idx %arg10[%iota3A, %broadcast_in_dim3A_1109, %and3A_1077] : memref<16x8x128xf32, #tpu.memory_space<vmem>>[vector<16xi32>, vector<16xi32>, vector<16xi32>], vector<16xf32>,
      %mul3A_1112 = arith.mulf %gather3A_1110, %gather3A_1111 : vector<16xf32>
      %add3A_1113 = arith.addf %add3A_1107, %mul3A_1112 : vector<16xf32>
      %broadcast_in_dim3A_1114 = arith.constant 6 : i32
      %broadcast_in_dim3A_1115 = vector.broadcast %broadcast_in_dim3A_1114 : i32 to vector<16xi32>
      %gather3A_1116 = tpu.vector_load_idx %arg9[%iota3A, %broadcast_in_dim3A_1115, %and3A_1074] : memref<16x8x128xf32, #tpu.memory_space<vmem>>[vector<16xi32>, vector<16xi32>, vector<16xi32>], vector<16xf32>,
      %gather3A_1117 = tpu.vector_load_idx %arg10[%iota3A, %broadcast_in_dim3A_1115, %and3A_1077] : memref<16x8x128xf32, #tpu.memory_space<vmem>>[vector<16xi32>, vector<16xi32>, vector<16xi32>], vector<16xf32>,
      %mul3A_1118 = arith.mulf %gather3A_1116, %gather3A_1117 : vector<16xf32>
      %add3A_1119 = arith.addf %add3A_1113, %mul3A_1118 : vector<16xf32>
      %broadcast_in_dim3A_1120 = arith.constant 7 : i32
      %broadcast_in_dim3A_1121 = vector.broadcast %broadcast_in_dim3A_1120 : i32 to vector<16xi32>
      %gather3A_1122 = tpu.vector_load_idx %arg9[%iota3A, %broadcast_in_dim3A_1121, %and3A_1074] : memref<16x8x128xf32, #tpu.memory_space<vmem>>[vector<16xi32>, vector<16xi32>, vector<16xi32>], vector<16xf32>,
      %gather3A_1123 = tpu.vector_load_idx %arg10[%iota3A, %broadcast_in_dim3A_1121, %and3A_1077] : memref<16x8x128xf32, #tpu.memory_space<vmem>>[vector<16xi32>, vector<16xi32>, vector<16xi32>], vector<16xf32>,
      %mul3A_1124 = arith.mulf %gather3A_1122, %gather3A_1123 : vector<16xf32>
      %add3A_1125 = arith.addf %add3A_1119, %mul3A_1124 : vector<16xf32>
      %add3A_1126 = arith.constant 1 : i32
      %add3A_1127 = arith.addi %scan3A_530, %add3A_1126 : i32
      %lt3A = arith.constant 32 : i32
      %lt3A_1128 = arith.cmpi slt, %add3A_1127, %lt3A : i32
      %convert_element_type3A = arith.extui %lt3A_1128 : i1 to i32
      %cond3A = arith.constant 0 : i32
      %cond3A_1129 = arith.cmpi ne, %convert_element_type3A, %cond3A : i32
      scf.if %cond3A_1129 {
        %add3A_1215 = arith.constant 1 : i32
        %add3A_1216 = arith.addi %scan3A_530, %add3A_1215 : i32
        %mul3A_1217 = arith.constant 16 : i32
        %mul3A_1218 = arith.muli %add3A_1216, %mul3A_1217 : i32
        %get3A_1219 = arith.index_cast %mul3A_1218 : i32 to index
        %get3A_1220 = tpu.vector_load %arg7[%get3A_1219] {strides = array<i32>} : memref<512xi32, #tpu.memory_space<vmem>>, vector<16xi32>,
        %get3A_1221 = arith.index_cast %mul3A_1218 : i32 to index
        %get3A_1222 = tpu.vector_load %arg8[%get3A_1221] {strides = array<i32>} : memref<512xi32, #tpu.memory_space<vmem>>, vector<16xi32>,
        %shift_right_arithmetic3A_1223 = arith.constant 7 : i32
        %shift_right_arithmetic3A_1224 = vector.broadcast %shift_right_arithmetic3A_1223 : i32 to vector<16xi32>
        %shift_right_arithmetic3A_1225 = arith.shrsi %get3A_1220, %shift_right_arithmetic3A_1224 : vector<16xi32>
        %mul3A_1226 = arith.constant 128 : i32
        %mul3A_1227 = vector.broadcast %mul3A_1226 : i32 to vector<16xi32>
        %mul3A_1228 = arith.muli %shift_right_arithmetic3A_1225, %mul3A_1227 : vector<16xi32>
        %shift_right_arithmetic3A_1229 = arith.constant 7 : i32
        %shift_right_arithmetic3A_1230 = vector.broadcast %shift_right_arithmetic3A_1229 : i32 to vector<16xi32>
        %shift_right_arithmetic3A_1231 = arith.shrsi %get3A_1222, %shift_right_arithmetic3A_1230 : vector<16xi32>
        %mul3A_1232 = arith.constant 128 : i32
        %mul3A_1233 = vector.broadcast %mul3A_1232 : i32 to vector<16xi32>
        %mul3A_1234 = arith.muli %shift_right_arithmetic3A_1231, %mul3A_1233 : vector<16xi32>
        %slice3A_1235 = vector.extract_strided_slice %mul3A_1228 {offsets = [0], sizes = [1], strides = [1]} : vector<16xi32> to vector<1xi32>
        %squeeze3A_1236 = vector.extract %slice3A_1235[0] : i32 from vector<1xi32>
        %multiple_of3A_1237 = tpu.assume_multiple %squeeze3A_1236, 128 : i32
        %slice3A_1238 = vector.extract_strided_slice %mul3A_1234 {offsets = [0], sizes = [1], strides = [1]} : vector<16xi32> to vector<1xi32>
        %squeeze3A_1239 = vector.extract %slice3A_1238[0] : i32 from vector<1xi32>
        %multiple_of3A_1240 = tpu.assume_multiple %squeeze3A_1239, 128 : i32
        %dma_start3A_1241 = arith.constant 0 : i32
        %dma_start3A_1242 = arith.constant 0 : i32
        %dma_start3A_1243 = arith.constant 0 : i32
        %dma_start3A_1244 = tpu.memref_slice %arg9[%dma_start3A_1241, %dma_start3A_1242, %dma_start3A_1243] : memref<16x8x128xf32, #tpu.memory_space<vmem>> -> memref<1x8x128xf32, #tpu.memory_space<vmem>>
        %dma_start3A_1245 = tpu.memref_squeeze %dma_start3A_1244 : memref<1x8x128xf32, #tpu.memory_space<vmem>> -> memref<8x128xf32, #tpu.memory_space<vmem>>
        %dma_start3A_1246 = arith.constant 0 : i32
        %dma_start3A_1247 = tpu.memref_slice %arg4[%dma_start3A_1246, %multiple_of3A_1237] : memref<16x1000000xf32, #tpu.memory_space<hbm>> -> memref<8x128xf32, #tpu.memory_space<hbm>>
        %dma_start3A_1248 = arith.constant 0 : i32
        %dma_start3A_1249 = arith.constant 0 : i32
        %dma_start3A_1250 = tpu.memref_slice %arg9[%dma_start3A_1241, %dma_start3A_1248, %dma_start3A_1249] : memref<16x8x128xf32, #tpu.memory_space<vmem>> -> memref<1x8x128xf32, #tpu.memory_space<vmem>>
        %dma_start3A_1251 = tpu.memref_squeeze %dma_start3A_1250 : memref<1x8x128xf32, #tpu.memory_space<vmem>> -> memref<8x128xf32, #tpu.memory_space<vmem>>
        %dma_start3A_1252 = arith.constant 0 : i32
        %dma_start3A_1253 = tpu.memref_slice %arg4[%dma_start3A_1252, %multiple_of3A_1237] : memref<16x1000000xf32, #tpu.memory_space<hbm>> -> memref<8x128xf32, #tpu.memory_space<hbm>>
        tpu.enqueue_dma source(%dma_start3A_1253 : memref<8x128xf32, #tpu.memory_space<hbm>>) target(%dma_start3A_1251 : memref<8x128xf32, #tpu.memory_space<vmem>>) target_semaphore(%arg14 : memref<!tpu.dma_semaphore, #tpu.memory_space<semaphore_mem>>)
        %dma_start3A_1254 = arith.constant 0 : i32
        %dma_start3A_1255 = arith.constant 0 : i32
        %dma_start3A_1256 = arith.constant 0 : i32
        %dma_start3A_1257 = tpu.memref_slice %arg10[%dma_start3A_1254, %dma_start3A_1255, %dma_start3A_1256] : memref<16x8x128xf32, #tpu.memory_space<vmem>> -> memref<1x8x128xf32, #tpu.memory_space<vmem>>
        %dma_start3A_1258 = tpu.memref_squeeze %dma_start3A_1257 : memref<1x8x128xf32, #tpu.memory_space<vmem>> -> memref<8x128xf32, #tpu.memory_space<vmem>>
        %dma_start3A_1259 = arith.constant 0 : i32
        %dma_start3A_1260 = tpu.memref_slice %arg5[%dma_start3A_1259, %multiple_of3A_1240] : memref<16x1000000xf32, #tpu.memory_space<hbm>> -> memref<8x128xf32, #tpu.memory_space<hbm>>
        %dma_start3A_1261 = arith.constant 0 : i32
        %dma_start3A_1262 = arith.constant 0 : i32
        %dma_start3A_1263 = tpu.memref_slice %arg10[%dma_start3A_1254, %dma_start3A_1261, %dma_start3A_1262] : memref<16x8x128xf32, #tpu.memory_space<vmem>> -> memref<1x8x128xf32, #tpu.memory_space<vmem>>
        %dma_start3A_1264 = tpu.memref_squeeze %dma_start3A_1263 : memref<1x8x128xf32, #tpu.memory_space<vmem>> -> memref<8x128xf32, #tpu.memory_space<vmem>>
        %dma_start3A_1265 = arith.constant 0 : i32
        %dma_start3A_1266 = tpu.memref_slice %arg5[%dma_start3A_1265, %multiple_of3A_1240] : memref<16x1000000xf32, #tpu.memory_space<hbm>> -> memref<8x128xf32, #tpu.memory_space<hbm>>
        tpu.enqueue_dma source(%dma_start3A_1266 : memref<8x128xf32, #tpu.memory_space<hbm>>) target(%dma_start3A_1264 : memref<8x128xf32, #tpu.memory_space<vmem>>) target_semaphore(%arg14 : memref<!tpu.dma_semaphore, #tpu.memory_space<semaphore_mem>>)
        %slice3A_1267 = vector.extract_strided_slice %mul3A_1228 {offsets = [1], sizes = [1], strides = [1]} : vector<16xi32> to vector<1xi32>
        %squeeze3A_1268 = vector.extract %slice3A_1267[0] : i32 from vector<1xi32>
        %multiple_of3A_1269 = tpu.assume_multiple %squeeze3A_1268, 128 : i32
        %slice3A_1270 = vector.extract_strided_slice %mul3A_1234 {offsets = [1], sizes = [1], strides = [1]} : vector<16xi32> to vector<1xi32>
        %squeeze3A_1271 = vector.extract %slice3A_1270[0] : i32 from vector<1xi32>
        %multiple_of3A_1272 = tpu.assume_multiple %squeeze3A_1271, 128 : i32
        %dma_start3A_1273 = arith.constant 1 : i32
        %dma_start3A_1274 = arith.constant 0 : i32
        %dma_start3A_1275 = arith.constant 0 : i32
        %dma_start3A_1276 = tpu.memref_slice %arg9[%dma_start3A_1273, %dma_start3A_1274, %dma_start3A_1275] : memref<16x8x128xf32, #tpu.memory_space<vmem>> -> memref<1x8x128xf32, #tpu.memory_space<vmem>>
        %dma_start3A_1277 = tpu.memref_squeeze %dma_start3A_1276 : memref<1x8x128xf32, #tpu.memory_space<vmem>> -> memref<8x128xf32, #tpu.memory_space<vmem>>
        %dma_start3A_1278 = arith.constant 0 : i32
        %dma_start3A_1279 = tpu.memref_slice %arg4[%dma_start3A_1278, %multiple_of3A_1269] : memref<16x1000000xf32, #tpu.memory_space<hbm>> -> memref<8x128xf32, #tpu.memory_space<hbm>>
        %dma_start3A_1280 = arith.constant 0 : i32
        %dma_start3A_1281 = arith.constant 0 : i32
        %dma_start3A_1282 = tpu.memref_slice %arg9[%dma_start3A_1273, %dma_start3A_1280, %dma_start3A_1281] : memref<16x8x128xf32, #tpu.memory_space<vmem>> -> memref<1x8x128xf32, #tpu.memory_space<vmem>>
        %dma_start3A_1283 = tpu.memref_squeeze %dma_start3A_1282 : memref<1x8x128xf32, #tpu.memory_space<vmem>> -> memref<8x128xf32, #tpu.memory_space<vmem>>
        %dma_start3A_1284 = arith.constant 0 : i32
        %dma_start3A_1285 = tpu.memref_slice %arg4[%dma_start3A_1284, %multiple_of3A_1269] : memref<16x1000000xf32, #tpu.memory_space<hbm>> -> memref<8x128xf32, #tpu.memory_space<hbm>>
        tpu.enqueue_dma source(%dma_start3A_1285 : memref<8x128xf32, #tpu.memory_space<hbm>>) target(%dma_start3A_1283 : memref<8x128xf32, #tpu.memory_space<vmem>>) target_semaphore(%arg14 : memref<!tpu.dma_semaphore, #tpu.memory_space<semaphore_mem>>)
        %dma_start3A_1286 = arith.constant 1 : i32
        %dma_start3A_1287 = arith.constant 0 : i32
        %dma_start3A_1288 = arith.constant 0 : i32
        %dma_start3A_1289 = tpu.memref_slice %arg10[%dma_start3A_1286, %dma_start3A_1287, %dma_start3A_1288] : memref<16x8x128xf32, #tpu.memory_space<vmem>> -> memref<1x8x128xf32, #tpu.memory_space<vmem>>
        %dma_start3A_1290 = tpu.memref_squeeze %dma_start3A_1289 : memref<1x8x128xf32, #tpu.memory_space<vmem>> -> memref<8x128xf32, #tpu.memory_space<vmem>>
        %dma_start3A_1291 = arith.constant 0 : i32
        %dma_start3A_1292 = tpu.memref_slice %arg5[%dma_start3A_1291, %multiple_of3A_1272] : memref<16x1000000xf32, #tpu.memory_space<hbm>> -> memref<8x128xf32, #tpu.memory_space<hbm>>
        %dma_start3A_1293 = arith.constant 0 : i32
        %dma_start3A_1294 = arith.constant 0 : i32
        %dma_start3A_1295 = tpu.memref_slice %arg10[%dma_start3A_1286, %dma_start3A_1293, %dma_start3A_1294] : memref<16x8x128xf32, #tpu.memory_space<vmem>> -> memref<1x8x128xf32, #tpu.memory_space<vmem>>
        %dma_start3A_1296 = tpu.memref_squeeze %dma_start3A_1295 : memref<1x8x128xf32, #tpu.memory_space<vmem>> -> memref<8x128xf32, #tpu.memory_space<vmem>>
        %dma_start3A_1297 = arith.constant 0 : i32
        %dma_start3A_1298 = tpu.memref_slice %arg5[%dma_start3A_1297, %multiple_of3A_1272] : memref<16x1000000xf32, #tpu.memory_space<hbm>> -> memref<8x128xf32, #tpu.memory_space<hbm>>
        tpu.enqueue_dma source(%dma_start3A_1298 : memref<8x128xf32, #tpu.memory_space<hbm>>) target(%dma_start3A_1296 : memref<8x128xf32, #tpu.memory_space<vmem>>) target_semaphore(%arg14 : memref<!tpu.dma_semaphore, #tpu.memory_space<semaphore_mem>>)
        %slice3A_1299 = vector.extract_strided_slice %mul3A_1228 {offsets = [2], sizes = [1], strides = [1]} : vector<16xi32> to vector<1xi32>
        %squeeze3A_1300 = vector.extract %slice3A_1299[0] : i32 from vector<1xi32>
        %multiple_of3A_1301 = tpu.assume_multiple %squeeze3A_1300, 128 : i32
        %slice3A_1302 = vector.extract_strided_slice %mul3A_1234 {offsets = [2], sizes = [1], strides = [1]} : vector<16xi32> to vector<1xi32>
        %squeeze3A_1303 = vector.extract %slice3A_1302[0] : i32 from vector<1xi32>
        %multiple_of3A_1304 = tpu.assume_multiple %squeeze3A_1303, 128 : i32
        %dma_start3A_1305 = arith.constant 2 : i32
        %dma_start3A_1306 = arith.constant 0 : i32
        %dma_start3A_1307 = arith.constant 0 : i32
        %dma_start3A_1308 = tpu.memref_slice %arg9[%dma_start3A_1305, %dma_start3A_1306, %dma_start3A_1307] : memref<16x8x128xf32, #tpu.memory_space<vmem>> -> memref<1x8x128xf32, #tpu.memory_space<vmem>>
        %dma_start3A_1309 = tpu.memref_squeeze %dma_start3A_1308 : memref<1x8x128xf32, #tpu.memory_space<vmem>> -> memref<8x128xf32, #tpu.memory_space<vmem>>
        %dma_start3A_1310 = arith.constant 0 : i32
        %dma_start3A_1311 = tpu.memref_slice %arg4[%dma_start3A_1310, %multiple_of3A_1301] : memref<16x1000000xf32, #tpu.memory_space<hbm>> -> memref<8x128xf32, #tpu.memory_space<hbm>>
        %dma_start3A_1312 = arith.constant 0 : i32
        %dma_start3A_1313 = arith.constant 0 : i32
        %dma_start3A_1314 = tpu.memref_slice %arg9[%dma_start3A_1305, %dma_start3A_1312, %dma_start3A_1313] : memref<16x8x128xf32, #tpu.memory_space<vmem>> -> memref<1x8x128xf32, #tpu.memory_space<vmem>>
        %dma_start3A_1315 = tpu.memref_squeeze %dma_start3A_1314 : memref<1x8x128xf32, #tpu.memory_space<vmem>> -> memref<8x128xf32, #tpu.memory_space<vmem>>
        %dma_start3A_1316 = arith.constant 0 : i32
        %dma_start3A_1317 = tpu.memref_slice %arg4[%dma_start3A_1316, %multiple_of3A_1301] : memref<16x1000000xf32, #tpu.memory_space<hbm>> -> memref<8x128xf32, #tpu.memory_space<hbm>>
        tpu.enqueue_dma source(%dma_start3A_1317 : memref<8x128xf32, #tpu.memory_space<hbm>>) target(%dma_start3A_1315 : memref<8x128xf32, #tpu.memory_space<vmem>>) target_semaphore(%arg14 : memref<!tpu.dma_semaphore, #tpu.memory_space<semaphore_mem>>)
        %dma_start3A_1318 = arith.constant 2 : i32
        %dma_start3A_1319 = arith.constant 0 : i32
        %dma_start3A_1320 = arith.constant 0 : i32
        %dma_start3A_1321 = tpu.memref_slice %arg10[%dma_start3A_1318, %dma_start3A_1319, %dma_start3A_1320] : memref<16x8x128xf32, #tpu.memory_space<vmem>> -> memref<1x8x128xf32, #tpu.memory_space<vmem>>
        %dma_start3A_1322 = tpu.memref_squeeze %dma_start3A_1321 : memref<1x8x128xf32, #tpu.memory_space<vmem>> -> memref<8x128xf32, #tpu.memory_space<vmem>>
        %dma_start3A_1323 = arith.constant 0 : i32
        %dma_start3A_1324 = tpu.memref_slice %arg5[%dma_start3A_1323, %multiple_of3A_1304] : memref<16x1000000xf32, #tpu.memory_space<hbm>> -> memref<8x128xf32, #tpu.memory_space<hbm>>
        %dma_start3A_1325 = arith.constant 0 : i32
        %dma_start3A_1326 = arith.constant 0 : i32
        %dma_start3A_1327 = tpu.memref_slice %arg10[%dma_start3A_1318, %dma_start3A_1325, %dma_start3A_1326] : memref<16x8x128xf32, #tpu.memory_space<vmem>> -> memref<1x8x128xf32, #tpu.memory_space<vmem>>
        %dma_start3A_1328 = tpu.memref_squeeze %dma_start3A_1327 : memref<1x8x128xf32, #tpu.memory_space<vmem>> -> memref<8x128xf32, #tpu.memory_space<vmem>>
        %dma_start3A_1329 = arith.constant 0 : i32
        %dma_start3A_1330 = tpu.memref_slice %arg5[%dma_start3A_1329, %multiple_of3A_1304] : memref<16x1000000xf32, #tpu.memory_space<hbm>> -> memref<8x128xf32, #tpu.memory_space<hbm>>
        tpu.enqueue_dma source(%dma_start3A_1330 : memref<8x128xf32, #tpu.memory_space<hbm>>) target(%dma_start3A_1328 : memref<8x128xf32, #tpu.memory_space<vmem>>) target_semaphore(%arg14 : memref<!tpu.dma_semaphore, #tpu.memory_space<semaphore_mem>>)
        %slice3A_1331 = vector.extract_strided_slice %mul3A_1228 {offsets = [3], sizes = [1], strides = [1]} : vector<16xi32> to vector<1xi32>
        %squeeze3A_1332 = vector.extract %slice3A_1331[0] : i32 from vector<1xi32>
        %multiple_of3A_1333 = tpu.assume_multiple %squeeze3A_1332, 128 : i32
        %slice3A_1334 = vector.extract_strided_slice %mul3A_1234 {offsets = [3], sizes = [1], strides = [1]} : vector<16xi32> to vector<1xi32>
        %squeeze3A_1335 = vector.extract %slice3A_1334[0] : i32 from vector<1xi32>
        %multiple_of3A_1336 = tpu.assume_multiple %squeeze3A_1335, 128 : i32
        %dma_start3A_1337 = arith.constant 3 : i32
        %dma_start3A_1338 = arith.constant 0 : i32
        %dma_start3A_1339 = arith.constant 0 : i32
        %dma_start3A_1340 = tpu.memref_slice %arg9[%dma_start3A_1337, %dma_start3A_1338, %dma_start3A_1339] : memref<16x8x128xf32, #tpu.memory_space<vmem>> -> memref<1x8x128xf32, #tpu.memory_space<vmem>>
        %dma_start3A_1341 = tpu.memref_squeeze %dma_start3A_1340 : memref<1x8x128xf32, #tpu.memory_space<vmem>> -> memref<8x128xf32, #tpu.memory_space<vmem>>
        %dma_start3A_1342 = arith.constant 0 : i32
        %dma_start3A_1343 = tpu.memref_slice %arg4[%dma_start3A_1342, %multiple_of3A_1333] : memref<16x1000000xf32, #tpu.memory_space<hbm>> -> memref<8x128xf32, #tpu.memory_space<hbm>>
        %dma_start3A_1344 = arith.constant 0 : i32
        %dma_start3A_1345 = arith.constant 0 : i32
        %dma_start3A_1346 = tpu.memref_slice %arg9[%dma_start3A_1337, %dma_start3A_1344, %dma_start3A_1345] : memref<16x8x128xf32, #tpu.memory_space<vmem>> -> memref<1x8x128xf32, #tpu.memory_space<vmem>>
        %dma_start3A_1347 = tpu.memref_squeeze %dma_start3A_1346 : memref<1x8x128xf32, #tpu.memory_space<vmem>> -> memref<8x128xf32, #tpu.memory_space<vmem>>
        %dma_start3A_1348 = arith.constant 0 : i32
        %dma_start3A_1349 = tpu.memref_slice %arg4[%dma_start3A_1348, %multiple_of3A_1333] : memref<16x1000000xf32, #tpu.memory_space<hbm>> -> memref<8x128xf32, #tpu.memory_space<hbm>>
        tpu.enqueue_dma source(%dma_start3A_1349 : memref<8x128xf32, #tpu.memory_space<hbm>>) target(%dma_start3A_1347 : memref<8x128xf32, #tpu.memory_space<vmem>>) target_semaphore(%arg14 : memref<!tpu.dma_semaphore, #tpu.memory_space<semaphore_mem>>)
        %dma_start3A_1350 = arith.constant 3 : i32
        %dma_start3A_1351 = arith.constant 0 : i32
        %dma_start3A_1352 = arith.constant 0 : i32
        %dma_start3A_1353 = tpu.memref_slice %arg10[%dma_start3A_1350, %dma_start3A_1351, %dma_start3A_1352] : memref<16x8x128xf32, #tpu.memory_space<vmem>> -> memref<1x8x128xf32, #tpu.memory_space<vmem>>
        %dma_start3A_1354 = tpu.memref_squeeze %dma_start3A_1353 : memref<1x8x128xf32, #tpu.memory_space<vmem>> -> memref<8x128xf32, #tpu.memory_space<vmem>>
        %dma_start3A_1355 = arith.constant 0 : i32
        %dma_start3A_1356 = tpu.memref_slice %arg5[%dma_start3A_1355, %multiple_of3A_1336] : memref<16x1000000xf32, #tpu.memory_space<hbm>> -> memref<8x128xf32, #tpu.memory_space<hbm>>
        %dma_start3A_1357 = arith.constant 0 : i32
        %dma_start3A_1358 = arith.constant 0 : i32
        %dma_start3A_1359 = tpu.memref_slice %arg10[%dma_start3A_1350, %dma_start3A_1357, %dma_start3A_1358] : memref<16x8x128xf32, #tpu.memory_space<vmem>> -> memref<1x8x128xf32, #tpu.memory_space<vmem>>
        %dma_start3A_1360 = tpu.memref_squeeze %dma_start3A_1359 : memref<1x8x128xf32, #tpu.memory_space<vmem>> -> memref<8x128xf32, #tpu.memory_space<vmem>>
        %dma_start3A_1361 = arith.constant 0 : i32
        %dma_start3A_1362 = tpu.memref_slice %arg5[%dma_start3A_1361, %multiple_of3A_1336] : memref<16x1000000xf32, #tpu.memory_space<hbm>> -> memref<8x128xf32, #tpu.memory_space<hbm>>
        tpu.enqueue_dma source(%dma_start3A_1362 : memref<8x128xf32, #tpu.memory_space<hbm>>) target(%dma_start3A_1360 : memref<8x128xf32, #tpu.memory_space<vmem>>) target_semaphore(%arg14 : memref<!tpu.dma_semaphore, #tpu.memory_space<semaphore_mem>>)
        %slice3A_1363 = vector.extract_strided_slice %mul3A_1228 {offsets = [4], sizes = [1], strides = [1]} : vector<16xi32> to vector<1xi32>
        %squeeze3A_1364 = vector.extract %slice3A_1363[0] : i32 from vector<1xi32>
        %multiple_of3A_1365 = tpu.assume_multiple %squeeze3A_1364, 128 : i32
        %slice3A_1366 = vector.extract_strided_slice %mul3A_1234 {offsets = [4], sizes = [1], strides = [1]} : vector<16xi32> to vector<1xi32>
        %squeeze3A_1367 = vector.extract %slice3A_1366[0] : i32 from vector<1xi32>
        %multiple_of3A_1368 = tpu.assume_multiple %squeeze3A_1367, 128 : i32
        %dma_start3A_1369 = arith.constant 4 : i32
        %dma_start3A_1370 = arith.constant 0 : i32
        %dma_start3A_1371 = arith.constant 0 : i32
        %dma_start3A_1372 = tpu.memref_slice %arg9[%dma_start3A_1369, %dma_start3A_1370, %dma_start3A_1371] : memref<16x8x128xf32, #tpu.memory_space<vmem>> -> memref<1x8x128xf32, #tpu.memory_space<vmem>>
        %dma_start3A_1373 = tpu.memref_squeeze %dma_start3A_1372 : memref<1x8x128xf32, #tpu.memory_space<vmem>> -> memref<8x128xf32, #tpu.memory_space<vmem>>
        %dma_start3A_1374 = arith.constant 0 : i32
        %dma_start3A_1375 = tpu.memref_slice %arg4[%dma_start3A_1374, %multiple_of3A_1365] : memref<16x1000000xf32, #tpu.memory_space<hbm>> -> memref<8x128xf32, #tpu.memory_space<hbm>>
        %dma_start3A_1376 = arith.constant 0 : i32
        %dma_start3A_1377 = arith.constant 0 : i32
        %dma_start3A_1378 = tpu.memref_slice %arg9[%dma_start3A_1369, %dma_start3A_1376, %dma_start3A_1377] : memref<16x8x128xf32, #tpu.memory_space<vmem>> -> memref<1x8x128xf32, #tpu.memory_space<vmem>>
        %dma_start3A_1379 = tpu.memref_squeeze %dma_start3A_1378 : memref<1x8x128xf32, #tpu.memory_space<vmem>> -> memref<8x128xf32, #tpu.memory_space<vmem>>
        %dma_start3A_1380 = arith.constant 0 : i32
        %dma_start3A_1381 = tpu.memref_slice %arg4[%dma_start3A_1380, %multiple_of3A_1365] : memref<16x1000000xf32, #tpu.memory_space<hbm>> -> memref<8x128xf32, #tpu.memory_space<hbm>>
        tpu.enqueue_dma source(%dma_start3A_1381 : memref<8x128xf32, #tpu.memory_space<hbm>>) target(%dma_start3A_1379 : memref<8x128xf32, #tpu.memory_space<vmem>>) target_semaphore(%arg14 : memref<!tpu.dma_semaphore, #tpu.memory_space<semaphore_mem>>)
        %dma_start3A_1382 = arith.constant 4 : i32
        %dma_start3A_1383 = arith.constant 0 : i32
        %dma_start3A_1384 = arith.constant 0 : i32
        %dma_start3A_1385 = tpu.memref_slice %arg10[%dma_start3A_1382, %dma_start3A_1383, %dma_start3A_1384] : memref<16x8x128xf32, #tpu.memory_space<vmem>> -> memref<1x8x128xf32, #tpu.memory_space<vmem>>
        %dma_start3A_1386 = tpu.memref_squeeze %dma_start3A_1385 : memref<1x8x128xf32, #tpu.memory_space<vmem>> -> memref<8x128xf32, #tpu.memory_space<vmem>>
        %dma_start3A_1387 = arith.constant 0 : i32
        %dma_start3A_1388 = tpu.memref_slice %arg5[%dma_start3A_1387, %multiple_of3A_1368] : memref<16x1000000xf32, #tpu.memory_space<hbm>> -> memref<8x128xf32, #tpu.memory_space<hbm>>
        %dma_start3A_1389 = arith.constant 0 : i32
        %dma_start3A_1390 = arith.constant 0 : i32
        %dma_start3A_1391 = tpu.memref_slice %arg10[%dma_start3A_1382, %dma_start3A_1389, %dma_start3A_1390] : memref<16x8x128xf32, #tpu.memory_space<vmem>> -> memref<1x8x128xf32, #tpu.memory_space<vmem>>
        %dma_start3A_1392 = tpu.memref_squeeze %dma_start3A_1391 : memref<1x8x128xf32, #tpu.memory_space<vmem>> -> memref<8x128xf32, #tpu.memory_space<vmem>>
        %dma_start3A_1393 = arith.constant 0 : i32
        %dma_start3A_1394 = tpu.memref_slice %arg5[%dma_start3A_1393, %multiple_of3A_1368] : memref<16x1000000xf32, #tpu.memory_space<hbm>> -> memref<8x128xf32, #tpu.memory_space<hbm>>
        tpu.enqueue_dma source(%dma_start3A_1394 : memref<8x128xf32, #tpu.memory_space<hbm>>) target(%dma_start3A_1392 : memref<8x128xf32, #tpu.memory_space<vmem>>) target_semaphore(%arg14 : memref<!tpu.dma_semaphore, #tpu.memory_space<semaphore_mem>>)
        %slice3A_1395 = vector.extract_strided_slice %mul3A_1228 {offsets = [5], sizes = [1], strides = [1]} : vector<16xi32> to vector<1xi32>
        %squeeze3A_1396 = vector.extract %slice3A_1395[0] : i32 from vector<1xi32>
        %multiple_of3A_1397 = tpu.assume_multiple %squeeze3A_1396, 128 : i32
        %slice3A_1398 = vector.extract_strided_slice %mul3A_1234 {offsets = [5], sizes = [1], strides = [1]} : vector<16xi32> to vector<1xi32>
        %squeeze3A_1399 = vector.extract %slice3A_1398[0] : i32 from vector<1xi32>
        %multiple_of3A_1400 = tpu.assume_multiple %squeeze3A_1399, 128 : i32
        %dma_start3A_1401 = arith.constant 5 : i32
        %dma_start3A_1402 = arith.constant 0 : i32
        %dma_start3A_1403 = arith.constant 0 : i32
        %dma_start3A_1404 = tpu.memref_slice %arg9[%dma_start3A_1401, %dma_start3A_1402, %dma_start3A_1403] : memref<16x8x128xf32, #tpu.memory_space<vmem>> -> memref<1x8x128xf32, #tpu.memory_space<vmem>>
        %dma_start3A_1405 = tpu.memref_squeeze %dma_start3A_1404 : memref<1x8x128xf32, #tpu.memory_space<vmem>> -> memref<8x128xf32, #tpu.memory_space<vmem>>
        %dma_start3A_1406 = arith.constant 0 : i32
        %dma_start3A_1407 = tpu.memref_slice %arg4[%dma_start3A_1406, %multiple_of3A_1397] : memref<16x1000000xf32, #tpu.memory_space<hbm>> -> memref<8x128xf32, #tpu.memory_space<hbm>>
        %dma_start3A_1408 = arith.constant 0 : i32
        %dma_start3A_1409 = arith.constant 0 : i32
        %dma_start3A_1410 = tpu.memref_slice %arg9[%dma_start3A_1401, %dma_start3A_1408, %dma_start3A_1409] : memref<16x8x128xf32, #tpu.memory_space<vmem>> -> memref<1x8x128xf32, #tpu.memory_space<vmem>>
        %dma_start3A_1411 = tpu.memref_squeeze %dma_start3A_1410 : memref<1x8x128xf32, #tpu.memory_space<vmem>> -> memref<8x128xf32, #tpu.memory_space<vmem>>
        %dma_start3A_1412 = arith.constant 0 : i32
        %dma_start3A_1413 = tpu.memref_slice %arg4[%dma_start3A_1412, %multiple_of3A_1397] : memref<16x1000000xf32, #tpu.memory_space<hbm>> -> memref<8x128xf32, #tpu.memory_space<hbm>>
        tpu.enqueue_dma source(%dma_start3A_1413 : memref<8x128xf32, #tpu.memory_space<hbm>>) target(%dma_start3A_1411 : memref<8x128xf32, #tpu.memory_space<vmem>>) target_semaphore(%arg14 : memref<!tpu.dma_semaphore, #tpu.memory_space<semaphore_mem>>)
        %dma_start3A_1414 = arith.constant 5 : i32
        %dma_start3A_1415 = arith.constant 0 : i32
        %dma_start3A_1416 = arith.constant 0 : i32
        %dma_start3A_1417 = tpu.memref_slice %arg10[%dma_start3A_1414, %dma_start3A_1415, %dma_start3A_1416] : memref<16x8x128xf32, #tpu.memory_space<vmem>> -> memref<1x8x128xf32, #tpu.memory_space<vmem>>
        %dma_start3A_1418 = tpu.memref_squeeze %dma_start3A_1417 : memref<1x8x128xf32, #tpu.memory_space<vmem>> -> memref<8x128xf32, #tpu.memory_space<vmem>>
        %dma_start3A_1419 = arith.constant 0 : i32
        %dma_start3A_1420 = tpu.memref_slice %arg5[%dma_start3A_1419, %multiple_of3A_1400] : memref<16x1000000xf32, #tpu.memory_space<hbm>> -> memref<8x128xf32, #tpu.memory_space<hbm>>
        %dma_start3A_1421 = arith.constant 0 : i32
        %dma_start3A_1422 = arith.constant 0 : i32
        %dma_start3A_1423 = tpu.memref_slice %arg10[%dma_start3A_1414, %dma_start3A_1421, %dma_start3A_1422] : memref<16x8x128xf32, #tpu.memory_space<vmem>> -> memref<1x8x128xf32, #tpu.memory_space<vmem>>
        %dma_start3A_1424 = tpu.memref_squeeze %dma_start3A_1423 : memref<1x8x128xf32, #tpu.memory_space<vmem>> -> memref<8x128xf32, #tpu.memory_space<vmem>>
        %dma_start3A_1425 = arith.constant 0 : i32
        %dma_start3A_1426 = tpu.memref_slice %arg5[%dma_start3A_1425, %multiple_of3A_1400] : memref<16x1000000xf32, #tpu.memory_space<hbm>> -> memref<8x128xf32, #tpu.memory_space<hbm>>
        tpu.enqueue_dma source(%dma_start3A_1426 : memref<8x128xf32, #tpu.memory_space<hbm>>) target(%dma_start3A_1424 : memref<8x128xf32, #tpu.memory_space<vmem>>) target_semaphore(%arg14 : memref<!tpu.dma_semaphore, #tpu.memory_space<semaphore_mem>>)
        %slice3A_1427 = vector.extract_strided_slice %mul3A_1228 {offsets = [6], sizes = [1], strides = [1]} : vector<16xi32> to vector<1xi32>
        %squeeze3A_1428 = vector.extract %slice3A_1427[0] : i32 from vector<1xi32>
        %multiple_of3A_1429 = tpu.assume_multiple %squeeze3A_1428, 128 : i32
        %slice3A_1430 = vector.extract_strided_slice %mul3A_1234 {offsets = [6], sizes = [1], strides = [1]} : vector<16xi32> to vector<1xi32>
        %squeeze3A_1431 = vector.extract %slice3A_1430[0] : i32 from vector<1xi32>
        %multiple_of3A_1432 = tpu.assume_multiple %squeeze3A_1431, 128 : i32
        %dma_start3A_1433 = arith.constant 6 : i32
        %dma_start3A_1434 = arith.constant 0 : i32
        %dma_start3A_1435 = arith.constant 0 : i32
        %dma_start3A_1436 = tpu.memref_slice %arg9[%dma_start3A_1433, %dma_start3A_1434, %dma_start3A_1435] : memref<16x8x128xf32, #tpu.memory_space<vmem>> -> memref<1x8x128xf32, #tpu.memory_space<vmem>>
        %dma_start3A_1437 = tpu.memref_squeeze %dma_start3A_1436 : memref<1x8x128xf32, #tpu.memory_space<vmem>> -> memref<8x128xf32, #tpu.memory_space<vmem>>
        %dma_start3A_1438 = arith.constant 0 : i32
        %dma_start3A_1439 = tpu.memref_slice %arg4[%dma_start3A_1438, %multiple_of3A_1429] : memref<16x1000000xf32, #tpu.memory_space<hbm>> -> memref<8x128xf32, #tpu.memory_space<hbm>>
        %dma_start3A_1440 = arith.constant 0 : i32
        %dma_start3A_1441 = arith.constant 0 : i32
        %dma_start3A_1442 = tpu.memref_slice %arg9[%dma_start3A_1433, %dma_start3A_1440, %dma_start3A_1441] : memref<16x8x128xf32, #tpu.memory_space<vmem>> -> memref<1x8x128xf32, #tpu.memory_space<vmem>>
        %dma_start3A_1443 = tpu.memref_squeeze %dma_start3A_1442 : memref<1x8x128xf32, #tpu.memory_space<vmem>> -> memref<8x128xf32, #tpu.memory_space<vmem>>
        %dma_start3A_1444 = arith.constant 0 : i32
        %dma_start3A_1445 = tpu.memref_slice %arg4[%dma_start3A_1444, %multiple_of3A_1429] : memref<16x1000000xf32, #tpu.memory_space<hbm>> -> memref<8x128xf32, #tpu.memory_space<hbm>>
        tpu.enqueue_dma source(%dma_start3A_1445 : memref<8x128xf32, #tpu.memory_space<hbm>>) target(%dma_start3A_1443 : memref<8x128xf32, #tpu.memory_space<vmem>>) target_semaphore(%arg14 : memref<!tpu.dma_semaphore, #tpu.memory_space<semaphore_mem>>)
        %dma_start3A_1446 = arith.constant 6 : i32
        %dma_start3A_1447 = arith.constant 0 : i32
        %dma_start3A_1448 = arith.constant 0 : i32
        %dma_start3A_1449 = tpu.memref_slice %arg10[%dma_start3A_1446, %dma_start3A_1447, %dma_start3A_1448] : memref<16x8x128xf32, #tpu.memory_space<vmem>> -> memref<1x8x128xf32, #tpu.memory_space<vmem>>
        %dma_start3A_1450 = tpu.memref_squeeze %dma_start3A_1449 : memref<1x8x128xf32, #tpu.memory_space<vmem>> -> memref<8x128xf32, #tpu.memory_space<vmem>>
        %dma_start3A_1451 = arith.constant 0 : i32
        %dma_start3A_1452 = tpu.memref_slice %arg5[%dma_start3A_1451, %multiple_of3A_1432] : memref<16x1000000xf32, #tpu.memory_space<hbm>> -> memref<8x128xf32, #tpu.memory_space<hbm>>
        %dma_start3A_1453 = arith.constant 0 : i32
        %dma_start3A_1454 = arith.constant 0 : i32
        %dma_start3A_1455 = tpu.memref_slice %arg10[%dma_start3A_1446, %dma_start3A_1453, %dma_start3A_1454] : memref<16x8x128xf32, #tpu.memory_space<vmem>> -> memref<1x8x128xf32, #tpu.memory_space<vmem>>
        %dma_start3A_1456 = tpu.memref_squeeze %dma_start3A_1455 : memref<1x8x128xf32, #tpu.memory_space<vmem>> -> memref<8x128xf32, #tpu.memory_space<vmem>>
        %dma_start3A_1457 = arith.constant 0 : i32
        %dma_start3A_1458 = tpu.memref_slice %arg5[%dma_start3A_1457, %multiple_of3A_1432] : memref<16x1000000xf32, #tpu.memory_space<hbm>> -> memref<8x128xf32, #tpu.memory_space<hbm>>
        tpu.enqueue_dma source(%dma_start3A_1458 : memref<8x128xf32, #tpu.memory_space<hbm>>) target(%dma_start3A_1456 : memref<8x128xf32, #tpu.memory_space<vmem>>) target_semaphore(%arg14 : memref<!tpu.dma_semaphore, #tpu.memory_space<semaphore_mem>>)
        %slice3A_1459 = vector.extract_strided_slice %mul3A_1228 {offsets = [7], sizes = [1], strides = [1]} : vector<16xi32> to vector<1xi32>
        %squeeze3A_1460 = vector.extract %slice3A_1459[0] : i32 from vector<1xi32>
        %multiple_of3A_1461 = tpu.assume_multiple %squeeze3A_1460, 128 : i32
        %slice3A_1462 = vector.extract_strided_slice %mul3A_1234 {offsets = [7], sizes = [1], strides = [1]} : vector<16xi32> to vector<1xi32>
        %squeeze3A_1463 = vector.extract %slice3A_1462[0] : i32 from vector<1xi32>
        %multiple_of3A_1464 = tpu.assume_multiple %squeeze3A_1463, 128 : i32
        %dma_start3A_1465 = arith.constant 7 : i32
        %dma_start3A_1466 = arith.constant 0 : i32
        %dma_start3A_1467 = arith.constant 0 : i32
        %dma_start3A_1468 = tpu.memref_slice %arg9[%dma_start3A_1465, %dma_start3A_1466, %dma_start3A_1467] : memref<16x8x128xf32, #tpu.memory_space<vmem>> -> memref<1x8x128xf32, #tpu.memory_space<vmem>>
        %dma_start3A_1469 = tpu.memref_squeeze %dma_start3A_1468 : memref<1x8x128xf32, #tpu.memory_space<vmem>> -> memref<8x128xf32, #tpu.memory_space<vmem>>
        %dma_start3A_1470 = arith.constant 0 : i32
        %dma_start3A_1471 = tpu.memref_slice %arg4[%dma_start3A_1470, %multiple_of3A_1461] : memref<16x1000000xf32, #tpu.memory_space<hbm>> -> memref<8x128xf32, #tpu.memory_space<hbm>>
        %dma_start3A_1472 = arith.constant 0 : i32
        %dma_start3A_1473 = arith.constant 0 : i32
        %dma_start3A_1474 = tpu.memref_slice %arg9[%dma_start3A_1465, %dma_start3A_1472, %dma_start3A_1473] : memref<16x8x128xf32, #tpu.memory_space<vmem>> -> memref<1x8x128xf32, #tpu.memory_space<vmem>>
        %dma_start3A_1475 = tpu.memref_squeeze %dma_start3A_1474 : memref<1x8x128xf32, #tpu.memory_space<vmem>> -> memref<8x128xf32, #tpu.memory_space<vmem>>
        %dma_start3A_1476 = arith.constant 0 : i32
        %dma_start3A_1477 = tpu.memref_slice %arg4[%dma_start3A_1476, %multiple_of3A_1461] : memref<16x1000000xf32, #tpu.memory_space<hbm>> -> memref<8x128xf32, #tpu.memory_space<hbm>>
        tpu.enqueue_dma source(%dma_start3A_1477 : memref<8x128xf32, #tpu.memory_space<hbm>>) target(%dma_start3A_1475 : memref<8x128xf32, #tpu.memory_space<vmem>>) target_semaphore(%arg14 : memref<!tpu.dma_semaphore, #tpu.memory_space<semaphore_mem>>)
        %dma_start3A_1478 = arith.constant 7 : i32
        %dma_start3A_1479 = arith.constant 0 : i32
        %dma_start3A_1480 = arith.constant 0 : i32
        %dma_start3A_1481 = tpu.memref_slice %arg10[%dma_start3A_1478, %dma_start3A_1479, %dma_start3A_1480] : memref<16x8x128xf32, #tpu.memory_space<vmem>> -> memref<1x8x128xf32, #tpu.memory_space<vmem>>
        %dma_start3A_1482 = tpu.memref_squeeze %dma_start3A_1481 : memref<1x8x128xf32, #tpu.memory_space<vmem>> -> memref<8x128xf32, #tpu.memory_space<vmem>>
        %dma_start3A_1483 = arith.constant 0 : i32
        %dma_start3A_1484 = tpu.memref_slice %arg5[%dma_start3A_1483, %multiple_of3A_1464] : memref<16x1000000xf32, #tpu.memory_space<hbm>> -> memref<8x128xf32, #tpu.memory_space<hbm>>
        %dma_start3A_1485 = arith.constant 0 : i32
        %dma_start3A_1486 = arith.constant 0 : i32
        %dma_start3A_1487 = tpu.memref_slice %arg10[%dma_start3A_1478, %dma_start3A_1485, %dma_start3A_1486] : memref<16x8x128xf32, #tpu.memory_space<vmem>> -> memref<1x8x128xf32, #tpu.memory_space<vmem>>
        %dma_start3A_1488 = tpu.memref_squeeze %dma_start3A_1487 : memref<1x8x128xf32, #tpu.memory_space<vmem>> -> memref<8x128xf32, #tpu.memory_space<vmem>>
        %dma_start3A_1489 = arith.constant 0 : i32
        %dma_start3A_1490 = tpu.memref_slice %arg5[%dma_start3A_1489, %multiple_of3A_1464] : memref<16x1000000xf32, #tpu.memory_space<hbm>> -> memref<8x128xf32, #tpu.memory_space<hbm>>
        tpu.enqueue_dma source(%dma_start3A_1490 : memref<8x128xf32, #tpu.memory_space<hbm>>) target(%dma_start3A_1488 : memref<8x128xf32, #tpu.memory_space<vmem>>) target_semaphore(%arg14 : memref<!tpu.dma_semaphore, #tpu.memory_space<semaphore_mem>>)
        %slice3A_1491 = vector.extract_strided_slice %mul3A_1228 {offsets = [8], sizes = [1], strides = [1]} : vector<16xi32> to vector<1xi32>
        %squeeze3A_1492 = vector.extract %slice3A_1491[0] : i32 from vector<1xi32>
        %multiple_of3A_1493 = tpu.assume_multiple %squeeze3A_1492, 128 : i32
        %slice3A_1494 = vector.extract_strided_slice %mul3A_1234 {offsets = [8], sizes = [1], strides = [1]} : vector<16xi32> to vector<1xi32>
        %squeeze3A_1495 = vector.extract %slice3A_1494[0] : i32 from vector<1xi32>
        %multiple_of3A_1496 = tpu.assume_multiple %squeeze3A_1495, 128 : i32
        %dma_start3A_1497 = arith.constant 8 : i32
        %dma_start3A_1498 = arith.constant 0 : i32
        %dma_start3A_1499 = arith.constant 0 : i32
        %dma_start3A_1500 = tpu.memref_slice %arg9[%dma_start3A_1497, %dma_start3A_1498, %dma_start3A_1499] : memref<16x8x128xf32, #tpu.memory_space<vmem>> -> memref<1x8x128xf32, #tpu.memory_space<vmem>>
        %dma_start3A_1501 = tpu.memref_squeeze %dma_start3A_1500 : memref<1x8x128xf32, #tpu.memory_space<vmem>> -> memref<8x128xf32, #tpu.memory_space<vmem>>
        %dma_start3A_1502 = arith.constant 0 : i32
        %dma_start3A_1503 = tpu.memref_slice %arg4[%dma_start3A_1502, %multiple_of3A_1493] : memref<16x1000000xf32, #tpu.memory_space<hbm>> -> memref<8x128xf32, #tpu.memory_space<hbm>>
        %dma_start3A_1504 = arith.constant 0 : i32
        %dma_start3A_1505 = arith.constant 0 : i32
        %dma_start3A_1506 = tpu.memref_slice %arg9[%dma_start3A_1497, %dma_start3A_1504, %dma_start3A_1505] : memref<16x8x128xf32, #tpu.memory_space<vmem>> -> memref<1x8x128xf32, #tpu.memory_space<vmem>>
        %dma_start3A_1507 = tpu.memref_squeeze %dma_start3A_1506 : memref<1x8x128xf32, #tpu.memory_space<vmem>> -> memref<8x128xf32, #tpu.memory_space<vmem>>
        %dma_start3A_1508 = arith.constant 0 : i32
        %dma_start3A_1509 = tpu.memref_slice %arg4[%dma_start3A_1508, %multiple_of3A_1493] : memref<16x1000000xf32, #tpu.memory_space<hbm>> -> memref<8x128xf32, #tpu.memory_space<hbm>>
        tpu.enqueue_dma source(%dma_start3A_1509 : memref<8x128xf32, #tpu.memory_space<hbm>>) target(%dma_start3A_1507 : memref<8x128xf32, #tpu.memory_space<vmem>>) target_semaphore(%arg14 : memref<!tpu.dma_semaphore, #tpu.memory_space<semaphore_mem>>)
        %dma_start3A_1510 = arith.constant 8 : i32
        %dma_start3A_1511 = arith.constant 0 : i32
        %dma_start3A_1512 = arith.constant 0 : i32
        %dma_start3A_1513 = tpu.memref_slice %arg10[%dma_start3A_1510, %dma_start3A_1511, %dma_start3A_1512] : memref<16x8x128xf32, #tpu.memory_space<vmem>> -> memref<1x8x128xf32, #tpu.memory_space<vmem>>
        %dma_start3A_1514 = tpu.memref_squeeze %dma_start3A_1513 : memref<1x8x128xf32, #tpu.memory_space<vmem>> -> memref<8x128xf32, #tpu.memory_space<vmem>>
        %dma_start3A_1515 = arith.constant 0 : i32
        %dma_start3A_1516 = tpu.memref_slice %arg5[%dma_start3A_1515, %multiple_of3A_1496] : memref<16x1000000xf32, #tpu.memory_space<hbm>> -> memref<8x128xf32, #tpu.memory_space<hbm>>
        %dma_start3A_1517 = arith.constant 0 : i32
        %dma_start3A_1518 = arith.constant 0 : i32
        %dma_start3A_1519 = tpu.memref_slice %arg10[%dma_start3A_1510, %dma_start3A_1517, %dma_start3A_1518] : memref<16x8x128xf32, #tpu.memory_space<vmem>> -> memref<1x8x128xf32, #tpu.memory_space<vmem>>
        %dma_start3A_1520 = tpu.memref_squeeze %dma_start3A_1519 : memref<1x8x128xf32, #tpu.memory_space<vmem>> -> memref<8x128xf32, #tpu.memory_space<vmem>>
        %dma_start3A_1521 = arith.constant 0 : i32
        %dma_start3A_1522 = tpu.memref_slice %arg5[%dma_start3A_1521, %multiple_of3A_1496] : memref<16x1000000xf32, #tpu.memory_space<hbm>> -> memref<8x128xf32, #tpu.memory_space<hbm>>
        tpu.enqueue_dma source(%dma_start3A_1522 : memref<8x128xf32, #tpu.memory_space<hbm>>) target(%dma_start3A_1520 : memref<8x128xf32, #tpu.memory_space<vmem>>) target_semaphore(%arg14 : memref<!tpu.dma_semaphore, #tpu.memory_space<semaphore_mem>>)
        %slice3A_1523 = vector.extract_strided_slice %mul3A_1228 {offsets = [9], sizes = [1], strides = [1]} : vector<16xi32> to vector<1xi32>
        %squeeze3A_1524 = vector.extract %slice3A_1523[0] : i32 from vector<1xi32>
        %multiple_of3A_1525 = tpu.assume_multiple %squeeze3A_1524, 128 : i32
        %slice3A_1526 = vector.extract_strided_slice %mul3A_1234 {offsets = [9], sizes = [1], strides = [1]} : vector<16xi32> to vector<1xi32>
        %squeeze3A_1527 = vector.extract %slice3A_1526[0] : i32 from vector<1xi32>
        %multiple_of3A_1528 = tpu.assume_multiple %squeeze3A_1527, 128 : i32
        %dma_start3A_1529 = arith.constant 9 : i32
        %dma_start3A_1530 = arith.constant 0 : i32
        %dma_start3A_1531 = arith.constant 0 : i32
        %dma_start3A_1532 = tpu.memref_slice %arg9[%dma_start3A_1529, %dma_start3A_1530, %dma_start3A_1531] : memref<16x8x128xf32, #tpu.memory_space<vmem>> -> memref<1x8x128xf32, #tpu.memory_space<vmem>>
        %dma_start3A_1533 = tpu.memref_squeeze %dma_start3A_1532 : memref<1x8x128xf32, #tpu.memory_space<vmem>> -> memref<8x128xf32, #tpu.memory_space<vmem>>
        %dma_start3A_1534 = arith.constant 0 : i32
        %dma_start3A_1535 = tpu.memref_slice %arg4[%dma_start3A_1534, %multiple_of3A_1525] : memref<16x1000000xf32, #tpu.memory_space<hbm>> -> memref<8x128xf32, #tpu.memory_space<hbm>>
        %dma_start3A_1536 = arith.constant 0 : i32
        %dma_start3A_1537 = arith.constant 0 : i32
        %dma_start3A_1538 = tpu.memref_slice %arg9[%dma_start3A_1529, %dma_start3A_1536, %dma_start3A_1537] : memref<16x8x128xf32, #tpu.memory_space<vmem>> -> memref<1x8x128xf32, #tpu.memory_space<vmem>>
        %dma_start3A_1539 = tpu.memref_squeeze %dma_start3A_1538 : memref<1x8x128xf32, #tpu.memory_space<vmem>> -> memref<8x128xf32, #tpu.memory_space<vmem>>
        %dma_start3A_1540 = arith.constant 0 : i32
        %dma_start3A_1541 = tpu.memref_slice %arg4[%dma_start3A_1540, %multiple_of3A_1525] : memref<16x1000000xf32, #tpu.memory_space<hbm>> -> memref<8x128xf32, #tpu.memory_space<hbm>>
        tpu.enqueue_dma source(%dma_start3A_1541 : memref<8x128xf32, #tpu.memory_space<hbm>>) target(%dma_start3A_1539 : memref<8x128xf32, #tpu.memory_space<vmem>>) target_semaphore(%arg14 : memref<!tpu.dma_semaphore, #tpu.memory_space<semaphore_mem>>)
        %dma_start3A_1542 = arith.constant 9 : i32
        %dma_start3A_1543 = arith.constant 0 : i32
        %dma_start3A_1544 = arith.constant 0 : i32
        %dma_start3A_1545 = tpu.memref_slice %arg10[%dma_start3A_1542, %dma_start3A_1543, %dma_start3A_1544] : memref<16x8x128xf32, #tpu.memory_space<vmem>> -> memref<1x8x128xf32, #tpu.memory_space<vmem>>
        %dma_start3A_1546 = tpu.memref_squeeze %dma_start3A_1545 : memref<1x8x128xf32, #tpu.memory_space<vmem>> -> memref<8x128xf32, #tpu.memory_space<vmem>>
        %dma_start3A_1547 = arith.constant 0 : i32
        %dma_start3A_1548 = tpu.memref_slice %arg5[%dma_start3A_1547, %multiple_of3A_1528] : memref<16x1000000xf32, #tpu.memory_space<hbm>> -> memref<8x128xf32, #tpu.memory_space<hbm>>
        %dma_start3A_1549 = arith.constant 0 : i32
        %dma_start3A_1550 = arith.constant 0 : i32
        %dma_start3A_1551 = tpu.memref_slice %arg10[%dma_start3A_1542, %dma_start3A_1549, %dma_start3A_1550] : memref<16x8x128xf32, #tpu.memory_space<vmem>> -> memref<1x8x128xf32, #tpu.memory_space<vmem>>
        %dma_start3A_1552 = tpu.memref_squeeze %dma_start3A_1551 : memref<1x8x128xf32, #tpu.memory_space<vmem>> -> memref<8x128xf32, #tpu.memory_space<vmem>>
        %dma_start3A_1553 = arith.constant 0 : i32
        %dma_start3A_1554 = tpu.memref_slice %arg5[%dma_start3A_1553, %multiple_of3A_1528] : memref<16x1000000xf32, #tpu.memory_space<hbm>> -> memref<8x128xf32, #tpu.memory_space<hbm>>
        tpu.enqueue_dma source(%dma_start3A_1554 : memref<8x128xf32, #tpu.memory_space<hbm>>) target(%dma_start3A_1552 : memref<8x128xf32, #tpu.memory_space<vmem>>) target_semaphore(%arg14 : memref<!tpu.dma_semaphore, #tpu.memory_space<semaphore_mem>>)
        %slice3A_1555 = vector.extract_strided_slice %mul3A_1228 {offsets = [10], sizes = [1], strides = [1]} : vector<16xi32> to vector<1xi32>
        %squeeze3A_1556 = vector.extract %slice3A_1555[0] : i32 from vector<1xi32>
        %multiple_of3A_1557 = tpu.assume_multiple %squeeze3A_1556, 128 : i32
        %slice3A_1558 = vector.extract_strided_slice %mul3A_1234 {offsets = [10], sizes = [1], strides = [1]} : vector<16xi32> to vector<1xi32>
        %squeeze3A_1559 = vector.extract %slice3A_1558[0] : i32 from vector<1xi32>
        %multiple_of3A_1560 = tpu.assume_multiple %squeeze3A_1559, 128 : i32
        %dma_start3A_1561 = arith.constant 10 : i32
        %dma_start3A_1562 = arith.constant 0 : i32
        %dma_start3A_1563 = arith.constant 0 : i32
        %dma_start3A_1564 = tpu.memref_slice %arg9[%dma_start3A_1561, %dma_start3A_1562, %dma_start3A_1563] : memref<16x8x128xf32, #tpu.memory_space<vmem>> -> memref<1x8x128xf32, #tpu.memory_space<vmem>>
        %dma_start3A_1565 = tpu.memref_squeeze %dma_start3A_1564 : memref<1x8x128xf32, #tpu.memory_space<vmem>> -> memref<8x128xf32, #tpu.memory_space<vmem>>
        %dma_start3A_1566 = arith.constant 0 : i32
        %dma_start3A_1567 = tpu.memref_slice %arg4[%dma_start3A_1566, %multiple_of3A_1557] : memref<16x1000000xf32, #tpu.memory_space<hbm>> -> memref<8x128xf32, #tpu.memory_space<hbm>>
        %dma_start3A_1568 = arith.constant 0 : i32
        %dma_start3A_1569 = arith.constant 0 : i32
        %dma_start3A_1570 = tpu.memref_slice %arg9[%dma_start3A_1561, %dma_start3A_1568, %dma_start3A_1569] : memref<16x8x128xf32, #tpu.memory_space<vmem>> -> memref<1x8x128xf32, #tpu.memory_space<vmem>>
        %dma_start3A_1571 = tpu.memref_squeeze %dma_start3A_1570 : memref<1x8x128xf32, #tpu.memory_space<vmem>> -> memref<8x128xf32, #tpu.memory_space<vmem>>
        %dma_start3A_1572 = arith.constant 0 : i32
        %dma_start3A_1573 = tpu.memref_slice %arg4[%dma_start3A_1572, %multiple_of3A_1557] : memref<16x1000000xf32, #tpu.memory_space<hbm>> -> memref<8x128xf32, #tpu.memory_space<hbm>>
        tpu.enqueue_dma source(%dma_start3A_1573 : memref<8x128xf32, #tpu.memory_space<hbm>>) target(%dma_start3A_1571 : memref<8x128xf32, #tpu.memory_space<vmem>>) target_semaphore(%arg14 : memref<!tpu.dma_semaphore, #tpu.memory_space<semaphore_mem>>)
        %dma_start3A_1574 = arith.constant 10 : i32
        %dma_start3A_1575 = arith.constant 0 : i32
        %dma_start3A_1576 = arith.constant 0 : i32
        %dma_start3A_1577 = tpu.memref_slice %arg10[%dma_start3A_1574, %dma_start3A_1575, %dma_start3A_1576] : memref<16x8x128xf32, #tpu.memory_space<vmem>> -> memref<1x8x128xf32, #tpu.memory_space<vmem>>
        %dma_start3A_1578 = tpu.memref_squeeze %dma_start3A_1577 : memref<1x8x128xf32, #tpu.memory_space<vmem>> -> memref<8x128xf32, #tpu.memory_space<vmem>>
        %dma_start3A_1579 = arith.constant 0 : i32
        %dma_start3A_1580 = tpu.memref_slice %arg5[%dma_start3A_1579, %multiple_of3A_1560] : memref<16x1000000xf32, #tpu.memory_space<hbm>> -> memref<8x128xf32, #tpu.memory_space<hbm>>
        %dma_start3A_1581 = arith.constant 0 : i32
        %dma_start3A_1582 = arith.constant 0 : i32
        %dma_start3A_1583 = tpu.memref_slice %arg10[%dma_start3A_1574, %dma_start3A_1581, %dma_start3A_1582] : memref<16x8x128xf32, #tpu.memory_space<vmem>> -> memref<1x8x128xf32, #tpu.memory_space<vmem>>
        %dma_start3A_1584 = tpu.memref_squeeze %dma_start3A_1583 : memref<1x8x128xf32, #tpu.memory_space<vmem>> -> memref<8x128xf32, #tpu.memory_space<vmem>>
        %dma_start3A_1585 = arith.constant 0 : i32
        %dma_start3A_1586 = tpu.memref_slice %arg5[%dma_start3A_1585, %multiple_of3A_1560] : memref<16x1000000xf32, #tpu.memory_space<hbm>> -> memref<8x128xf32, #tpu.memory_space<hbm>>
        tpu.enqueue_dma source(%dma_start3A_1586 : memref<8x128xf32, #tpu.memory_space<hbm>>) target(%dma_start3A_1584 : memref<8x128xf32, #tpu.memory_space<vmem>>) target_semaphore(%arg14 : memref<!tpu.dma_semaphore, #tpu.memory_space<semaphore_mem>>)
        %slice3A_1587 = vector.extract_strided_slice %mul3A_1228 {offsets = [11], sizes = [1], strides = [1]} : vector<16xi32> to vector<1xi32>
        %squeeze3A_1588 = vector.extract %slice3A_1587[0] : i32 from vector<1xi32>
        %multiple_of3A_1589 = tpu.assume_multiple %squeeze3A_1588, 128 : i32
        %slice3A_1590 = vector.extract_strided_slice %mul3A_1234 {offsets = [11], sizes = [1], strides = [1]} : vector<16xi32> to vector<1xi32>
        %squeeze3A_1591 = vector.extract %slice3A_1590[0] : i32 from vector<1xi32>
        %multiple_of3A_1592 = tpu.assume_multiple %squeeze3A_1591, 128 : i32
        %dma_start3A_1593 = arith.constant 11 : i32
        %dma_start3A_1594 = arith.constant 0 : i32
        %dma_start3A_1595 = arith.constant 0 : i32
        %dma_start3A_1596 = tpu.memref_slice %arg9[%dma_start3A_1593, %dma_start3A_1594, %dma_start3A_1595] : memref<16x8x128xf32, #tpu.memory_space<vmem>> -> memref<1x8x128xf32, #tpu.memory_space<vmem>>
        %dma_start3A_1597 = tpu.memref_squeeze %dma_start3A_1596 : memref<1x8x128xf32, #tpu.memory_space<vmem>> -> memref<8x128xf32, #tpu.memory_space<vmem>>
        %dma_start3A_1598 = arith.constant 0 : i32
        %dma_start3A_1599 = tpu.memref_slice %arg4[%dma_start3A_1598, %multiple_of3A_1589] : memref<16x1000000xf32, #tpu.memory_space<hbm>> -> memref<8x128xf32, #tpu.memory_space<hbm>>
        %dma_start3A_1600 = arith.constant 0 : i32
        %dma_start3A_1601 = arith.constant 0 : i32
        %dma_start3A_1602 = tpu.memref_slice %arg9[%dma_start3A_1593, %dma_start3A_1600, %dma_start3A_1601] : memref<16x8x128xf32, #tpu.memory_space<vmem>> -> memref<1x8x128xf32, #tpu.memory_space<vmem>>
        %dma_start3A_1603 = tpu.memref_squeeze %dma_start3A_1602 : memref<1x8x128xf32, #tpu.memory_space<vmem>> -> memref<8x128xf32, #tpu.memory_space<vmem>>
        %dma_start3A_1604 = arith.constant 0 : i32
        %dma_start3A_1605 = tpu.memref_slice %arg4[%dma_start3A_1604, %multiple_of3A_1589] : memref<16x1000000xf32, #tpu.memory_space<hbm>> -> memref<8x128xf32, #tpu.memory_space<hbm>>
        tpu.enqueue_dma source(%dma_start3A_1605 : memref<8x128xf32, #tpu.memory_space<hbm>>) target(%dma_start3A_1603 : memref<8x128xf32, #tpu.memory_space<vmem>>) target_semaphore(%arg14 : memref<!tpu.dma_semaphore, #tpu.memory_space<semaphore_mem>>)
        %dma_start3A_1606 = arith.constant 11 : i32
        %dma_start3A_1607 = arith.constant 0 : i32
        %dma_start3A_1608 = arith.constant 0 : i32
        %dma_start3A_1609 = tpu.memref_slice %arg10[%dma_start3A_1606, %dma_start3A_1607, %dma_start3A_1608] : memref<16x8x128xf32, #tpu.memory_space<vmem>> -> memref<1x8x128xf32, #tpu.memory_space<vmem>>
        %dma_start3A_1610 = tpu.memref_squeeze %dma_start3A_1609 : memref<1x8x128xf32, #tpu.memory_space<vmem>> -> memref<8x128xf32, #tpu.memory_space<vmem>>
        %dma_start3A_1611 = arith.constant 0 : i32
        %dma_start3A_1612 = tpu.memref_slice %arg5[%dma_start3A_1611, %multiple_of3A_1592] : memref<16x1000000xf32, #tpu.memory_space<hbm>> -> memref<8x128xf32, #tpu.memory_space<hbm>>
        %dma_start3A_1613 = arith.constant 0 : i32
        %dma_start3A_1614 = arith.constant 0 : i32
        %dma_start3A_1615 = tpu.memref_slice %arg10[%dma_start3A_1606, %dma_start3A_1613, %dma_start3A_1614] : memref<16x8x128xf32, #tpu.memory_space<vmem>> -> memref<1x8x128xf32, #tpu.memory_space<vmem>>
        %dma_start3A_1616 = tpu.memref_squeeze %dma_start3A_1615 : memref<1x8x128xf32, #tpu.memory_space<vmem>> -> memref<8x128xf32, #tpu.memory_space<vmem>>
        %dma_start3A_1617 = arith.constant 0 : i32
        %dma_start3A_1618 = tpu.memref_slice %arg5[%dma_start3A_1617, %multiple_of3A_1592] : memref<16x1000000xf32, #tpu.memory_space<hbm>> -> memref<8x128xf32, #tpu.memory_space<hbm>>
        tpu.enqueue_dma source(%dma_start3A_1618 : memref<8x128xf32, #tpu.memory_space<hbm>>) target(%dma_start3A_1616 : memref<8x128xf32, #tpu.memory_space<vmem>>) target_semaphore(%arg14 : memref<!tpu.dma_semaphore, #tpu.memory_space<semaphore_mem>>)
        %slice3A_1619 = vector.extract_strided_slice %mul3A_1228 {offsets = [12], sizes = [1], strides = [1]} : vector<16xi32> to vector<1xi32>
        %squeeze3A_1620 = vector.extract %slice3A_1619[0] : i32 from vector<1xi32>
        %multiple_of3A_1621 = tpu.assume_multiple %squeeze3A_1620, 128 : i32
        %slice3A_1622 = vector.extract_strided_slice %mul3A_1234 {offsets = [12], sizes = [1], strides = [1]} : vector<16xi32> to vector<1xi32>
        %squeeze3A_1623 = vector.extract %slice3A_1622[0] : i32 from vector<1xi32>
        %multiple_of3A_1624 = tpu.assume_multiple %squeeze3A_1623, 128 : i32
        %dma_start3A_1625 = arith.constant 12 : i32
        %dma_start3A_1626 = arith.constant 0 : i32
        %dma_start3A_1627 = arith.constant 0 : i32
        %dma_start3A_1628 = tpu.memref_slice %arg9[%dma_start3A_1625, %dma_start3A_1626, %dma_start3A_1627] : memref<16x8x128xf32, #tpu.memory_space<vmem>> -> memref<1x8x128xf32, #tpu.memory_space<vmem>>
        %dma_start3A_1629 = tpu.memref_squeeze %dma_start3A_1628 : memref<1x8x128xf32, #tpu.memory_space<vmem>> -> memref<8x128xf32, #tpu.memory_space<vmem>>
        %dma_start3A_1630 = arith.constant 0 : i32
        %dma_start3A_1631 = tpu.memref_slice %arg4[%dma_start3A_1630, %multiple_of3A_1621] : memref<16x1000000xf32, #tpu.memory_space<hbm>> -> memref<8x128xf32, #tpu.memory_space<hbm>>
        %dma_start3A_1632 = arith.constant 0 : i32
        %dma_start3A_1633 = arith.constant 0 : i32
        %dma_start3A_1634 = tpu.memref_slice %arg9[%dma_start3A_1625, %dma_start3A_1632, %dma_start3A_1633] : memref<16x8x128xf32, #tpu.memory_space<vmem>> -> memref<1x8x128xf32, #tpu.memory_space<vmem>>
        %dma_start3A_1635 = tpu.memref_squeeze %dma_start3A_1634 : memref<1x8x128xf32, #tpu.memory_space<vmem>> -> memref<8x128xf32, #tpu.memory_space<vmem>>
        %dma_start3A_1636 = arith.constant 0 : i32
        %dma_start3A_1637 = tpu.memref_slice %arg4[%dma_start3A_1636, %multiple_of3A_1621] : memref<16x1000000xf32, #tpu.memory_space<hbm>> -> memref<8x128xf32, #tpu.memory_space<hbm>>
        tpu.enqueue_dma source(%dma_start3A_1637 : memref<8x128xf32, #tpu.memory_space<hbm>>) target(%dma_start3A_1635 : memref<8x128xf32, #tpu.memory_space<vmem>>) target_semaphore(%arg14 : memref<!tpu.dma_semaphore, #tpu.memory_space<semaphore_mem>>)
        %dma_start3A_1638 = arith.constant 12 : i32
        %dma_start3A_1639 = arith.constant 0 : i32
        %dma_start3A_1640 = arith.constant 0 : i32
        %dma_start3A_1641 = tpu.memref_slice %arg10[%dma_start3A_1638, %dma_start3A_1639, %dma_start3A_1640] : memref<16x8x128xf32, #tpu.memory_space<vmem>> -> memref<1x8x128xf32, #tpu.memory_space<vmem>>
        %dma_start3A_1642 = tpu.memref_squeeze %dma_start3A_1641 : memref<1x8x128xf32, #tpu.memory_space<vmem>> -> memref<8x128xf32, #tpu.memory_space<vmem>>
        %dma_start3A_1643 = arith.constant 0 : i32
        %dma_start3A_1644 = tpu.memref_slice %arg5[%dma_start3A_1643, %multiple_of3A_1624] : memref<16x1000000xf32, #tpu.memory_space<hbm>> -> memref<8x128xf32, #tpu.memory_space<hbm>>
        %dma_start3A_1645 = arith.constant 0 : i32
        %dma_start3A_1646 = arith.constant 0 : i32
        %dma_start3A_1647 = tpu.memref_slice %arg10[%dma_start3A_1638, %dma_start3A_1645, %dma_start3A_1646] : memref<16x8x128xf32, #tpu.memory_space<vmem>> -> memref<1x8x128xf32, #tpu.memory_space<vmem>>
        %dma_start3A_1648 = tpu.memref_squeeze %dma_start3A_1647 : memref<1x8x128xf32, #tpu.memory_space<vmem>> -> memref<8x128xf32, #tpu.memory_space<vmem>>
        %dma_start3A_1649 = arith.constant 0 : i32
        %dma_start3A_1650 = tpu.memref_slice %arg5[%dma_start3A_1649, %multiple_of3A_1624] : memref<16x1000000xf32, #tpu.memory_space<hbm>> -> memref<8x128xf32, #tpu.memory_space<hbm>>
        tpu.enqueue_dma source(%dma_start3A_1650 : memref<8x128xf32, #tpu.memory_space<hbm>>) target(%dma_start3A_1648 : memref<8x128xf32, #tpu.memory_space<vmem>>) target_semaphore(%arg14 : memref<!tpu.dma_semaphore, #tpu.memory_space<semaphore_mem>>)
        %slice3A_1651 = vector.extract_strided_slice %mul3A_1228 {offsets = [13], sizes = [1], strides = [1]} : vector<16xi32> to vector<1xi32>
        %squeeze3A_1652 = vector.extract %slice3A_1651[0] : i32 from vector<1xi32>
        %multiple_of3A_1653 = tpu.assume_multiple %squeeze3A_1652, 128 : i32
        %slice3A_1654 = vector.extract_strided_slice %mul3A_1234 {offsets = [13], sizes = [1], strides = [1]} : vector<16xi32> to vector<1xi32>
        %squeeze3A_1655 = vector.extract %slice3A_1654[0] : i32 from vector<1xi32>
        %multiple_of3A_1656 = tpu.assume_multiple %squeeze3A_1655, 128 : i32
        %dma_start3A_1657 = arith.constant 13 : i32
        %dma_start3A_1658 = arith.constant 0 : i32
        %dma_start3A_1659 = arith.constant 0 : i32
        %dma_start3A_1660 = tpu.memref_slice %arg9[%dma_start3A_1657, %dma_start3A_1658, %dma_start3A_1659] : memref<16x8x128xf32, #tpu.memory_space<vmem>> -> memref<1x8x128xf32, #tpu.memory_space<vmem>>
        %dma_start3A_1661 = tpu.memref_squeeze %dma_start3A_1660 : memref<1x8x128xf32, #tpu.memory_space<vmem>> -> memref<8x128xf32, #tpu.memory_space<vmem>>
        %dma_start3A_1662 = arith.constant 0 : i32
        %dma_start3A_1663 = tpu.memref_slice %arg4[%dma_start3A_1662, %multiple_of3A_1653] : memref<16x1000000xf32, #tpu.memory_space<hbm>> -> memref<8x128xf32, #tpu.memory_space<hbm>>
        %dma_start3A_1664 = arith.constant 0 : i32
        %dma_start3A_1665 = arith.constant 0 : i32
        %dma_start3A_1666 = tpu.memref_slice %arg9[%dma_start3A_1657, %dma_start3A_1664, %dma_start3A_1665] : memref<16x8x128xf32, #tpu.memory_space<vmem>> -> memref<1x8x128xf32, #tpu.memory_space<vmem>>
        %dma_start3A_1667 = tpu.memref_squeeze %dma_start3A_1666 : memref<1x8x128xf32, #tpu.memory_space<vmem>> -> memref<8x128xf32, #tpu.memory_space<vmem>>
        %dma_start3A_1668 = arith.constant 0 : i32
        %dma_start3A_1669 = tpu.memref_slice %arg4[%dma_start3A_1668, %multiple_of3A_1653] : memref<16x1000000xf32, #tpu.memory_space<hbm>> -> memref<8x128xf32, #tpu.memory_space<hbm>>
        tpu.enqueue_dma source(%dma_start3A_1669 : memref<8x128xf32, #tpu.memory_space<hbm>>) target(%dma_start3A_1667 : memref<8x128xf32, #tpu.memory_space<vmem>>) target_semaphore(%arg14 : memref<!tpu.dma_semaphore, #tpu.memory_space<semaphore_mem>>)
        %dma_start3A_1670 = arith.constant 13 : i32
        %dma_start3A_1671 = arith.constant 0 : i32
        %dma_start3A_1672 = arith.constant 0 : i32
        %dma_start3A_1673 = tpu.memref_slice %arg10[%dma_start3A_1670, %dma_start3A_1671, %dma_start3A_1672] : memref<16x8x128xf32, #tpu.memory_space<vmem>> -> memref<1x8x128xf32, #tpu.memory_space<vmem>>
        %dma_start3A_1674 = tpu.memref_squeeze %dma_start3A_1673 : memref<1x8x128xf32, #tpu.memory_space<vmem>> -> memref<8x128xf32, #tpu.memory_space<vmem>>
        %dma_start3A_1675 = arith.constant 0 : i32
        %dma_start3A_1676 = tpu.memref_slice %arg5[%dma_start3A_1675, %multiple_of3A_1656] : memref<16x1000000xf32, #tpu.memory_space<hbm>> -> memref<8x128xf32, #tpu.memory_space<hbm>>
        %dma_start3A_1677 = arith.constant 0 : i32
        %dma_start3A_1678 = arith.constant 0 : i32
        %dma_start3A_1679 = tpu.memref_slice %arg10[%dma_start3A_1670, %dma_start3A_1677, %dma_start3A_1678] : memref<16x8x128xf32, #tpu.memory_space<vmem>> -> memref<1x8x128xf32, #tpu.memory_space<vmem>>
        %dma_start3A_1680 = tpu.memref_squeeze %dma_start3A_1679 : memref<1x8x128xf32, #tpu.memory_space<vmem>> -> memref<8x128xf32, #tpu.memory_space<vmem>>
        %dma_start3A_1681 = arith.constant 0 : i32
        %dma_start3A_1682 = tpu.memref_slice %arg5[%dma_start3A_1681, %multiple_of3A_1656] : memref<16x1000000xf32, #tpu.memory_space<hbm>> -> memref<8x128xf32, #tpu.memory_space<hbm>>
        tpu.enqueue_dma source(%dma_start3A_1682 : memref<8x128xf32, #tpu.memory_space<hbm>>) target(%dma_start3A_1680 : memref<8x128xf32, #tpu.memory_space<vmem>>) target_semaphore(%arg14 : memref<!tpu.dma_semaphore, #tpu.memory_space<semaphore_mem>>)
        %slice3A_1683 = vector.extract_strided_slice %mul3A_1228 {offsets = [14], sizes = [1], strides = [1]} : vector<16xi32> to vector<1xi32>
        %squeeze3A_1684 = vector.extract %slice3A_1683[0] : i32 from vector<1xi32>
        %multiple_of3A_1685 = tpu.assume_multiple %squeeze3A_1684, 128 : i32
        %slice3A_1686 = vector.extract_strided_slice %mul3A_1234 {offsets = [14], sizes = [1], strides = [1]} : vector<16xi32> to vector<1xi32>
        %squeeze3A_1687 = vector.extract %slice3A_1686[0] : i32 from vector<1xi32>
        %multiple_of3A_1688 = tpu.assume_multiple %squeeze3A_1687, 128 : i32
        %dma_start3A_1689 = arith.constant 14 : i32
        %dma_start3A_1690 = arith.constant 0 : i32
        %dma_start3A_1691 = arith.constant 0 : i32
        %dma_start3A_1692 = tpu.memref_slice %arg9[%dma_start3A_1689, %dma_start3A_1690, %dma_start3A_1691] : memref<16x8x128xf32, #tpu.memory_space<vmem>> -> memref<1x8x128xf32, #tpu.memory_space<vmem>>
        %dma_start3A_1693 = tpu.memref_squeeze %dma_start3A_1692 : memref<1x8x128xf32, #tpu.memory_space<vmem>> -> memref<8x128xf32, #tpu.memory_space<vmem>>
        %dma_start3A_1694 = arith.constant 0 : i32
        %dma_start3A_1695 = tpu.memref_slice %arg4[%dma_start3A_1694, %multiple_of3A_1685] : memref<16x1000000xf32, #tpu.memory_space<hbm>> -> memref<8x128xf32, #tpu.memory_space<hbm>>
        %dma_start3A_1696 = arith.constant 0 : i32
        %dma_start3A_1697 = arith.constant 0 : i32
        %dma_start3A_1698 = tpu.memref_slice %arg9[%dma_start3A_1689, %dma_start3A_1696, %dma_start3A_1697] : memref<16x8x128xf32, #tpu.memory_space<vmem>> -> memref<1x8x128xf32, #tpu.memory_space<vmem>>
        %dma_start3A_1699 = tpu.memref_squeeze %dma_start3A_1698 : memref<1x8x128xf32, #tpu.memory_space<vmem>> -> memref<8x128xf32, #tpu.memory_space<vmem>>
        %dma_start3A_1700 = arith.constant 0 : i32
        %dma_start3A_1701 = tpu.memref_slice %arg4[%dma_start3A_1700, %multiple_of3A_1685] : memref<16x1000000xf32, #tpu.memory_space<hbm>> -> memref<8x128xf32, #tpu.memory_space<hbm>>
        tpu.enqueue_dma source(%dma_start3A_1701 : memref<8x128xf32, #tpu.memory_space<hbm>>) target(%dma_start3A_1699 : memref<8x128xf32, #tpu.memory_space<vmem>>) target_semaphore(%arg14 : memref<!tpu.dma_semaphore, #tpu.memory_space<semaphore_mem>>)
        %dma_start3A_1702 = arith.constant 14 : i32
        %dma_start3A_1703 = arith.constant 0 : i32
        %dma_start3A_1704 = arith.constant 0 : i32
        %dma_start3A_1705 = tpu.memref_slice %arg10[%dma_start3A_1702, %dma_start3A_1703, %dma_start3A_1704] : memref<16x8x128xf32, #tpu.memory_space<vmem>> -> memref<1x8x128xf32, #tpu.memory_space<vmem>>
        %dma_start3A_1706 = tpu.memref_squeeze %dma_start3A_1705 : memref<1x8x128xf32, #tpu.memory_space<vmem>> -> memref<8x128xf32, #tpu.memory_space<vmem>>
        %dma_start3A_1707 = arith.constant 0 : i32
        %dma_start3A_1708 = tpu.memref_slice %arg5[%dma_start3A_1707, %multiple_of3A_1688] : memref<16x1000000xf32, #tpu.memory_space<hbm>> -> memref<8x128xf32, #tpu.memory_space<hbm>>
        %dma_start3A_1709 = arith.constant 0 : i32
        %dma_start3A_1710 = arith.constant 0 : i32
        %dma_start3A_1711 = tpu.memref_slice %arg10[%dma_start3A_1702, %dma_start3A_1709, %dma_start3A_1710] : memref<16x8x128xf32, #tpu.memory_space<vmem>> -> memref<1x8x128xf32, #tpu.memory_space<vmem>>
        %dma_start3A_1712 = tpu.memref_squeeze %dma_start3A_1711 : memref<1x8x128xf32, #tpu.memory_space<vmem>> -> memref<8x128xf32, #tpu.memory_space<vmem>>
        %dma_start3A_1713 = arith.constant 0 : i32
        %dma_start3A_1714 = tpu.memref_slice %arg5[%dma_start3A_1713, %multiple_of3A_1688] : memref<16x1000000xf32, #tpu.memory_space<hbm>> -> memref<8x128xf32, #tpu.memory_space<hbm>>
        tpu.enqueue_dma source(%dma_start3A_1714 : memref<8x128xf32, #tpu.memory_space<hbm>>) target(%dma_start3A_1712 : memref<8x128xf32, #tpu.memory_space<vmem>>) target_semaphore(%arg14 : memref<!tpu.dma_semaphore, #tpu.memory_space<semaphore_mem>>)
        %slice3A_1715 = vector.extract_strided_slice %mul3A_1228 {offsets = [15], sizes = [1], strides = [1]} : vector<16xi32> to vector<1xi32>
        %squeeze3A_1716 = vector.extract %slice3A_1715[0] : i32 from vector<1xi32>
        %multiple_of3A_1717 = tpu.assume_multiple %squeeze3A_1716, 128 : i32
        %slice3A_1718 = vector.extract_strided_slice %mul3A_1234 {offsets = [15], sizes = [1], strides = [1]} : vector<16xi32> to vector<1xi32>
        %squeeze3A_1719 = vector.extract %slice3A_1718[0] : i32 from vector<1xi32>
        %multiple_of3A_1720 = tpu.assume_multiple %squeeze3A_1719, 128 : i32
        %dma_start3A_1721 = arith.constant 15 : i32
        %dma_start3A_1722 = arith.constant 0 : i32
        %dma_start3A_1723 = arith.constant 0 : i32
        %dma_start3A_1724 = tpu.memref_slice %arg9[%dma_start3A_1721, %dma_start3A_1722, %dma_start3A_1723] : memref<16x8x128xf32, #tpu.memory_space<vmem>> -> memref<1x8x128xf32, #tpu.memory_space<vmem>>
        %dma_start3A_1725 = tpu.memref_squeeze %dma_start3A_1724 : memref<1x8x128xf32, #tpu.memory_space<vmem>> -> memref<8x128xf32, #tpu.memory_space<vmem>>
        %dma_start3A_1726 = arith.constant 0 : i32
        %dma_start3A_1727 = tpu.memref_slice %arg4[%dma_start3A_1726, %multiple_of3A_1717] : memref<16x1000000xf32, #tpu.memory_space<hbm>> -> memref<8x128xf32, #tpu.memory_space<hbm>>
        %dma_start3A_1728 = arith.constant 0 : i32
        %dma_start3A_1729 = arith.constant 0 : i32
        %dma_start3A_1730 = tpu.memref_slice %arg9[%dma_start3A_1721, %dma_start3A_1728, %dma_start3A_1729] : memref<16x8x128xf32, #tpu.memory_space<vmem>> -> memref<1x8x128xf32, #tpu.memory_space<vmem>>
        %dma_start3A_1731 = tpu.memref_squeeze %dma_start3A_1730 : memref<1x8x128xf32, #tpu.memory_space<vmem>> -> memref<8x128xf32, #tpu.memory_space<vmem>>
        %dma_start3A_1732 = arith.constant 0 : i32
        %dma_start3A_1733 = tpu.memref_slice %arg4[%dma_start3A_1732, %multiple_of3A_1717] : memref<16x1000000xf32, #tpu.memory_space<hbm>> -> memref<8x128xf32, #tpu.memory_space<hbm>>
        tpu.enqueue_dma source(%dma_start3A_1733 : memref<8x128xf32, #tpu.memory_space<hbm>>) target(%dma_start3A_1731 : memref<8x128xf32, #tpu.memory_space<vmem>>) target_semaphore(%arg14 : memref<!tpu.dma_semaphore, #tpu.memory_space<semaphore_mem>>)
        %dma_start3A_1734 = arith.constant 15 : i32
        %dma_start3A_1735 = arith.constant 0 : i32
        %dma_start3A_1736 = arith.constant 0 : i32
        %dma_start3A_1737 = tpu.memref_slice %arg10[%dma_start3A_1734, %dma_start3A_1735, %dma_start3A_1736] : memref<16x8x128xf32, #tpu.memory_space<vmem>> -> memref<1x8x128xf32, #tpu.memory_space<vmem>>
        %dma_start3A_1738 = tpu.memref_squeeze %dma_start3A_1737 : memref<1x8x128xf32, #tpu.memory_space<vmem>> -> memref<8x128xf32, #tpu.memory_space<vmem>>
        %dma_start3A_1739 = arith.constant 0 : i32
        %dma_start3A_1740 = tpu.memref_slice %arg5[%dma_start3A_1739, %multiple_of3A_1720] : memref<16x1000000xf32, #tpu.memory_space<hbm>> -> memref<8x128xf32, #tpu.memory_space<hbm>>
        %dma_start3A_1741 = arith.constant 0 : i32
        %dma_start3A_1742 = arith.constant 0 : i32
        %dma_start3A_1743 = tpu.memref_slice %arg10[%dma_start3A_1734, %dma_start3A_1741, %dma_start3A_1742] : memref<16x8x128xf32, #tpu.memory_space<vmem>> -> memref<1x8x128xf32, #tpu.memory_space<vmem>>
        %dma_start3A_1744 = tpu.memref_squeeze %dma_start3A_1743 : memref<1x8x128xf32, #tpu.memory_space<vmem>> -> memref<8x128xf32, #tpu.memory_space<vmem>>
        %dma_start3A_1745 = arith.constant 0 : i32
        %dma_start3A_1746 = tpu.memref_slice %arg5[%dma_start3A_1745, %multiple_of3A_1720] : memref<16x1000000xf32, #tpu.memory_space<hbm>> -> memref<8x128xf32, #tpu.memory_space<hbm>>
        tpu.enqueue_dma source(%dma_start3A_1746 : memref<8x128xf32, #tpu.memory_space<hbm>>) target(%dma_start3A_1744 : memref<8x128xf32, #tpu.memory_space<vmem>>) target_semaphore(%arg14 : memref<!tpu.dma_semaphore, #tpu.memory_space<semaphore_mem>>)
      } else {
      }
      %scan3A_1130 = arith.constant 0 : i32
      %scan3A_1131 = arith.constant 0 : i32
      %scan3A_1132 = arith.constant 16 : i32
      %scan3A_1133 = arith.addi %scan3A_1131, %scan3A_1132 : i32
      %scan3A_1134 = arith.constant 1 : i32
      scf.for %scan3A_1215 = %scan3A_1131 to %scan3A_1133 step %scan3A_1134  : i32 {
        %dma_wait3A = arith.constant 0 : i32
        %dma_wait3A_1216 = arith.constant 0 : i32
        %dma_wait3A_1217 = arith.constant 0 : i32
        %dma_wait3A_1218 = tpu.memref_slice %arg11[%dma_wait3A, %dma_wait3A_1216, %dma_wait3A_1217] : memref<16x8x128xf32, #tpu.memory_space<vmem>> -> memref<1x8x128xf32, #tpu.memory_space<vmem>>
        %dma_wait3A_1219 = tpu.memref_squeeze %dma_wait3A_1218 : memref<1x8x128xf32, #tpu.memory_space<vmem>> -> memref<8x128xf32, #tpu.memory_space<vmem>>
        %dma_wait3A_1220 = arith.constant 0 : i32
        %dma_wait3A_1221 = arith.constant 0 : i32
        %dma_wait3A_1222 = tpu.memref_slice %arg4[%dma_wait3A_1220, %dma_wait3A_1221] : memref<16x1000000xf32, #tpu.memory_space<hbm>> -> memref<8x128xf32, #tpu.memory_space<hbm>>
        %dma_wait3A_1223 = arith.constant 0 : i32
        %dma_wait3A_1224 = arith.constant 0 : i32
        %dma_wait3A_1225 = tpu.memref_slice %arg11[%dma_wait3A, %dma_wait3A_1223, %dma_wait3A_1224] : memref<16x8x128xf32, #tpu.memory_space<vmem>> -> memref<1x8x128xf32, #tpu.memory_space<vmem>>
        %dma_wait3A_1226 = tpu.memref_squeeze %dma_wait3A_1225 : memref<1x8x128xf32, #tpu.memory_space<vmem>> -> memref<8x128xf32, #tpu.memory_space<vmem>>
        %dma_wait3A_1227 = arith.constant 0 : i32
        %dma_wait3A_1228 = arith.constant 0 : i32
        %dma_wait3A_1229 = tpu.memref_slice %arg4[%dma_wait3A_1227, %dma_wait3A_1228] : memref<16x1000000xf32, #tpu.memory_space<hbm>> -> memref<8x128xf32, #tpu.memory_space<hbm>>
        tpu.wait_dma2 semaphore(%arg15 : memref<!tpu.dma_semaphore, #tpu.memory_space<semaphore_mem>>) src(%dma_wait3A_1229 : memref<8x128xf32, #tpu.memory_space<hbm>>) dst(%dma_wait3A_1226 : memref<8x128xf32, #tpu.memory_space<vmem>>)
        %dma_wait3A_1230 = arith.constant 0 : i32
        %dma_wait3A_1231 = arith.constant 0 : i32
        %dma_wait3A_1232 = arith.constant 0 : i32
        %dma_wait3A_1233 = tpu.memref_slice %arg12[%dma_wait3A_1230, %dma_wait3A_1231, %dma_wait3A_1232] : memref<16x8x128xf32, #tpu.memory_space<vmem>> -> memref<1x8x128xf32, #tpu.memory_space<vmem>>
        %dma_wait3A_1234 = tpu.memref_squeeze %dma_wait3A_1233 : memref<1x8x128xf32, #tpu.memory_space<vmem>> -> memref<8x128xf32, #tpu.memory_space<vmem>>
        %dma_wait3A_1235 = arith.constant 0 : i32
        %dma_wait3A_1236 = arith.constant 0 : i32
        %dma_wait3A_1237 = tpu.memref_slice %arg5[%dma_wait3A_1235, %dma_wait3A_1236] : memref<16x1000000xf32, #tpu.memory_space<hbm>> -> memref<8x128xf32, #tpu.memory_space<hbm>>
        %dma_wait3A_1238 = arith.constant 0 : i32
        %dma_wait3A_1239 = arith.constant 0 : i32
        %dma_wait3A_1240 = tpu.memref_slice %arg12[%dma_wait3A_1230, %dma_wait3A_1238, %dma_wait3A_1239] : memref<16x8x128xf32, #tpu.memory_space<vmem>> -> memref<1x8x128xf32, #tpu.memory_space<vmem>>
        %dma_wait3A_1241 = tpu.memref_squeeze %dma_wait3A_1240 : memref<1x8x128xf32, #tpu.memory_space<vmem>> -> memref<8x128xf32, #tpu.memory_space<vmem>>
        %dma_wait3A_1242 = arith.constant 0 : i32
        %dma_wait3A_1243 = arith.constant 0 : i32
        %dma_wait3A_1244 = tpu.memref_slice %arg5[%dma_wait3A_1242, %dma_wait3A_1243] : memref<16x1000000xf32, #tpu.memory_space<hbm>> -> memref<8x128xf32, #tpu.memory_space<hbm>>
        tpu.wait_dma2 semaphore(%arg15 : memref<!tpu.dma_semaphore, #tpu.memory_space<semaphore_mem>>) src(%dma_wait3A_1244 : memref<8x128xf32, #tpu.memory_space<hbm>>) dst(%dma_wait3A_1241 : memref<8x128xf32, #tpu.memory_space<vmem>>)
      }
      %scan3A_1135 = arith.constant 16 : i32
      %mul3A_1136 = arith.constant 16 : i32
      %mul3A_1137 = arith.muli %scan3A_530, %mul3A_1136 : i32
      %get3A_1138 = arith.index_cast %mul3A_1137 : i32 to index
      %get3A_1139 = tpu.vector_load %arg7[%get3A_1138] {strides = array<i32>} : memref<512xi32, #tpu.memory_space<vmem>>, vector<16xi32>,
      %get3A_1140 = arith.index_cast %mul3A_1137 : i32 to index
      %get3A_1141 = tpu.vector_load %arg8[%get3A_1140] {strides = array<i32>} : memref<512xi32, #tpu.memory_space<vmem>>, vector<16xi32>,
      %and3A_1142 = arith.constant 127 : i32
      %and3A_1143 = vector.broadcast %and3A_1142 : i32 to vector<16xi32>
      %and3A_1144 = arith.andi %get3A_1139, %and3A_1143 : vector<16xi32>
      %and3A_1145 = arith.constant 127 : i32
      %and3A_1146 = vector.broadcast %and3A_1145 : i32 to vector<16xi32>
      %and3A_1147 = arith.andi %get3A_1141, %and3A_1146 : vector<16xi32>
      %broadcast_in_dim3A_1148 = arith.constant 0.000000e+00 : f32
      %broadcast_in_dim3A_1149 = vector.broadcast %broadcast_in_dim3A_1148 : f32 to vector<16xf32>
      %broadcast_in_dim3A_1150 = arith.constant 0 : i32
      %broadcast_in_dim3A_1151 = vector.broadcast %broadcast_in_dim3A_1150 : i32 to vector<16xi32>
      %gather3A_1152 = tpu.vector_load_idx %arg11[%iota3A, %broadcast_in_dim3A_1151, %and3A_1144] : memref<16x8x128xf32, #tpu.memory_space<vmem>>[vector<16xi32>, vector<16xi32>, vector<16xi32>], vector<16xf32>,
      %gather3A_1153 = tpu.vector_load_idx %arg12[%iota3A, %broadcast_in_dim3A_1151, %and3A_1147] : memref<16x8x128xf32, #tpu.memory_space<vmem>>[vector<16xi32>, vector<16xi32>, vector<16xi32>], vector<16xf32>,
      %mul3A_1154 = arith.mulf %gather3A_1152, %gather3A_1153 : vector<16xf32>
      %add3A_1155 = arith.addf %broadcast_in_dim3A_1149, %mul3A_1154 : vector<16xf32>
      %broadcast_in_dim3A_1156 = arith.constant 1 : i32
      %broadcast_in_dim3A_1157 = vector.broadcast %broadcast_in_dim3A_1156 : i32 to vector<16xi32>
      %gather3A_1158 = tpu.vector_load_idx %arg11[%iota3A, %broadcast_in_dim3A_1157, %and3A_1144] : memref<16x8x128xf32, #tpu.memory_space<vmem>>[vector<16xi32>, vector<16xi32>, vector<16xi32>], vector<16xf32>,
      %gather3A_1159 = tpu.vector_load_idx %arg12[%iota3A, %broadcast_in_dim3A_1157, %and3A_1147] : memref<16x8x128xf32, #tpu.memory_space<vmem>>[vector<16xi32>, vector<16xi32>, vector<16xi32>], vector<16xf32>,
      %mul3A_1160 = arith.mulf %gather3A_1158, %gather3A_1159 : vector<16xf32>
      %add3A_1161 = arith.addf %add3A_1155, %mul3A_1160 : vector<16xf32>
      %broadcast_in_dim3A_1162 = arith.constant 2 : i32
      %broadcast_in_dim3A_1163 = vector.broadcast %broadcast_in_dim3A_1162 : i32 to vector<16xi32>
      %gather3A_1164 = tpu.vector_load_idx %arg11[%iota3A, %broadcast_in_dim3A_1163, %and3A_1144] : memref<16x8x128xf32, #tpu.memory_space<vmem>>[vector<16xi32>, vector<16xi32>, vector<16xi32>], vector<16xf32>,
      %gather3A_1165 = tpu.vector_load_idx %arg12[%iota3A, %broadcast_in_dim3A_1163, %and3A_1147] : memref<16x8x128xf32, #tpu.memory_space<vmem>>[vector<16xi32>, vector<16xi32>, vector<16xi32>], vector<16xf32>,
      %mul3A_1166 = arith.mulf %gather3A_1164, %gather3A_1165 : vector<16xf32>
      %add3A_1167 = arith.addf %add3A_1161, %mul3A_1166 : vector<16xf32>
      %broadcast_in_dim3A_1168 = arith.constant 3 : i32
      %broadcast_in_dim3A_1169 = vector.broadcast %broadcast_in_dim3A_1168 : i32 to vector<16xi32>
      %gather3A_1170 = tpu.vector_load_idx %arg11[%iota3A, %broadcast_in_dim3A_1169, %and3A_1144] : memref<16x8x128xf32, #tpu.memory_space<vmem>>[vector<16xi32>, vector<16xi32>, vector<16xi32>], vector<16xf32>,
      %gather3A_1171 = tpu.vector_load_idx %arg12[%iota3A, %broadcast_in_dim3A_1169, %and3A_1147] : memref<16x8x128xf32, #tpu.memory_space<vmem>>[vector<16xi32>, vector<16xi32>, vector<16xi32>], vector<16xf32>,
      %mul3A_1172 = arith.mulf %gather3A_1170, %gather3A_1171 : vector<16xf32>
      %add3A_1173 = arith.addf %add3A_1167, %mul3A_1172 : vector<16xf32>
      %broadcast_in_dim3A_1174 = arith.constant 4 : i32
      %broadcast_in_dim3A_1175 = vector.broadcast %broadcast_in_dim3A_1174 : i32 to vector<16xi32>
      %gather3A_1176 = tpu.vector_load_idx %arg11[%iota3A, %broadcast_in_dim3A_1175, %and3A_1144] : memref<16x8x128xf32, #tpu.memory_space<vmem>>[vector<16xi32>, vector<16xi32>, vector<16xi32>], vector<16xf32>,
      %gather3A_1177 = tpu.vector_load_idx %arg12[%iota3A, %broadcast_in_dim3A_1175, %and3A_1147] : memref<16x8x128xf32, #tpu.memory_space<vmem>>[vector<16xi32>, vector<16xi32>, vector<16xi32>], vector<16xf32>,
      %mul3A_1178 = arith.mulf %gather3A_1176, %gather3A_1177 : vector<16xf32>
      %add3A_1179 = arith.addf %add3A_1173, %mul3A_1178 : vector<16xf32>
      %broadcast_in_dim3A_1180 = arith.constant 5 : i32
      %broadcast_in_dim3A_1181 = vector.broadcast %broadcast_in_dim3A_1180 : i32 to vector<16xi32>
      %gather3A_1182 = tpu.vector_load_idx %arg11[%iota3A, %broadcast_in_dim3A_1181, %and3A_1144] : memref<16x8x128xf32, #tpu.memory_space<vmem>>[vector<16xi32>, vector<16xi32>, vector<16xi32>], vector<16xf32>,
      %gather3A_1183 = tpu.vector_load_idx %arg12[%iota3A, %broadcast_in_dim3A_1181, %and3A_1147] : memref<16x8x128xf32, #tpu.memory_space<vmem>>[vector<16xi32>, vector<16xi32>, vector<16xi32>], vector<16xf32>,
      %mul3A_1184 = arith.mulf %gather3A_1182, %gather3A_1183 : vector<16xf32>
      %add3A_1185 = arith.addf %add3A_1179, %mul3A_1184 : vector<16xf32>
      %broadcast_in_dim3A_1186 = arith.constant 6 : i32
      %broadcast_in_dim3A_1187 = vector.broadcast %broadcast_in_dim3A_1186 : i32 to vector<16xi32>
      %gather3A_1188 = tpu.vector_load_idx %arg11[%iota3A, %broadcast_in_dim3A_1187, %and3A_1144] : memref<16x8x128xf32, #tpu.memory_space<vmem>>[vector<16xi32>, vector<16xi32>, vector<16xi32>], vector<16xf32>,
      %gather3A_1189 = tpu.vector_load_idx %arg12[%iota3A, %broadcast_in_dim3A_1187, %and3A_1147] : memref<16x8x128xf32, #tpu.memory_space<vmem>>[vector<16xi32>, vector<16xi32>, vector<16xi32>], vector<16xf32>,
      %mul3A_1190 = arith.mulf %gather3A_1188, %gather3A_1189 : vector<16xf32>
      %add3A_1191 = arith.addf %add3A_1185, %mul3A_1190 : vector<16xf32>
      %broadcast_in_dim3A_1192 = arith.constant 7 : i32
      %broadcast_in_dim3A_1193 = vector.broadcast %broadcast_in_dim3A_1192 : i32 to vector<16xi32>
      %gather3A_1194 = tpu.vector_load_idx %arg11[%iota3A, %broadcast_in_dim3A_1193, %and3A_1144] : memref<16x8x128xf32, #tpu.memory_space<vmem>>[vector<16xi32>, vector<16xi32>, vector<16xi32>], vector<16xf32>,
      %gather3A_1195 = tpu.vector_load_idx %arg12[%iota3A, %broadcast_in_dim3A_1193, %and3A_1147] : memref<16x8x128xf32, #tpu.memory_space<vmem>>[vector<16xi32>, vector<16xi32>, vector<16xi32>], vector<16xf32>,
      %mul3A_1196 = arith.mulf %gather3A_1194, %gather3A_1195 : vector<16xf32>
      %add3A_1197 = arith.addf %add3A_1191, %mul3A_1196 : vector<16xf32>
      %add3A_1198 = arith.addf %add3A_1125, %add3A_1197 : vector<16xf32>
      %abs3A = math.absf %add3A_1198 : vector<16xf32>
      %neg3A = arith.constant 0.000000e+00 : f32
      %neg3A_1199 = vector.broadcast %neg3A : f32 to vector<16xf32>
      %neg3A_1200 = arith.subf %neg3A_1199, %abs3A : vector<16xf32>
      %exp3A = math.exp %neg3A_1200 : vector<16xf32>
      %ge3A = arith.constant 0.000000e+00 : f32
      %ge3A_1201 = vector.broadcast %ge3A : f32 to vector<16xf32>
      %ge3A_1202 = arith.cmpf oge, %add3A_1198, %ge3A_1201 : vector<16xf32>
      %add3A_1203 = arith.constant 1.000000e+00 : f32
      %add3A_1204 = vector.broadcast %add3A_1203 : f32 to vector<16xf32>
      %add3A_1205 = arith.addf %add3A_1204, %exp3A : vector<16xf32>
      %div3A = arith.constant 1.000000e+00 : f32
      %div3A_1206 = vector.broadcast %div3A : f32 to vector<16xf32>
      %div3A_1207 = arith.divf %div3A_1206, %add3A_1205 : vector<16xf32>
      %add3A_1208 = arith.constant 1.000000e+00 : f32
      %add3A_1209 = vector.broadcast %add3A_1208 : f32 to vector<16xf32>
      %add3A_1210 = arith.addf %add3A_1209, %exp3A : vector<16xf32>
      %div3A_1211 = arith.divf %exp3A, %add3A_1210 : vector<16xf32>
      %select_n3A = arith.select %ge3A_1202, %div3A_1207, %div3A_1211 : vector<16xi1>, vector<16xf32>
      %mul3A_1212 = arith.constant 16 : i32
      %mul3A_1213 = arith.muli %scan3A_530, %mul3A_1212 : i32
      %swap3A = arith.index_cast %mul3A_1213 : i32 to index
      %swap3A_1214 = tpu.vector_load %arg13[%swap3A] {strides = array<i32>} : memref<512xf32, #tpu.memory_space<vmem>>, vector<16xf32>,
      tpu.vector_store %arg13[%swap3A], %select_n3A {strides = array<i32>} : memref<512xf32, #tpu.memory_space<vmem>>, vector<16xf32>,
    }
    %scan3A_529 = arith.constant 32 : i32
    "tpu.region"() ({
      %run_scoped3A = tpu.sem_alloc : memref<!tpu.dma_semaphore, #tpu.memory_space<semaphore_mem>>
      %dma_start3A_530 = tpu.memref_slice %arg6[%mul3A_2] : memref<16384xf32, #tpu.memory_space<hbm>> -> memref<512xf32, #tpu.memory_space<hbm>>
      %dma_start3A_531 = tpu.memref_slice %arg6[%mul3A_2] : memref<16384xf32, #tpu.memory_space<hbm>> -> memref<512xf32, #tpu.memory_space<hbm>>
      tpu.enqueue_dma source(%arg13 : memref<512xf32, #tpu.memory_space<vmem>>) target(%dma_start3A_531 : memref<512xf32, #tpu.memory_space<hbm>>) target_semaphore(%run_scoped3A : memref<!tpu.dma_semaphore, #tpu.memory_space<semaphore_mem>>)
      %dma_wait3A = tpu.memref_slice %arg6[%mul3A_2] : memref<16384xf32, #tpu.memory_space<hbm>> -> memref<512xf32, #tpu.memory_space<hbm>>
      %dma_wait3A_532 = tpu.memref_slice %arg6[%mul3A_2] : memref<16384xf32, #tpu.memory_space<hbm>> -> memref<512xf32, #tpu.memory_space<hbm>>
      tpu.wait_dma2 semaphore(%run_scoped3A : memref<!tpu.dma_semaphore, #tpu.memory_space<semaphore_mem>>) src(%arg13 : memref<512xf32, #tpu.memory_space<vmem>>) dst(%dma_wait3A_532 : memref<512xf32, #tpu.memory_space<hbm>>)
      tpu.yield
    }) : () -> ()
    return
  }
}

</mosaic_0001>

<sc_bundles>
// kernel: kernel.3.cloned.1.call-start
scs
__scs_entry_jumppad:
0x0: {  	(pc) =	sbr.rel $0x88, $3  }
0x1: {  	(tag) =	ssettag $0x0;
	lr =	simm.s32 $0x1  }
0x2: {  	[smem:$0x3F9D] =	sst lr;
	_ =	strace $0xD0000000  }
0x3: {  	_ = 	snop  }
0x4: {  	_ = 	snop  }
0x5: {  	_ = 	snop  }
0x6: {  	_ = 	snop  }
0x7: {  	_ = 	snop  }
__scs_overlays_trampoline_lowered:
0x8: {  	[smem:$0x3FAC] =	sst s0  }
0x9: {  	[smem:$0x3FAD] =	sst s1  }
0xa: {  	[smem:$0x3FAE] =	sst s2  }
0xb: {  	[smem:$0x3FAF] =	sst s3  }
0xc: {  	[smem:$0x3FB0] =	sst s4  }
0xd: {  	[smem:$0x3FB1] =	sst s5  }
0xe: {  	[smem:$0x3FB2] =	sst s6  }
0xf: {  	[smem:$0x3FB3] =	sst s7  }
0x10: {  	[smem:$0x3FB4] =	sst s8  }
0x11: {  	[smem:$0x3FB5] =	sst s9;
	s0 =	simm.s32 @!p0 $0x0  }
0x12: {  	s1 =	sld [smem:$0x3F9B];
	s0 =	simm.s32 @p0 $0x1  }
0x13: {  	[smem:$0x3FB6] =	sst s0;
	s0 =	simm.s32 @!p1 $0x0  }
0x14: {  	s2 =	sld [smem:$0x3F9A];
	s0 =	simm.s32 @p1 $0x1  }
0x15: {  	[smem:$0x3FB7] =	sst s0;
	s0 =	simm.s32 @!p2 $0x0  }
0x16: {  	s3 =	sld [smem:$0x3FDB];
	s0 =	simm.s32 @p2 $0x1  }
0x17: {  	s4 =	simm.s32 $0x1BF5;
	[smem:$0x3FB9] =	sst s0  }
0x18: {  	s0 =	sld [smem:$0x3F9C];
	_ =	swait.ge [sflag:s4], $0x0  }
0x19: {  	s7 =	sld [smem:$0x3F9D]  }
0x1a: {  	s8 =	sadd.s32 $0xFFFFE003, lr  }
0x1b: {  	s9 =	sadd.s32 $0xFFFFFEF7, lr;
	s5 =	simm.s32 $0xFFFFFFFF;
	p2 =	slt.u32 s8, $0xFFFFF086  }
0x1c: {  	p1 =	slt.u32 s9, $0xF7A;
	s5 =	simm.s32 @!p2 $0x0  }
0x1d: {  	s5 =	simm.s32 @p1 $0x1;
	p0 =	seq.s32 s7, s2  }
0x1e: {  	s7 =	smul.u32 @!p0 $0xF7A, s2;
	p2 =	seq.s32 @!p0 s5, $0x0  }
0x1f: {  	s9 =	smul.u32 $0xF7A, s1;
	s8 =	simm.s32 @!p0 $0x1BF5;
	p2 =	por !p2, p0  }
0x20: {  	[sflag:s8] =	ssyncset.s32 @!p0 $0xFFFFF086;
	s6 =	sadd.s32 @!p0 s3, s7;
	s7 =	simm.s32 @!p0 $0x108  }
0x21: {  	s3 =	sadd.s32 s3, s9;
	s6 =	sadd.s32 @!p0 $0x88, s6;
	s7 =	simm.s32 @p2 $0x1082  }
0x22: {  	[simem:s7], [sflag:s8] =	dma.local @!p0 [hbm:s6], $0xF7A  }
0x23: {  	s9 =	sor.u32 $0xD0000000, s2;
	s6 =	simm.s32 $0x108;
	_ =	swait.ge @!p0 [sflag:s8], $0x0  }
0x24: {  	s3 =	sadd.s32 $0x88, s3;
	s6 =	simm.s32 @!p1 $0x1082;
	[sflag:s4] =	ssyncset.s32 $0xFFFFF086  }
0x25: {  	[simem:s6], [sflag:s4] =	dma.local [hbm:s3], $0xF7A  }
0x26: {  	[smem:$0x3F9D] =	sst s1;
	(tag) =	ssettag s2;
	_ =	strace s9  }
0x27: {  	s1 =	sld [smem:$0x3FAD]  }
0x28: {  	s2 =	sld [smem:$0x3FAE]  }
0x29: {  	s4 =	sld [smem:$0x3FB0]  }
0x2a: {  	p0 =	seq.s32 s5, $0x0;
	s5 =	sld [smem:$0x3FB1]  }
0x2b: {  	s6 =	sld [smem:$0x3FB2]  }
0x2c: {  	s7 =	sld [smem:$0x3FB3]  }
0x2d: {  	s3 =	simm.s32 $0x108;
	s8 =	sld [smem:$0x3FB4]  }
0x2e: {  	s3 =	simm.s32 @!p0 $0x1082;
	s9 =	sld [smem:$0x3FB5]  }
0x2f: {  	lr =	sadd.s32 s0, s3;
	s0 =	sld [smem:$0x3FAC]  }
0x30: {  	s3 =	sld [smem:$0x3FAF]  }
0x31: {  	[smem:$0x3FB8] =	sst s10  }
0x32: {  	s10 =	sld [smem:$0x3FB6];
	_ =	sdelay $0x3  }
0x33: {  	p0 =	seq.s32 s10, $0x1;
	s10 =	sld [smem:$0x3FB8];
	_ =	sdelay $0x3  }
0x34: {  	[smem:$0x3FB8] =	sst s10  }
0x35: {  	s10 =	sld [smem:$0x3FB7];
	_ =	sdelay $0x3  }
0x36: {  	p1 =	seq.s32 s10, $0x1;
	s10 =	sld [smem:$0x3FB8];
	_ =	sdelay $0x3  }
0x37: {  	[smem:$0x3FB8] =	sst s10  }
0x38: {  	s10 =	sld [smem:$0x3FB9]  }
0x39: {  	_ = 	snop;
	(pc) =	sbr.ind lr, $3  }
0x3a: {  	_ = 	snop  }
0x3b: {  	_ = 	snop  }
0x3c: {  	p2 =	seq.s32 s10, $0x1;
	s10 =	sld [smem:$0x3FB8]  }
0x3d: {  	_ =	shalt  }
0x3e: {  	_ =	shalt  }
0x3f: {  	_ =	shalt  }
0x40: {  	_ =	shalt  }
0x41: {  	_ =	shalt  }
0x42: {  	_ =	shalt  }
0x43: {  	_ =	shalt  }
0x44: {  	_ =	shalt  }
0x45: {  	_ =	shalt  }
0x46: {  	_ =	shalt  }
0x47: {  	_ =	shalt  }
0x48: {  	_ =	shalt  }
0x49: {  	_ =	shalt  }
0x4a: {  	_ =	shalt  }
0x4b: {  	_ =	shalt  }
0x4c: {  	_ =	shalt  }
0x4d: {  	_ =	shalt  }
0x4e: {  	_ =	shalt  }
0x4f: {  	_ =	shalt  }
0x50: {  	_ =	shalt  }
0x51: {  	_ =	shalt  }
0x52: {  	_ =	shalt  }
0x53: {  	_ =	shalt  }
0x54: {  	_ =	shalt  }
0x55: {  	_ =	shalt  }
0x56: {  	_ =	shalt  }
0x57: {  	_ =	shalt  }
0x58: {  	_ =	shalt  }
0x59: {  	_ =	shalt  }
0x5a: {  	_ =	shalt  }
0x5b: {  	_ =	shalt  }
0x5c: {  	_ =	shalt  }
0x5d: {  	_ =	shalt  }
0x5e: {  	_ =	shalt  }
0x5f: {  	_ =	shalt  }
0x60: {  	_ =	shalt  }
0x61: {  	_ =	shalt  }
0x62: {  	_ =	shalt  }
0x63: {  	_ =	shalt  }
0x64: {  	_ =	shalt  }
0x65: {  	_ =	shalt  }
0x66: {  	_ =	shalt  }
0x67: {  	_ =	shalt  }
0x68: {  	_ =	shalt  }
0x69: {  	_ =	shalt  }
0x6a: {  	_ =	shalt  }
0x6b: {  	_ =	shalt  }
0x6c: {  	_ =	shalt  }
0x6d: {  	_ =	shalt  }
0x6e: {  	_ =	shalt  }
0x6f: {  	_ =	shalt  }
0x70: {  	_ =	shalt  }
0x71: {  	_ =	shalt  }
0x72: {  	_ =	shalt  }
0x73: {  	_ =	shalt  }
0x74: {  	_ =	shalt  }
0x75: {  	_ =	shalt  }
0x76: {  	_ =	shalt  }
0x77: {  	_ =	shalt  }
0x78: {  	_ =	shalt  }
0x79: {  	_ =	shalt  }
0x7a: {  	_ =	shalt  }
0x7b: {  	_ =	shalt  }
0x7c: {  	_ =	shalt  }
0x7d: {  	_ =	shalt  }
0x7e: {  	_ =	shalt  }
0x7f: {  	_ =	shalt  }
0x80: {  	_ =	shalt  }
0x81: {  	_ =	shalt  }
0x82: {  	_ =	shalt  }
0x83: {  	_ =	shalt  }
0x84: {  	_ =	shalt  }
0x85: {  	_ =	shalt  }
0x86: {  	_ =	shalt  }
0x87: {  	_ =	shalt  }
.Lfunc_end0:
.L_simem_size_0:
called_computation_lowered:
.L_overlay_start_0:
0x88: {  	s2 =	sld [smem:$0x3FD9]  }
0x89: {  	s3 =	sld [smem:$0x3FFE];
	_ =	sdelay $0x1  }
0x8a: {  	s1 =	srdreg.scid  }
0x8b: {  	s0 =	sand.u32 $0x1, s1  }
0x8c: {  	s18 =	sshll.u32 s0, $0xA;
	s2 =	sadd.s32 s3, s2  }
0x8d: {  	s2 =	sadd.s32 s2, s18  }
0x8e: {  	[smem:$0x3FC4] =	sst s2  }
0x8f: {  	_ = 	snop  }
0x90: {  	s2 =	sld [smem:$0x3FC9]  }
0x91: {  	s19 =	sld [smem:$0x3FC8]  }
0x92: {  	s4 =	sld [smem:$0x3FC7]  }
0x93: {  	s5 =	sld [smem:$0x3FC6]  }
0x94: {  	s6 =	sld [smem:$0x3FD0];
	(tm) =	ssettm $0x1  }
0x95: {  	s7 =	sld [smem:$0x3FFB];
	_ =	sdelay $0x3  }
0x96: {  	_ =	strace s7  }
0x97: {  	s7 =	sld [smem:$0x3FFC];
	_ =	sdelay $0x3  }
0x98: {  	_ =	strace s7  }
0x99: {  	s7 =	sld [smem:$0x3FFD];
	_ =	sdelay $0x3  }
0x9a: {  	_ =	strace s7  }
0x9b: {  	_ =	strace $0x8FFFFFFF  }
0x9c: {  	s20 =	sld [smem:$0x3FDB];
	_ =	sdelay $0x1  }
0x9d: {  	s8 =	simm.s32 $_scs_section_size  }
0x9e: {  	s9 =	simm.s32 $_size__tile_overlayer_lowered;
	s10 =	simm.s32 $_tile_overlayer_lowered  }
0x9f: {  	s23 =	simm.s32 $0x1BFF;
	s22 =	sshll.u32 s10, $0x1;
	s7 =	sadd.s32 s8, s20  }
0xa0: {  	s11 =	simm.s32 $0x0;
	s21 =	sshll.u32 s9, $0x1;
	s9 =	sadd.s32 s22, s7  }
0xa1: {  	[timem:s11], [sflag:s23] =	dma.local [hbm:s9], s21  }
0xa2: {  	_ =	swait.ge [sflag:s23], s21  }
0xa3: {  	s8 =	ssub.s32 $0x0, s21;
	[sflag:s23] =	ssyncset.done $0x0  }
0xa4: {  	[sflag:s23] =	ssyncadd.s32 s8;
	_ =	sdelay $0x1  }
0xa5: {  	s24 =	simm.s32 $0x1B8B  }
0xa6: {  	_ =	swait.ge [sflag:s24], $0x1  }
0xa7: {  	[sflag:s24] =	ssyncset.done $0x0  }
0xa8: {  	s25 =	simm.s32 $0x1B8E;
	[sflag:s24] =	ssyncadd.s32 $0xFFFFFFFF  }
0xa9: {  	s26 =	simm.s32 $execute0_lowered;
	[smem:$0x3FD2] =	sst s25  }
0xaa: {  	s8 =	sshll.u32 s26, $0x1;
	_ =	strace $0x80000046;
	[dreg:$0x1] =	wrdreg $0xFFFFFFFF  }
0xab: {  	s28 =	simm.s32 $_size_execute0_lowered;
	s7 =	sadd.s32 s7, s8;
	[dreg:$0x0] =	wrdreg $0x0  }
0xac: {  	s8 =	sshll.u32 s28, $0x1;
	[dreg:$0x2] =	wrdreg s7  }
0xad: {  	[dreg:$0x3] =	wrdreg s8  }
0xae: {  	[dreg:$0x4] =	wrdreg $0xC0  }
0xaf: {  	_ =	task [dreg:s11], $0x5FFFF  }
0xb0: {  	[dreg:$0x1] =	wrdreg $0xFFFFFFFF  }
0xb1: {  	[dreg:$0x0] =	wrdreg $0x60  }
0xb2: {  	[dreg:$0x2] =	wrdreg s2  }
0xb3: {  	[dreg:$0x3] =	wrdreg s19  }
0xb4: {  	[dreg:$0x4] =	wrdreg s4  }
0xb5: {  	[dreg:$0x5] =	wrdreg s5  }
0xb6: {  	[dreg:$0x6] =	wrdreg s6  }
0xb7: {  	[dreg:$0x7] =	wrdreg $0x9  }
0xb8: {  	_ =	task.clear_ibuf [dreg:s11], $0x8FFFF;
	_ =	strace $0x90000046  }
0xb9: {  	s29 =	simm.s32 $0x9;
	_ =	strace $0x80000048  }
0xba: {  	_ =	swait.ge [sflag:s29], $0x1  }
0xbb: {  	[sflag:s29] =	ssyncadd.s32 $0xFFFFFFFF  }
0xbc: {  	_ =	strace $0x90000048  }
0xbd: {  	_ =	sfence  }
0xbe: {  	s30 =	sld [smem:$0x0];
	_ =	sdelay $0x2  }
0xbf: {  	s31 =	sshll.u32 s1, $0xD;
	s1 =	sshrl.u32 s1, $0x2  }
0xc0: {  	s3 =	sand.u32 $0x4000, s31;
	s1 =	sadd.s32 s1, s30  }
0xc1: {  	s0 =	sor.u32 s3, s0;
	s1 =	sshll.u32 s1, $0x11  }
0xc2: {  	s0 =	sor.u32 s1, s0  }
0xc3: {  	s0 =	sadd.s32 $0x8F2B, s0  }
0xc4: {  	[sflag:s0] =	ssyncadd.remote.s32 $0x1  }
0xc5: {  	_ =	sfence.sel $0xFFFF  }
0xc6: {  	[dreg:$0x0] =	wrdreg $0xFFFFFFFF;
	(pc) =	sbr.abs _section_cstart, $3  }
0xc7: {  	[dreg:$0x1] =	wrdreg $0xFFFFFFFF  }
0xc8: {  	_ =	task.clear_ibuf [dreg:s11], $0x2FFFF;
	_ =	strace $0x9FFFFFFF  }
0xc9: {  	(tm) =	ssettm $0x7FFFFFFF  }
tec
execute0_lowered:
.L_overlay_start_1:
0x0: {  	(tag) =	ssettag $0x1  }
0x1: {  	s0 =	rddreg [dreg:$0x0]  }
0x2: {  	s1 =	rddreg [dreg:$0x1]  }
0x3: {  	s8 =	rddreg [dreg:$0x2]  }
0x4: {  	s9 =	rddreg [dreg:$0x3]  }
0x5: {  	s2 =	rddreg [dreg:$0x4];
	s3 =	srdreg.scid  }
0x6: {  	s4 =	simm.s32 $0x0;
	s6 =	stileid.u32;
	s30 =	simm.s32 $0x3  }
0x7: {  	s13 =	simm.s32 $0x400;
	s14 =	simm.s32 $0x4400;
	s19 =	simm.s32 $0x8400  }
0x8: {  	s20 =	simm.s32 $0xC400;
	s10 =	simm.s32 $0xA800;
	s11 =	simm.s32 $0xE800  }
0x9: {  	s15 =	simm.s32 $0xB000;
	s16 =	simm.s32 $0xF000;
	s17 =	simm.s32 $0xB400  }
0xa: {  	s18 =	simm.s32 $0xF400;
	s21 =	simm.s32 $0xB800;
	s22 =	simm.s32 $0xF800  }
0xb: {  	s23 =	simm.s32 $0xBC00;
	s24 =	simm.s32 $0xFC00;
	s28 =	simm.s32 $0x1  }
0xc: {  	s29 =	simm.s32 $0x2;
	s12 =	simm.s32 $0x0;
	s3 =	sand.u32 $0x1, s3  }
0xd: {  	s6 =	sshll.u32 s6, $0x7;
	[smem:$0x7FF] =	sst s4;
	s5 =	ssub.s32 $0x2, s3  }
0xe: {  	s3 =	sshll.u32 s3, $0x6;
	_ =	strace $0x80000047;
	s7 =	sshrl.u32 s5, $0x1  }
0xf: {  	s3 =	sor.u32 s3, s6;
	s6 =	simm.s32 $0xA400;
	s5 =	ssub.s32 s5, s7  }
0x10: {  	v0 =	vlaneseq.u32;
	s0 =	sadd.s32 s0, s3;
	s25 =	sadd.s32 s1, s3;
	s7 =	sadd.s32 $0xF4280, s8  }
.Ltmp0:
0x11: {  	v0 =	vmul.u32 $0x400, v0;
	s8 =	sadd.s32 $0xF4280, s9;
	s26 =	sadd.s32 s2, s3;
	(pc) =	sbr.rel .LBB2_1-.Ltmp0, $4  }
0x12: {  	s3 =	simm.s32 $0x8800;
	s9 =	simm.s32 $0xE400;
	[dreg:$0x6] =	wrdreg s0  }
0x13: {  	v1 =	vor.u32 $0x80, v0;
	s1 =	simm.s32 $0xAC00;
	s2 =	simm.s32 $0xEC00;
	[dreg:$0x7] =	wrdreg s25  }
0x14: {  	v2 =	vor.u32 $0x100, v0;
	v3 =	vor.u32 $0x180, v0;
	v4 =	vor.u32 $0x200, v0;
	[dreg:$0x8] =	wrdreg s26;
	s31 =	smax.u32 s5, $0x1;
	s5 =	simm.s32 $0xE000  }
0x15: {  	v5 =	vor.u32 $0x280, v0;
	v6 =	vor.u32 $0x300, v0;
	v7 =	vor.u32 $0x380, v0;
	s25 =	simm.s32 $0xC000;
	s26 =	simm.s32 $0x10000;
	[dreg:$0x9] =	wrdreg s31  }
.LBB2_5:
0x16: {  	s0 =	rddreg [dreg:$0x8];
	s12 =	simm.s32 $0x10400;
	s30 =	simm.s32 $0x3  }
0x17: {  	[hbm4b:s0+s4] =	stream.linear.scatter [tilespmem:s12], [sflag:$0x3], $0x200, $0x38;
	[tilespmem:$0x10600] =	vst v63  }
0x18: {  	_ =	swait.ge [sflag:s30], $0x200  }
0x19: {  	s0 =	rddreg [dreg:$0xa]  }
0x1a: {  	s31 =	rddreg [dreg:$0x9];
	s12 =	sadd.s32 $0x1, s0  }
0x1b: {  	p0 =	sne.s32 s12, s31  }
.Ltmp1:
0x1c: {  	_ = 	snop;
	(pc) =	sbr.rel @!p0 .LBB2_6-.Ltmp1, $3  }
0x1d: {  	_ =	sdelay $0x1  }
0x1e: {  	[sflag:s30] =	ssyncset.done $0x0  }
0x1f: {  	[sflag:s30] =	ssyncadd.s32 $0xFFFFFE00  }
.LBB2_1:
0x20: {  	[dreg:$0xa] =	wrdreg s12  }
0x21: {  	s0 =	rddreg [dreg:$0x6]  }
0x22: {  	[tilespmem:s4], [sflag:$0x3] =	stream.linear.gather [hbm4b:s0+s4], $0x200, $0x38;
	[tilespmem:$0x10600] =	vst v63  }
0x23: {  	_ =	swait.ge [sflag:s30], $0x200  }
0x24: {  	[sflag:s30] =	ssyncset.done $0x0  }
0x25: {  	s31 =	simm.s32 $0x200;
	s12 =	rddreg [dreg:$0x7];
	[sflag:s30] =	ssyncadd.s32 $0xFFFFFE00  }
0x26: {  	[tilespmem:s31], [sflag:$0x3] =	stream.linear.gather [hbm4b:s12+s4], $0x200, $0x38;
	[tilespmem:$0x10600] =	vst v63  }
0x27: {  	_ =	swait.ge [sflag:s30], $0x200  }
0x28: {  	[sflag:s30] =	ssyncset.done $0x0  }
0x29: {  	[sflag:s30] =	ssyncadd.s32 $0xFFFFFE00  }
0x2a: {  	v8 =	vld [tilespmem:$0x0];
	_ =	sdelay $0x1  }
0x2b: {  	v9 =	vld [tilespmem:$0x200];
	_ =	sdelay $0x2  }
0x2c: {  	s12 =	rddreg [dreg:$0x2];
	v8 =	vand.u32 $0xFFFFFF80, v8  }
0x2d: {  	v8 =	vadd.s32 s12, v8  }
0x2e: {  	s31 =	rddreg [dreg:$0x3];
	v9 =	vand.u32 $0xFFFFFF80, v9;
	(v2sf) =	vpush v8, $0x0  }
0x2f: {  	v9 =	vadd.s32 s31, v9  }
0x30: {  	(v2sf) =	vpush v9, $0x0;
	_ =	sdelay $0x1  }
0x31: {  	(v2sf) =	vpush v8, $0x1;
	_ =	sdelay $0x1  }
0x32: {  	(v2sf) =	vpush v9, $0x1;
	_ =	sdelay $0x1  }
0x33: {  	(v2sf) =	vpush v8, $0x2;
	_ =	sdelay $0x1  }
0x34: {  	(v2sf) =	vpush v9, $0x2;
	_ =	sdelay $0x1  }
0x35: {  	(v2sf) =	vpush v8, $0x3;
	_ =	sdelay $0x1  }
0x36: {  	(v2sf) =	vpush v9, $0x3  }
0x37: {  	s30 =	spop (v2sf)  }
0x38: {  	(v2sf) =	vpush v8, $0x4;
	[tilespmem:s13], [sflag:$0x1] =	stream.linear.gather [hbm4b:s30+s4], $0x400, $0x38;
	[tilespmem:$0x10600] =	vst v63  }
0x39: {  	s30 =	spop (v2sf)  }
0x3a: {  	(v2sf) =	vpush v9, $0x4;
	[tilespmem:s14], [sflag:$0x1] =	stream.linear.gather [hbm4b:s30+s4], $0x400, $0x38;
	[tilespmem:$0x10600] =	vst v63  }
0x3b: {  	s12 =	simm.s32 $0x800;
	s30 =	spop (v2sf)  }
0x3c: {  	(v2sf) =	vpush v8, $0x5;
	[tilespmem:s12], [sflag:$0x1] =	stream.linear.gather [hbm4b:s30+s4], $0x400, $0x38;
	[tilespmem:$0x10600] =	vst v63  }
0x3d: {  	s31 =	simm.s32 $0x4800;
	s30 =	spop (v2sf)  }
0x3e: {  	(v2sf) =	vpush v9, $0x5;
	[tilespmem:s31], [sflag:$0x1] =	stream.linear.gather [hbm4b:s30+s4], $0x400, $0x38;
	[tilespmem:$0x10600] =	vst v63  }
0x3f: {  	s12 =	simm.s32 $0xC00;
	s30 =	spop (v2sf)  }
0x40: {  	(v2sf) =	vpush v8, $0x6;
	[tilespmem:s12], [sflag:$0x1] =	stream.linear.gather [hbm4b:s30+s4], $0x400, $0x38;
	[tilespmem:$0x10600] =	vst v63  }
0x41: {  	s31 =	simm.s32 $0x4C00;
	s30 =	spop (v2sf)  }
0x42: {  	(v2sf) =	vpush v9, $0x6;
	[tilespmem:s31], [sflag:$0x1] =	stream.linear.gather [hbm4b:s30+s4], $0x400, $0x38;
	[tilespmem:$0x10600] =	vst v63  }
0x43: {  	s12 =	simm.s32 $0x1000;
	s30 =	spop (v2sf)  }
0x44: {  	(v2sf) =	vpush v8, $0x7;
	[tilespmem:s12], [sflag:$0x1] =	stream.linear.gather [hbm4b:s30+s4], $0x400, $0x38;
	[tilespmem:$0x10600] =	vst v63  }
0x45: {  	s31 =	simm.s32 $0x5000;
	s30 =	spop (v2sf)  }
0x46: {  	(v2sf) =	vpush v9, $0x7;
	[tilespmem:s31], [sflag:$0x1] =	stream.linear.gather [hbm4b:s30+s4], $0x400, $0x38;
	[tilespmem:$0x10600] =	vst v63  }
0x47: {  	s12 =	simm.s32 $0x1400;
	s30 =	spop (v2sf)  }
0x48: {  	(v2sf) =	vpush v8, $0x8;
	[tilespmem:s12], [sflag:$0x1] =	stream.linear.gather [hbm4b:s30+s4], $0x400, $0x38;
	[tilespmem:$0x10600] =	vst v63  }
0x49: {  	s31 =	simm.s32 $0x5400;
	s30 =	spop (v2sf)  }
0x4a: {  	(v2sf) =	vpush v9, $0x8;
	[tilespmem:s31], [sflag:$0x1] =	stream.linear.gather [hbm4b:s30+s4], $0x400, $0x38;
	[tilespmem:$0x10600] =	vst v63  }
0x4b: {  	s12 =	simm.s32 $0x1800;
	s30 =	spop (v2sf)  }
0x4c: {  	(v2sf) =	vpush v8, $0x9;
	[tilespmem:s12], [sflag:$0x1] =	stream.linear.gather [hbm4b:s30+s4], $0x400, $0x38;
	[tilespmem:$0x10600] =	vst v63  }
0x4d: {  	s31 =	simm.s32 $0x5800;
	s30 =	spop (v2sf)  }
0x4e: {  	(v2sf) =	vpush v9, $0x9;
	[tilespmem:s31], [sflag:$0x1] =	stream.linear.gather [hbm4b:s30+s4], $0x400, $0x38;
	[tilespmem:$0x10600] =	vst v63  }
0x4f: {  	s12 =	simm.s32 $0x1C00;
	s30 =	spop (v2sf)  }
0x50: {  	(v2sf) =	vpush v8, $0xA;
	[tilespmem:s12], [sflag:$0x1] =	stream.linear.gather [hbm4b:s30+s4], $0x400, $0x38;
	[tilespmem:$0x10600] =	vst v63  }
0x51: {  	s31 =	simm.s32 $0x5C00;
	s30 =	spop (v2sf)  }
0x52: {  	(v2sf) =	vpush v9, $0xA;
	[tilespmem:s31], [sflag:$0x1] =	stream.linear.gather [hbm4b:s30+s4], $0x400, $0x38;
	[tilespmem:$0x10600] =	vst v63  }
0x53: {  	s12 =	simm.s32 $0x2000;
	s30 =	spop (v2sf)  }
0x54: {  	(v2sf) =	vpush v8, $0xB;
	[tilespmem:s12], [sflag:$0x1] =	stream.linear.gather [hbm4b:s30+s4], $0x400, $0x38;
	[tilespmem:$0x10600] =	vst v63  }
0x55: {  	s31 =	simm.s32 $0x6000;
	s30 =	spop (v2sf)  }
0x56: {  	(v2sf) =	vpush v9, $0xB;
	[tilespmem:s31], [sflag:$0x1] =	stream.linear.gather [hbm4b:s30+s4], $0x400, $0x38;
	[tilespmem:$0x10600] =	vst v63  }
0x57: {  	s12 =	simm.s32 $0x2400;
	s30 =	spop (v2sf)  }
0x58: {  	(v2sf) =	vpush v8, $0xC;
	[tilespmem:s12], [sflag:$0x1] =	stream.linear.gather [hbm4b:s30+s4], $0x400, $0x38;
	[tilespmem:$0x10600] =	vst v63  }
0x59: {  	s31 =	simm.s32 $0x6400;
	s30 =	spop (v2sf)  }
0x5a: {  	(v2sf) =	vpush v9, $0xC;
	[tilespmem:s31], [sflag:$0x1] =	stream.linear.gather [hbm4b:s30+s4], $0x400, $0x38;
	[tilespmem:$0x10600] =	vst v63  }
0x5b: {  	s12 =	simm.s32 $0x2800;
	s30 =	spop (v2sf)  }
0x5c: {  	(v2sf) =	vpush v8, $0xD;
	[tilespmem:s12], [sflag:$0x1] =	stream.linear.gather [hbm4b:s30+s4], $0x400, $0x38;
	[tilespmem:$0x10600] =	vst v63  }
0x5d: {  	s31 =	simm.s32 $0x6800;
	s30 =	spop (v2sf)  }
0x5e: {  	(v2sf) =	vpush v9, $0xD;
	[tilespmem:s31], [sflag:$0x1] =	stream.linear.gather [hbm4b:s30+s4], $0x400, $0x38;
	[tilespmem:$0x10600] =	vst v63  }
0x5f: {  	s12 =	simm.s32 $0x2C00;
	s30 =	spop (v2sf)  }
0x60: {  	(v2sf) =	vpush v8, $0xE;
	[tilespmem:s12], [sflag:$0x1] =	stream.linear.gather [hbm4b:s30+s4], $0x400, $0x38;
	[tilespmem:$0x10600] =	vst v63  }
0x61: {  	s31 =	simm.s32 $0x6C00;
	s30 =	spop (v2sf)  }
0x62: {  	(v2sf) =	vpush v9, $0xE;
	[tilespmem:s31], [sflag:$0x1] =	stream.linear.gather [hbm4b:s30+s4], $0x400, $0x38;
	[tilespmem:$0x10600] =	vst v63  }
0x63: {  	s12 =	simm.s32 $0x3000;
	s30 =	spop (v2sf)  }
0x64: {  	(v2sf) =	vpush v8, $0xF;
	[tilespmem:s12], [sflag:$0x1] =	stream.linear.gather [hbm4b:s30+s4], $0x400, $0x38;
	[tilespmem:$0x10600] =	vst v63  }
0x65: {  	s31 =	simm.s32 $0x7000;
	s30 =	spop (v2sf)  }
0x66: {  	(v2sf) =	vpush v9, $0xF;
	[tilespmem:s31], [sflag:$0x1] =	stream.linear.gather [hbm4b:s30+s4], $0x400, $0x38;
	[tilespmem:$0x10600] =	vst v63  }
0x67: {  	s12 =	simm.s32 $0x3400;
	s30 =	spop (v2sf)  }
0x68: {  	[tilespmem:s12], [sflag:$0x1] =	stream.linear.gather [hbm4b:s30+s4], $0x400, $0x38;
	[tilespmem:$0x10600] =	vst v63  }
0x69: {  	s31 =	simm.s32 $0x7400;
	s30 =	spop (v2sf)  }
0x6a: {  	[tilespmem:s31], [sflag:$0x1] =	stream.linear.gather [hbm4b:s30+s4], $0x400, $0x38;
	[tilespmem:$0x10600] =	vst v63  }
0x6b: {  	s12 =	simm.s32 $0x3800;
	s30 =	spop (v2sf)  }
0x6c: {  	[tilespmem:s12], [sflag:$0x1] =	stream.linear.gather [hbm4b:s30+s4], $0x400, $0x38;
	[tilespmem:$0x10600] =	vst v63  }
0x6d: {  	s31 =	simm.s32 $0x7800;
	s30 =	spop (v2sf)  }
0x6e: {  	[tilespmem:s31], [sflag:$0x1] =	stream.linear.gather [hbm4b:s30+s4], $0x400, $0x38;
	[tilespmem:$0x10600] =	vst v63  }
0x6f: {  	s12 =	simm.s32 $0x3C00;
	s30 =	spop (v2sf)  }
0x70: {  	[tilespmem:s12], [sflag:$0x1] =	stream.linear.gather [hbm4b:s30+s4], $0x400, $0x38;
	[tilespmem:$0x10600] =	vst v63  }
0x71: {  	s31 =	simm.s32 $0x7C00;
	s30 =	spop (v2sf)  }
0x72: {  	[tilespmem:s31], [sflag:$0x1] =	stream.linear.gather [hbm4b:s30+s4], $0x400, $0x38;
	[tilespmem:$0x10600] =	vst v63  }
.Ltmp2:
0x73: {  	s12 =	simm.s32 $0x4000;
	s30 =	spop (v2sf);
	(pc) =	sbr.rel .LBB2_2-.Ltmp2, $4  }
0x74: {  	[tilespmem:s12], [sflag:$0x1] =	stream.linear.gather [hbm4b:s30+s4], $0x400, $0x38;
	[tilespmem:$0x10600] =	vst v63  }
0x75: {  	s31 =	simm.s32 $0x8000;
	s30 =	spop (v2sf)  }
0x76: {  	[tilespmem:s31], [sflag:$0x1] =	stream.linear.gather [hbm4b:s30+s4], $0x400, $0x38;
	[tilespmem:$0x10600] =	vst v63  }
0x77: {  	s30 =	simm.s32 $0x0  }
.LBB2_4:
0x78: {  	_ =	swait.ge [sflag:s29], $0x400  }
0x79: {  	[sflag:s29] =	ssyncset.done $0x0  }
0x7a: {  	[sflag:s29] =	ssyncadd.s32 $0xFFFFFC00  }
0x7b: {  	_ =	swait.ge [sflag:s29], $0x400  }
0x7c: {  	[sflag:s29] =	ssyncset.done $0x0  }
0x7d: {  	[sflag:s29] =	ssyncadd.s32 $0xFFFFFC00  }
0x7e: {  	_ =	swait.ge [sflag:s29], $0x400  }
0x7f: {  	[sflag:s29] =	ssyncset.done $0x0  }
0x80: {  	[sflag:s29] =	ssyncadd.s32 $0xFFFFFC00  }
0x81: {  	_ =	swait.ge [sflag:s29], $0x400  }
0x82: {  	[sflag:s29] =	ssyncset.done $0x0  }
0x83: {  	[sflag:s29] =	ssyncadd.s32 $0xFFFFFC00  }
0x84: {  	_ =	swait.ge [sflag:s29], $0x400  }
0x85: {  	[sflag:s29] =	ssyncset.done $0x0  }
0x86: {  	[sflag:s29] =	ssyncadd.s32 $0xFFFFFC00  }
0x87: {  	_ =	swait.ge [sflag:s29], $0x400  }
0x88: {  	[sflag:s29] =	ssyncset.done $0x0  }
0x89: {  	[sflag:s29] =	ssyncadd.s32 $0xFFFFFC00  }
0x8a: {  	_ =	swait.ge [sflag:s29], $0x400  }
0x8b: {  	[sflag:s29] =	ssyncset.done $0x0  }
0x8c: {  	[sflag:s29] =	ssyncadd.s32 $0xFFFFFC00  }
0x8d: {  	_ =	swait.ge [sflag:s29], $0x400  }
0x8e: {  	[sflag:s29] =	ssyncset.done $0x0  }
0x8f: {  	[sflag:s29] =	ssyncadd.s32 $0xFFFFFC00  }
0x90: {  	_ =	swait.ge [sflag:s29], $0x400  }
0x91: {  	[sflag:s29] =	ssyncset.done $0x0  }
0x92: {  	[sflag:s29] =	ssyncadd.s32 $0xFFFFFC00  }
0x93: {  	_ =	swait.ge [sflag:s29], $0x400  }
0x94: {  	[sflag:s29] =	ssyncset.done $0x0  }
0x95: {  	[sflag:s29] =	ssyncadd.s32 $0xFFFFFC00  }
0x96: {  	_ =	swait.ge [sflag:s29], $0x400  }
0x97: {  	[sflag:s29] =	ssyncset.done $0x0  }
0x98: {  	[sflag:s29] =	ssyncadd.s32 $0xFFFFFC00  }
0x99: {  	_ =	swait.ge [sflag:s29], $0x400  }
0x9a: {  	[sflag:s29] =	ssyncset.done $0x0  }
0x9b: {  	[sflag:s29] =	ssyncadd.s32 $0xFFFFFC00  }
0x9c: {  	_ =	swait.ge [sflag:s29], $0x400  }
0x9d: {  	[sflag:s29] =	ssyncset.done $0x0  }
0x9e: {  	[sflag:s29] =	ssyncadd.s32 $0xFFFFFC00  }
0x9f: {  	_ =	swait.ge [sflag:s29], $0x400  }
0xa0: {  	[sflag:s29] =	ssyncset.done $0x0  }
0xa1: {  	[sflag:s29] =	ssyncadd.s32 $0xFFFFFC00  }
0xa2: {  	_ =	swait.ge [sflag:s29], $0x400  }
0xa3: {  	[sflag:s29] =	ssyncset.done $0x0  }
0xa4: {  	[sflag:s29] =	ssyncadd.s32 $0xFFFFFC00  }
0xa5: {  	_ =	swait.ge [sflag:s29], $0x400  }
0xa6: {  	[sflag:s29] =	ssyncset.done $0x0  }
0xa7: {  	[sflag:s29] =	ssyncadd.s32 $0xFFFFFC00  }
0xa8: {  	_ =	swait.ge [sflag:s29], $0x400  }
0xa9: {  	[sflag:s29] =	ssyncset.done $0x0  }
0xaa: {  	[sflag:s29] =	ssyncadd.s32 $0xFFFFFC00  }
0xab: {  	_ =	swait.ge [sflag:s29], $0x400  }
0xac: {  	[sflag:s29] =	ssyncset.done $0x0  }
0xad: {  	[sflag:s29] =	ssyncadd.s32 $0xFFFFFC00  }
0xae: {  	_ =	swait.ge [sflag:s29], $0x400  }
0xaf: {  	[sflag:s29] =	ssyncset.done $0x0  }
0xb0: {  	[sflag:s29] =	ssyncadd.s32 $0xFFFFFC00  }
0xb1: {  	_ =	swait.ge [sflag:s29], $0x400  }
0xb2: {  	[sflag:s29] =	ssyncset.done $0x0  }
0xb3: {  	[sflag:s29] =	ssyncadd.s32 $0xFFFFFC00  }
0xb4: {  	_ =	swait.ge [sflag:s29], $0x400  }
0xb5: {  	[sflag:s29] =	ssyncset.done $0x0  }
0xb6: {  	[sflag:s29] =	ssyncadd.s32 $0xFFFFFC00  }
0xb7: {  	_ =	swait.ge [sflag:s29], $0x400  }
0xb8: {  	[sflag:s29] =	ssyncset.done $0x0  }
0xb9: {  	[sflag:s29] =	ssyncadd.s32 $0xFFFFFC00  }
0xba: {  	_ =	swait.ge [sflag:s29], $0x400  }
0xbb: {  	[sflag:s29] =	ssyncset.done $0x0  }
0xbc: {  	[sflag:s29] =	ssyncadd.s32 $0xFFFFFC00  }
0xbd: {  	_ =	swait.ge [sflag:s29], $0x400  }
0xbe: {  	[sflag:s29] =	ssyncset.done $0x0  }
0xbf: {  	[sflag:s29] =	ssyncadd.s32 $0xFFFFFC00  }
0xc0: {  	_ =	swait.ge [sflag:s29], $0x400  }
0xc1: {  	[sflag:s29] =	ssyncset.done $0x0  }
0xc2: {  	[sflag:s29] =	ssyncadd.s32 $0xFFFFFC00  }
0xc3: {  	_ =	swait.ge [sflag:s29], $0x400  }
0xc4: {  	[sflag:s29] =	ssyncset.done $0x0  }
0xc5: {  	[sflag:s29] =	ssyncadd.s32 $0xFFFFFC00  }
0xc6: {  	_ =	swait.ge [sflag:s29], $0x400  }
0xc7: {  	[sflag:s29] =	ssyncset.done $0x0  }
0xc8: {  	[sflag:s29] =	ssyncadd.s32 $0xFFFFFC00  }
0xc9: {  	_ =	swait.ge [sflag:s29], $0x400  }
0xca: {  	[sflag:s29] =	ssyncset.done $0x0  }
0xcb: {  	[sflag:s29] =	ssyncadd.s32 $0xFFFFFC00  }
0xcc: {  	_ =	swait.ge [sflag:s29], $0x400  }
0xcd: {  	[sflag:s29] =	ssyncset.done $0x0  }
0xce: {  	[sflag:s29] =	ssyncadd.s32 $0xFFFFFC00  }
0xcf: {  	_ =	swait.ge [sflag:s29], $0x400  }
0xd0: {  	[sflag:s29] =	ssyncset.done $0x0  }
0xd1: {  	[sflag:s29] =	ssyncadd.s32 $0xFFFFFC00  }
0xd2: {  	_ =	swait.ge [sflag:s29], $0x400  }
0xd3: {  	[sflag:s29] =	ssyncset.done $0x0  }
0xd4: {  	[sflag:s29] =	ssyncadd.s32 $0xFFFFFC00  }
0xd5: {  	_ =	swait.ge [sflag:s29], $0x400  }
0xd6: {  	[sflag:s29] =	ssyncset.done $0x0  }
0xd7: {  	[sflag:s29] =	ssyncadd.s32 $0xFFFFFC00  }
0xd8: {  	v24 =	vld [tilespmem:s31+$0x0]  }
0xd9: {  	v25 =	vld [tilespmem:s31+$0x200];
	_ =	sdelay $0x3  }
0xda: {  	v24 =	vand.u32 $0x7F, v24  }
0xdb: {  	v25 =	vand.u32 $0x7F, v25;
	v26 =	vor.u32 v0, v24  }
0xdc: {  	v27 =	vor.u32 v0, v25  }
0xdd: {  	v28 =	vor.u32 v1, v24  }
0xde: {  	v29 =	vor.u32 v1, v25  }
0xdf: {  	v30 =	vor.u32 v2, v24  }
0xe0: {  	v31 =	vor.u32 v2, v25;
	v26 =	vld.idx.msk [tilespmem:v26+s19+$0x0], $0xffff  }
0xe1: {  	v32 =	vor.u32 v3, v24;
	v27 =	vld.idx.msk [tilespmem:v27+s20+$0x0], $0xffff  }
0xe2: {  	v33 =	vor.u32 v3, v25;
	v28 =	vld.idx.msk [tilespmem:v28+s19+$0x0], $0xffff  }
0xe3: {  	v34 =	vor.u32 v4, v24;
	v29 =	vld.idx.msk [tilespmem:v29+s20+$0x0], $0xffff  }
0xe4: {  	v35 =	vor.u32 v4, v25;
	v30 =	vld.idx.msk [tilespmem:v30+s19+$0x0], $0xffff  }
0xe5: {  	v22 =	vmul.f32 v23, v22;
	v39 =	vor.u32 v5, v24;
	v38 =	vld.idx.msk [tilespmem:v31+s20+$0x0], $0xffff  }
0xe6: {  	v41 =	vor.u32 v5, v25;
	v40 =	vld.idx.msk [tilespmem:v32+s19+$0x0], $0xffff;
	v26 =	vmul.f32 v27, v26  }
0xe7: {  	v20 =	vmul.f32 v21, v20;
	v22 =	vadd.f32 $0.0e+00, v22;
	v43 =	vor.u32 v6, v24;
	v42 =	vld.idx.msk [tilespmem:v33+s20+$0x0], $0xffff  }
0xe8: {  	v45 =	vor.u32 v6, v25;
	v44 =	vld.idx.msk [tilespmem:v34+s19+$0x0], $0xffff;
	v28 =	vmul.f32 v29, v28;
	v26 =	vadd.f32 $0.0e+00, v26  }
0xe9: {  	v18 =	vmul.f32 v19, v18;
	v20 =	vadd.f32 v20, v22;
	v47 =	vor.u32 v7, v24;
	v46 =	vld.idx.msk [tilespmem:v35+s20+$0x0], $0xffff  }
0xea: {  	v25 =	vor.u32 v7, v25;
	v49 =	vld.idx.msk [tilespmem:v39+s19+$0x0], $0xffff;
	v23 =	vmul.f32 v38, v30;
	v48 =	vadd.f32 v28, v26  }
0xeb: {  	v15 =	vmul.f32 v17, v15;
	v50 =	vld.idx.msk [tilespmem:v41+s20+$0x0], $0xffff  }
0xec: {  	v18 =	vadd.f32 v18, v20;
	v52 =	vld.idx.msk [tilespmem:v43+s19+$0x0], $0xffff;
	v21 =	vmul.f32 v42, v40;
	v51 =	vadd.f32 v23, v48  }
0xed: {  	v13 =	vmul.f32 v16, v13;
	v53 =	vld.idx.msk [tilespmem:v45+s20+$0x0], $0xffff  }
0xee: {  	v15 =	vadd.f32 v15, v18;
	v55 =	vld.idx.msk [tilespmem:v47+s19+$0x0], $0xffff;
	v19 =	vmul.f32 v46, v44;
	v54 =	vadd.f32 v21, v51  }
0xef: {  	v12 =	vmul.f32 v14, v12;
	v56 =	vld.idx.msk [tilespmem:v25+s20+$0x0], $0xffff  }
0xf0: {  	v13 =	vadd.f32 v13, v15;
	v17 =	vmul.f32 v50, v49;
	v57 =	vadd.f32 v19, v54  }
0xf1: {  	v9 =	vmul.f32 v11, v9  }
0xf2: {  	v12 =	vadd.f32 v12, v13;
	v59 =	vmul.f32 v53, v52;
	v58 =	vadd.f32 v17, v57  }
0xf3: {  	v8 =	vmul.f32 v10, v8  }
0xf4: {  	v9 =	vadd.f32 v9, v12;
	v61 =	vmul.f32 v56, v55;
	v60 =	vadd.f32 v59, v58;
	_ =	sdelay $0x1  }
0xf5: {  	v8 =	vadd.f32 v8, v9;
	v62 =	vadd.f32 v61, v60;
	_ =	sdelay $0x1  }
0xf6: {  	v8 =	vadd.f32 v62, v8;
	_ =	sdelay $0x1  }
0xf7: {  	v9 =	vand.u32 $0x7FFFFFFF, v8  }
0xf8: {  	v9 =	vsub.f32 $0.0e+00, v9;
	_ =	sdelay $0x1  }
0xf9: {  	v9 =	vmul.f32 $1.442695020e+00, v9;
	_ =	sdelay $0x1  }
0xfa: {  	(erf) = vpow2.f32 v9;
	_ =	sdelay $0x8  }
0xfb: {  	v9 =	vpop (erf)  }
0xfc: {  	v63 =	vadd.f32 $1.000000000e+00, v9;
	_ =	sdelay $0x1  }
0xfd: {  	(erf) = vrcp.f32 v63;
	_ =	sdelay $0x6  }
0xfe: {  	s30 =	sadd.s32 $0x40, s30  }
0xff: {  	p0 =	sne.s32 s30, $0x800  }
.Ltmp3:
0x100: {  	v10 =	vpop (erf);
	(pc) =	sbr.rel @!p0 .LBB2_5-.Ltmp3, $4  }
0x101: {  	v9 =	vmul.f32 v10, v9  }
0x102: {  	vm0 =	vge.f32 v8, $0.0e+00  }
0x103: {  	v8 =	vsel vm0, v10, v9  }
0x104: {  	[tilespmem:s31+$0x10400] =	vst v8  }
.LBB2_2:
0x105: {  	s31 =	sshra.s32 s30, $0x2  }
0x106: {  	v8 =	vld [tilespmem:s31+$0x0];
	_ =	sdelay $0x1  }
0x107: {  	v9 =	vld [tilespmem:s31+$0x200];
	_ =	sdelay $0x2  }
0x108: {  	v8 =	vand.u32 $0xFFFFFF80, v8  }
0x109: {  	v8 =	vadd.s32 s7, v8  }
0x10a: {  	v9 =	vand.u32 $0xFFFFFF80, v9;
	(v2sf) =	vpush v8, $0x0  }
0x10b: {  	v9 =	vadd.s32 s8, v9  }
0x10c: {  	(v2sf) =	vpush v9, $0x0;
	_ =	sdelay $0x1  }
0x10d: {  	(v2sf) =	vpush v8, $0x1;
	_ =	sdelay $0x1  }
0x10e: {  	(v2sf) =	vpush v9, $0x1;
	_ =	sdelay $0x1  }
0x10f: {  	(v2sf) =	vpush v8, $0x2;
	_ =	sdelay $0x1  }
0x110: {  	(v2sf) =	vpush v9, $0x2;
	_ =	sdelay $0x1  }
0x111: {  	(v2sf) =	vpush v8, $0x3;
	_ =	sdelay $0x1  }
0x112: {  	(v2sf) =	vpush v9, $0x3  }
0x113: {  	s0 =	spop (v2sf)  }
0x114: {  	(v2sf) =	vpush v8, $0x4;
	[tilespmem:s19], [sflag:$0x2] =	stream.linear.gather [hbm4b:s0+s4], $0x400, $0x38;
	[tilespmem:$0x10600] =	vst v63  }
0x115: {  	s12 =	spop (v2sf)  }
0x116: {  	(v2sf) =	vpush v9, $0x4;
	[tilespmem:s20], [sflag:$0x2] =	stream.linear.gather [hbm4b:s12+s4], $0x400, $0x38;
	[tilespmem:$0x10600] =	vst v63  }
0x117: {  	s12 =	spop (v2sf)  }
0x118: {  	(v2sf) =	vpush v8, $0x5;
	[tilespmem:s3], [sflag:$0x2] =	stream.linear.gather [hbm4b:s12+s4], $0x400, $0x38;
	[tilespmem:$0x10600] =	vst v63  }
0x119: {  	s0 =	spop (v2sf);
	s12 =	simm.s32 $0xC800  }
0x11a: {  	(v2sf) =	vpush v9, $0x5;
	[tilespmem:s12], [sflag:$0x2] =	stream.linear.gather [hbm4b:s0+s4], $0x400, $0x38;
	[tilespmem:$0x10600] =	vst v63  }
0x11b: {  	s0 =	spop (v2sf);
	s12 =	simm.s32 $0x8C00  }
0x11c: {  	(v2sf) =	vpush v8, $0x6;
	[tilespmem:s12], [sflag:$0x2] =	stream.linear.gather [hbm4b:s0+s4], $0x400, $0x38;
	[tilespmem:$0x10600] =	vst v63  }
0x11d: {  	s0 =	spop (v2sf);
	s12 =	simm.s32 $0xCC00  }
0x11e: {  	(v2sf) =	vpush v9, $0x6;
	[tilespmem:s12], [sflag:$0x2] =	stream.linear.gather [hbm4b:s0+s4], $0x400, $0x38;
	[tilespmem:$0x10600] =	vst v63  }
0x11f: {  	s0 =	spop (v2sf);
	s12 =	simm.s32 $0x9000  }
0x120: {  	(v2sf) =	vpush v8, $0x7;
	[tilespmem:s12], [sflag:$0x2] =	stream.linear.gather [hbm4b:s0+s4], $0x400, $0x38;
	[tilespmem:$0x10600] =	vst v63  }
0x121: {  	s0 =	spop (v2sf);
	s12 =	simm.s32 $0xD000  }
0x122: {  	(v2sf) =	vpush v9, $0x7;
	[tilespmem:s12], [sflag:$0x2] =	stream.linear.gather [hbm4b:s0+s4], $0x400, $0x38;
	[tilespmem:$0x10600] =	vst v63  }
0x123: {  	s0 =	spop (v2sf);
	s12 =	simm.s32 $0x9400  }
0x124: {  	(v2sf) =	vpush v8, $0x8;
	[tilespmem:s12], [sflag:$0x2] =	stream.linear.gather [hbm4b:s0+s4], $0x400, $0x38;
	[tilespmem:$0x10600] =	vst v63  }
0x125: {  	s0 =	spop (v2sf);
	s12 =	simm.s32 $0xD400  }
0x126: {  	(v2sf) =	vpush v9, $0x8;
	[tilespmem:s12], [sflag:$0x2] =	stream.linear.gather [hbm4b:s0+s4], $0x400, $0x38;
	[tilespmem:$0x10600] =	vst v63  }
0x127: {  	s0 =	spop (v2sf);
	s12 =	simm.s32 $0x9800  }
0x128: {  	(v2sf) =	vpush v8, $0x9;
	[tilespmem:s12], [sflag:$0x2] =	stream.linear.gather [hbm4b:s0+s4], $0x400, $0x38;
	[tilespmem:$0x10600] =	vst v63  }
0x129: {  	s0 =	spop (v2sf);
	s12 =	simm.s32 $0xD800  }
0x12a: {  	(v2sf) =	vpush v9, $0x9;
	[tilespmem:s12], [sflag:$0x2] =	stream.linear.gather [hbm4b:s0+s4], $0x400, $0x38;
	[tilespmem:$0x10600] =	vst v63  }
0x12b: {  	s0 =	spop (v2sf);
	s12 =	simm.s32 $0x9C00  }
0x12c: {  	(v2sf) =	vpush v8, $0xA;
	[tilespmem:s12], [sflag:$0x2] =	stream.linear.gather [hbm4b:s0+s4], $0x400, $0x38;
	[tilespmem:$0x10600] =	vst v63  }
0x12d: {  	s0 =	spop (v2sf);
	s12 =	simm.s32 $0xDC00  }
0x12e: {  	(v2sf) =	vpush v9, $0xA;
	[tilespmem:s12], [sflag:$0x2] =	stream.linear.gather [hbm4b:s0+s4], $0x400, $0x38;
	[tilespmem:$0x10600] =	vst v63  }
0x12f: {  	s0 =	spop (v2sf);
	s12 =	simm.s32 $0xA000  }
0x130: {  	(v2sf) =	vpush v8, $0xB;
	[tilespmem:s12], [sflag:$0x2] =	stream.linear.gather [hbm4b:s0+s4], $0x400, $0x38;
	[tilespmem:$0x10600] =	vst v63  }
0x131: {  	s12 =	spop (v2sf)  }
0x132: {  	(v2sf) =	vpush v9, $0xB;
	[tilespmem:s5], [sflag:$0x2] =	stream.linear.gather [hbm4b:s12+s4], $0x400, $0x38;
	[tilespmem:$0x10600] =	vst v63  }
0x133: {  	s12 =	spop (v2sf)  }
0x134: {  	(v2sf) =	vpush v8, $0xC;
	[tilespmem:s6], [sflag:$0x2] =	stream.linear.gather [hbm4b:s12+s4], $0x400, $0x38;
	[tilespmem:$0x10600] =	vst v63  }
0x135: {  	s12 =	spop (v2sf)  }
0x136: {  	(v2sf) =	vpush v9, $0xC;
	[tilespmem:s9], [sflag:$0x2] =	stream.linear.gather [hbm4b:s12+s4], $0x400, $0x38;
	[tilespmem:$0x10600] =	vst v63  }
0x137: {  	s12 =	spop (v2sf)  }
0x138: {  	(v2sf) =	vpush v8, $0xD;
	[tilespmem:s10], [sflag:$0x2] =	stream.linear.gather [hbm4b:s12+s4], $0x400, $0x38;
	[tilespmem:$0x10600] =	vst v63  }
0x139: {  	s12 =	spop (v2sf)  }
0x13a: {  	(v2sf) =	vpush v9, $0xD;
	[tilespmem:s11], [sflag:$0x2] =	stream.linear.gather [hbm4b:s12+s4], $0x400, $0x38;
	[tilespmem:$0x10600] =	vst v63  }
0x13b: {  	s12 =	spop (v2sf)  }
0x13c: {  	(v2sf) =	vpush v8, $0xE;
	[tilespmem:s1], [sflag:$0x2] =	stream.linear.gather [hbm4b:s12+s4], $0x400, $0x38;
	[tilespmem:$0x10600] =	vst v63  }
0x13d: {  	s12 =	spop (v2sf)  }
0x13e: {  	(v2sf) =	vpush v9, $0xE;
	[tilespmem:s2], [sflag:$0x2] =	stream.linear.gather [hbm4b:s12+s4], $0x400, $0x38;
	[tilespmem:$0x10600] =	vst v63  }
0x13f: {  	s12 =	spop (v2sf)  }
0x140: {  	(v2sf) =	vpush v8, $0xF;
	[tilespmem:s15], [sflag:$0x2] =	stream.linear.gather [hbm4b:s12+s4], $0x400, $0x38;
	[tilespmem:$0x10600] =	vst v63  }
0x141: {  	s12 =	spop (v2sf)  }
0x142: {  	(v2sf) =	vpush v9, $0xF;
	[tilespmem:s16], [sflag:$0x2] =	stream.linear.gather [hbm4b:s12+s4], $0x400, $0x38;
	[tilespmem:$0x10600] =	vst v63  }
0x143: {  	s12 =	spop (v2sf)  }
0x144: {  	[tilespmem:s17], [sflag:$0x2] =	stream.linear.gather [hbm4b:s12+s4], $0x400, $0x38;
	[tilespmem:$0x10600] =	vst v63  }
0x145: {  	s12 =	spop (v2sf)  }
0x146: {  	[tilespmem:s18], [sflag:$0x2] =	stream.linear.gather [hbm4b:s12+s4], $0x400, $0x38;
	[tilespmem:$0x10600] =	vst v63  }
0x147: {  	s12 =	spop (v2sf)  }
0x148: {  	[tilespmem:s21], [sflag:$0x2] =	stream.linear.gather [hbm4b:s12+s4], $0x400, $0x38;
	[tilespmem:$0x10600] =	vst v63  }
0x149: {  	s12 =	spop (v2sf)  }
0x14a: {  	[tilespmem:s22], [sflag:$0x2] =	stream.linear.gather [hbm4b:s12+s4], $0x400, $0x38;
	[tilespmem:$0x10600] =	vst v63  }
0x14b: {  	s12 =	spop (v2sf)  }
0x14c: {  	[tilespmem:s23], [sflag:$0x2] =	stream.linear.gather [hbm4b:s12+s4], $0x400, $0x38;
	[tilespmem:$0x10600] =	vst v63  }
0x14d: {  	s12 =	spop (v2sf)  }
0x14e: {  	[tilespmem:s24], [sflag:$0x2] =	stream.linear.gather [hbm4b:s12+s4], $0x400, $0x38;
	[tilespmem:$0x10600] =	vst v63  }
0x14f: {  	s12 =	spop (v2sf)  }
0x150: {  	[tilespmem:s25], [sflag:$0x2] =	stream.linear.gather [hbm4b:s12+s4], $0x400, $0x38;
	[tilespmem:$0x10600] =	vst v63  }
0x151: {  	s12 =	spop (v2sf)  }
0x152: {  	[tilespmem:s26], [sflag:$0x2] =	stream.linear.gather [hbm4b:s12+s4], $0x400, $0x38;
	[tilespmem:$0x10600] =	vst v63  }
0x153: {  	_ =	swait.ge [sflag:s28], $0x400  }
0x154: {  	[sflag:s28] =	ssyncset.done $0x0  }
0x155: {  	[sflag:s28] =	ssyncadd.s32 $0xFFFFFC00  }
0x156: {  	_ =	swait.ge [sflag:s28], $0x400  }
0x157: {  	[sflag:s28] =	ssyncset.done $0x0  }
0x158: {  	[sflag:s28] =	ssyncadd.s32 $0xFFFFFC00  }
0x159: {  	_ =	swait.ge [sflag:s28], $0x400  }
0x15a: {  	[sflag:s28] =	ssyncset.done $0x0  }
0x15b: {  	[sflag:s28] =	ssyncadd.s32 $0xFFFFFC00  }
0x15c: {  	_ =	swait.ge [sflag:s28], $0x400  }
0x15d: {  	[sflag:s28] =	ssyncset.done $0x0  }
0x15e: {  	[sflag:s28] =	ssyncadd.s32 $0xFFFFFC00  }
0x15f: {  	_ =	swait.ge [sflag:s28], $0x400  }
0x160: {  	[sflag:s28] =	ssyncset.done $0x0  }
0x161: {  	[sflag:s28] =	ssyncadd.s32 $0xFFFFFC00  }
0x162: {  	_ =	swait.ge [sflag:s28], $0x400  }
0x163: {  	[sflag:s28] =	ssyncset.done $0x0  }
0x164: {  	[sflag:s28] =	ssyncadd.s32 $0xFFFFFC00  }
0x165: {  	_ =	swait.ge [sflag:s28], $0x400  }
0x166: {  	[sflag:s28] =	ssyncset.done $0x0  }
0x167: {  	[sflag:s28] =	ssyncadd.s32 $0xFFFFFC00  }
0x168: {  	_ =	swait.ge [sflag:s28], $0x400  }
0x169: {  	[sflag:s28] =	ssyncset.done $0x0  }
0x16a: {  	[sflag:s28] =	ssyncadd.s32 $0xFFFFFC00  }
0x16b: {  	_ =	swait.ge [sflag:s28], $0x400  }
0x16c: {  	[sflag:s28] =	ssyncset.done $0x0  }
0x16d: {  	[sflag:s28] =	ssyncadd.s32 $0xFFFFFC00  }
0x16e: {  	_ =	swait.ge [sflag:s28], $0x400  }
0x16f: {  	[sflag:s28] =	ssyncset.done $0x0  }
0x170: {  	[sflag:s28] =	ssyncadd.s32 $0xFFFFFC00  }
0x171: {  	_ =	swait.ge [sflag:s28], $0x400  }
0x172: {  	[sflag:s28] =	ssyncset.done $0x0  }
0x173: {  	[sflag:s28] =	ssyncadd.s32 $0xFFFFFC00  }
0x174: {  	_ =	swait.ge [sflag:s28], $0x400  }
0x175: {  	[sflag:s28] =	ssyncset.done $0x0  }
0x176: {  	[sflag:s28] =	ssyncadd.s32 $0xFFFFFC00  }
0x177: {  	_ =	swait.ge [sflag:s28], $0x400  }
0x178: {  	[sflag:s28] =	ssyncset.done $0x0  }
0x179: {  	[sflag:s28] =	ssyncadd.s32 $0xFFFFFC00  }
0x17a: {  	_ =	swait.ge [sflag:s28], $0x400  }
0x17b: {  	[sflag:s28] =	ssyncset.done $0x0  }
0x17c: {  	[sflag:s28] =	ssyncadd.s32 $0xFFFFFC00  }
0x17d: {  	_ =	swait.ge [sflag:s28], $0x400  }
0x17e: {  	[sflag:s28] =	ssyncset.done $0x0  }
0x17f: {  	[sflag:s28] =	ssyncadd.s32 $0xFFFFFC00  }
0x180: {  	_ =	swait.ge [sflag:s28], $0x400  }
0x181: {  	[sflag:s28] =	ssyncset.done $0x0  }
0x182: {  	[sflag:s28] =	ssyncadd.s32 $0xFFFFFC00  }
0x183: {  	_ =	swait.ge [sflag:s28], $0x400  }
0x184: {  	[sflag:s28] =	ssyncset.done $0x0  }
0x185: {  	[sflag:s28] =	ssyncadd.s32 $0xFFFFFC00  }
0x186: {  	_ =	swait.ge [sflag:s28], $0x400  }
0x187: {  	[sflag:s28] =	ssyncset.done $0x0  }
0x188: {  	[sflag:s28] =	ssyncadd.s32 $0xFFFFFC00  }
0x189: {  	_ =	swait.ge [sflag:s28], $0x400  }
0x18a: {  	[sflag:s28] =	ssyncset.done $0x0  }
0x18b: {  	[sflag:s28] =	ssyncadd.s32 $0xFFFFFC00  }
0x18c: {  	_ =	swait.ge [sflag:s28], $0x400  }
0x18d: {  	[sflag:s28] =	ssyncset.done $0x0  }
0x18e: {  	[sflag:s28] =	ssyncadd.s32 $0xFFFFFC00  }
0x18f: {  	_ =	swait.ge [sflag:s28], $0x400  }
0x190: {  	[sflag:s28] =	ssyncset.done $0x0  }
0x191: {  	[sflag:s28] =	ssyncadd.s32 $0xFFFFFC00  }
0x192: {  	_ =	swait.ge [sflag:s28], $0x400  }
0x193: {  	[sflag:s28] =	ssyncset.done $0x0  }
0x194: {  	[sflag:s28] =	ssyncadd.s32 $0xFFFFFC00  }
0x195: {  	_ =	swait.ge [sflag:s28], $0x400  }
0x196: {  	[sflag:s28] =	ssyncset.done $0x0  }
0x197: {  	[sflag:s28] =	ssyncadd.s32 $0xFFFFFC00  }
0x198: {  	_ =	swait.ge [sflag:s28], $0x400  }
0x199: {  	[sflag:s28] =	ssyncset.done $0x0  }
0x19a: {  	[sflag:s28] =	ssyncadd.s32 $0xFFFFFC00  }
0x19b: {  	_ =	swait.ge [sflag:s28], $0x400  }
0x19c: {  	[sflag:s28] =	ssyncset.done $0x0  }
0x19d: {  	[sflag:s28] =	ssyncadd.s32 $0xFFFFFC00  }
0x19e: {  	_ =	swait.ge [sflag:s28], $0x400  }
0x19f: {  	[sflag:s28] =	ssyncset.done $0x0  }
0x1a0: {  	[sflag:s28] =	ssyncadd.s32 $0xFFFFFC00  }
0x1a1: {  	_ =	swait.ge [sflag:s28], $0x400  }
0x1a2: {  	[sflag:s28] =	ssyncset.done $0x0  }
0x1a3: {  	[sflag:s28] =	ssyncadd.s32 $0xFFFFFC00  }
0x1a4: {  	_ =	swait.ge [sflag:s28], $0x400  }
0x1a5: {  	[sflag:s28] =	ssyncset.done $0x0  }
0x1a6: {  	[sflag:s28] =	ssyncadd.s32 $0xFFFFFC00  }
0x1a7: {  	_ =	swait.ge [sflag:s28], $0x400  }
0x1a8: {  	[sflag:s28] =	ssyncset.done $0x0  }
0x1a9: {  	[sflag:s28] =	ssyncadd.s32 $0xFFFFFC00  }
0x1aa: {  	_ =	swait.ge [sflag:s28], $0x400  }
0x1ab: {  	[sflag:s28] =	ssyncset.done $0x0  }
0x1ac: {  	[sflag:s28] =	ssyncadd.s32 $0xFFFFFC00  }
0x1ad: {  	_ =	swait.ge [sflag:s28], $0x400  }
0x1ae: {  	[sflag:s28] =	ssyncset.done $0x0  }
0x1af: {  	[sflag:s28] =	ssyncadd.s32 $0xFFFFFC00  }
0x1b0: {  	_ =	swait.ge [sflag:s28], $0x400  }
0x1b1: {  	[sflag:s28] =	ssyncset.done $0x0  }
0x1b2: {  	[sflag:s28] =	ssyncadd.s32 $0xFFFFFC00  }
0x1b3: {  	v8 =	vld [tilespmem:s31+$0x0]  }
0x1b4: {  	v9 =	vld [tilespmem:s31+$0x200];
	_ =	sdelay $0x3  }
0x1b5: {  	v8 =	vand.u32 $0x7F, v8  }
0x1b6: {  	v9 =	vand.u32 $0x7F, v9;
	v10 =	vor.u32 v0, v8  }
0x1b7: {  	v11 =	vor.u32 v0, v9  }
0x1b8: {  	v12 =	vor.u32 v1, v8  }
0x1b9: {  	v13 =	vor.u32 v1, v9  }
0x1ba: {  	v14 =	vor.u32 v2, v8  }
0x1bb: {  	v22 =	vld.idx.msk [tilespmem:v10+s13+$0x0], $0xffff;
	v10 =	vor.u32 v2, v9  }
0x1bc: {  	v23 =	vld.idx.msk [tilespmem:v11+s14+$0x0], $0xffff;
	v11 =	vor.u32 v3, v8  }
0x1bd: {  	v20 =	vld.idx.msk [tilespmem:v12+s13+$0x0], $0xffff;
	v12 =	vor.u32 v3, v9  }
0x1be: {  	v21 =	vld.idx.msk [tilespmem:v13+s14+$0x0], $0xffff;
	v13 =	vor.u32 v4, v8  }
0x1bf: {  	v18 =	vld.idx.msk [tilespmem:v14+s13+$0x0], $0xffff;
	v14 =	vor.u32 v4, v9  }
0x1c0: {  	v19 =	vld.idx.msk [tilespmem:v10+s14+$0x0], $0xffff;
	v10 =	vor.u32 v5, v8  }
0x1c1: {  	v15 =	vld.idx.msk [tilespmem:v11+s13+$0x0], $0xffff;
	v11 =	vor.u32 v5, v9  }
0x1c2: {  	v24 =	vor.u32 v6, v8;
	v17 =	vld.idx.msk [tilespmem:v12+s14+$0x0], $0xffff  }
0x1c3: {  	v25 =	vor.u32 v6, v9;
	v13 =	vld.idx.msk [tilespmem:v13+s13+$0x0], $0xffff  }
0x1c4: {  	v16 =	vld.idx.msk [tilespmem:v14+s14+$0x0], $0xffff;
	v8 =	vor.u32 v7, v8  }
0x1c5: {  	p0 =	seq.s32 s30, $0x7C0;
	v12 =	vld.idx.msk [tilespmem:v10+s13+$0x0], $0xffff;
	v10 =	vor.u32 v7, v9  }
.Ltmp4:
0x1c6: {  	v14 =	vld.idx.msk [tilespmem:v11+s14+$0x0], $0xffff;
	(pc) =	sbr.rel @p0 .LBB2_4-.Ltmp4, $4  }
0x1c7: {  	v9 =	vld.idx.msk [tilespmem:v24+s13+$0x0], $0xffff  }
0x1c8: {  	v11 =	vld.idx.msk [tilespmem:v25+s14+$0x0], $0xffff  }
0x1c9: {  	v8 =	vld.idx.msk [tilespmem:v8+s13+$0x0], $0xffff  }
0x1ca: {  	v10 =	vld.idx.msk [tilespmem:v10+s14+$0x0], $0xffff  }
0x1cb: {  	v24 =	vld [tilespmem:s31+$0x10];
	_ =	sdelay $0x1  }
0x1cc: {  	v25 =	vld [tilespmem:s31+$0x210];
	_ =	sdelay $0x2  }
0x1cd: {  	s0 =	rddreg [dreg:$0x2];
	v24 =	vand.u32 $0xFFFFFF80, v24  }
0x1ce: {  	v24 =	vadd.s32 s0, v24  }
0x1cf: {  	s3 =	rddreg [dreg:$0x3];
	v25 =	vand.u32 $0xFFFFFF80, v25;
	(v2sf) =	vpush v24, $0x0  }
0x1d0: {  	v25 =	vadd.s32 s3, v25  }
0x1d1: {  	(v2sf) =	vpush v25, $0x0;
	_ =	sdelay $0x1  }
0x1d2: {  	(v2sf) =	vpush v24, $0x1;
	_ =	sdelay $0x1  }
0x1d3: {  	(v2sf) =	vpush v25, $0x1;
	_ =	sdelay $0x1  }
0x1d4: {  	(v2sf) =	vpush v24, $0x2;
	_ =	sdelay $0x1  }
0x1d5: {  	(v2sf) =	vpush v25, $0x2;
	_ =	sdelay $0x1  }
0x1d6: {  	(v2sf) =	vpush v24, $0x3;
	_ =	sdelay $0x1  }
0x1d7: {  	(v2sf) =	vpush v25, $0x3  }
0x1d8: {  	s12 =	spop (v2sf)  }
0x1d9: {  	(v2sf) =	vpush v24, $0x4;
	[tilespmem:s13], [sflag:$0x1] =	stream.linear.gather [hbm4b:s12+s4], $0x400, $0x38;
	[tilespmem:$0x10600] =	vst v63  }
0x1da: {  	s3 =	spop (v2sf)  }
0x1db: {  	(v2sf) =	vpush v25, $0x4;
	[tilespmem:s14], [sflag:$0x1] =	stream.linear.gather [hbm4b:s3+s4], $0x400, $0x38;
	[tilespmem:$0x10600] =	vst v63  }
0x1dc: {  	s12 =	spop (v2sf);
	s3 =	simm.s32 $0x800  }
0x1dd: {  	(v2sf) =	vpush v24, $0x5;
	[tilespmem:s3], [sflag:$0x1] =	stream.linear.gather [hbm4b:s12+s4], $0x400, $0x38;
	[tilespmem:$0x10600] =	vst v63  }
0x1de: {  	s3 =	spop (v2sf);
	s12 =	simm.s32 $0x4800  }
0x1df: {  	(v2sf) =	vpush v25, $0x5;
	[tilespmem:s12], [sflag:$0x1] =	stream.linear.gather [hbm4b:s3+s4], $0x400, $0x38;
	[tilespmem:$0x10600] =	vst v63  }
0x1e0: {  	s3 =	spop (v2sf);
	s12 =	simm.s32 $0xC00  }
0x1e1: {  	(v2sf) =	vpush v24, $0x6;
	[tilespmem:s12], [sflag:$0x1] =	stream.linear.gather [hbm4b:s3+s4], $0x400, $0x38;
	[tilespmem:$0x10600] =	vst v63  }
0x1e2: {  	s3 =	spop (v2sf);
	s12 =	simm.s32 $0x4C00  }
0x1e3: {  	(v2sf) =	vpush v25, $0x6;
	[tilespmem:s12], [sflag:$0x1] =	stream.linear.gather [hbm4b:s3+s4], $0x400, $0x38;
	[tilespmem:$0x10600] =	vst v63  }
0x1e4: {  	s3 =	spop (v2sf);
	s12 =	simm.s32 $0x1000  }
0x1e5: {  	(v2sf) =	vpush v24, $0x7;
	[tilespmem:s12], [sflag:$0x1] =	stream.linear.gather [hbm4b:s3+s4], $0x400, $0x38;
	[tilespmem:$0x10600] =	vst v63  }
0x1e6: {  	s3 =	spop (v2sf);
	s12 =	simm.s32 $0x5000  }
0x1e7: {  	(v2sf) =	vpush v25, $0x7;
	[tilespmem:s12], [sflag:$0x1] =	stream.linear.gather [hbm4b:s3+s4], $0x400, $0x38;
	[tilespmem:$0x10600] =	vst v63  }
0x1e8: {  	s3 =	spop (v2sf);
	s12 =	simm.s32 $0x1400  }
0x1e9: {  	(v2sf) =	vpush v24, $0x8;
	[tilespmem:s12], [sflag:$0x1] =	stream.linear.gather [hbm4b:s3+s4], $0x400, $0x38;
	[tilespmem:$0x10600] =	vst v63  }
0x1ea: {  	s3 =	spop (v2sf);
	s12 =	simm.s32 $0x5400  }
0x1eb: {  	(v2sf) =	vpush v25, $0x8;
	[tilespmem:s12], [sflag:$0x1] =	stream.linear.gather [hbm4b:s3+s4], $0x400, $0x38;
	[tilespmem:$0x10600] =	vst v63  }
0x1ec: {  	s3 =	spop (v2sf);
	s12 =	simm.s32 $0x1800  }
0x1ed: {  	(v2sf) =	vpush v24, $0x9;
	[tilespmem:s12], [sflag:$0x1] =	stream.linear.gather [hbm4b:s3+s4], $0x400, $0x38;
	[tilespmem:$0x10600] =	vst v63  }
0x1ee: {  	s3 =	spop (v2sf);
	s12 =	simm.s32 $0x5800  }
0x1ef: {  	(v2sf) =	vpush v25, $0x9;
	[tilespmem:s12], [sflag:$0x1] =	stream.linear.gather [hbm4b:s3+s4], $0x400, $0x38;
	[tilespmem:$0x10600] =	vst v63  }
0x1f0: {  	s3 =	spop (v2sf);
	s12 =	simm.s32 $0x1C00  }
0x1f1: {  	(v2sf) =	vpush v24, $0xA;
	[tilespmem:s12], [sflag:$0x1] =	stream.linear.gather [hbm4b:s3+s4], $0x400, $0x38;
	[tilespmem:$0x10600] =	vst v63  }
0x1f2: {  	s3 =	spop (v2sf);
	s12 =	simm.s32 $0x5C00  }
0x1f3: {  	(v2sf) =	vpush v25, $0xA;
	[tilespmem:s12], [sflag:$0x1] =	stream.linear.gather [hbm4b:s3+s4], $0x400, $0x38;
	[tilespmem:$0x10600] =	vst v63  }
0x1f4: {  	s3 =	spop (v2sf);
	s12 =	simm.s32 $0x2000  }
0x1f5: {  	(v2sf) =	vpush v24, $0xB;
	[tilespmem:s12], [sflag:$0x1] =	stream.linear.gather [hbm4b:s3+s4], $0x400, $0x38;
	[tilespmem:$0x10600] =	vst v63  }
0x1f6: {  	s3 =	spop (v2sf);
	s12 =	simm.s32 $0x6000  }
0x1f7: {  	(v2sf) =	vpush v25, $0xB;
	[tilespmem:s12], [sflag:$0x1] =	stream.linear.gather [hbm4b:s3+s4], $0x400, $0x38;
	[tilespmem:$0x10600] =	vst v63  }
0x1f8: {  	s3 =	spop (v2sf);
	s12 =	simm.s32 $0x2400  }
0x1f9: {  	(v2sf) =	vpush v24, $0xC;
	[tilespmem:s12], [sflag:$0x1] =	stream.linear.gather [hbm4b:s3+s4], $0x400, $0x38;
	[tilespmem:$0x10600] =	vst v63  }
0x1fa: {  	s3 =	spop (v2sf);
	s12 =	simm.s32 $0x6400  }
0x1fb: {  	(v2sf) =	vpush v25, $0xC;
	[tilespmem:s12], [sflag:$0x1] =	stream.linear.gather [hbm4b:s3+s4], $0x400, $0x38;
	[tilespmem:$0x10600] =	vst v63  }
0x1fc: {  	s3 =	spop (v2sf);
	s12 =	simm.s32 $0x2800  }
0x1fd: {  	(v2sf) =	vpush v24, $0xD;
	[tilespmem:s12], [sflag:$0x1] =	stream.linear.gather [hbm4b:s3+s4], $0x400, $0x38;
	[tilespmem:$0x10600] =	vst v63  }
0x1fe: {  	s3 =	spop (v2sf);
	s12 =	simm.s32 $0x6800  }
0x1ff: {  	(v2sf) =	vpush v25, $0xD;
	[tilespmem:s12], [sflag:$0x1] =	stream.linear.gather [hbm4b:s3+s4], $0x400, $0x38;
	[tilespmem:$0x10600] =	vst v63  }
0x200: {  	s3 =	spop (v2sf);
	s12 =	simm.s32 $0x2C00  }
0x201: {  	(v2sf) =	vpush v24, $0xE;
	[tilespmem:s12], [sflag:$0x1] =	stream.linear.gather [hbm4b:s3+s4], $0x400, $0x38;
	[tilespmem:$0x10600] =	vst v63  }
0x202: {  	s3 =	spop (v2sf);
	s12 =	simm.s32 $0x6C00  }
0x203: {  	(v2sf) =	vpush v25, $0xE;
	[tilespmem:s12], [sflag:$0x1] =	stream.linear.gather [hbm4b:s3+s4], $0x400, $0x38;
	[tilespmem:$0x10600] =	vst v63  }
0x204: {  	s3 =	spop (v2sf);
	s12 =	simm.s32 $0x3000  }
0x205: {  	(v2sf) =	vpush v24, $0xF;
	[tilespmem:s12], [sflag:$0x1] =	stream.linear.gather [hbm4b:s3+s4], $0x400, $0x38;
	[tilespmem:$0x10600] =	vst v63  }
0x206: {  	s3 =	spop (v2sf);
	s12 =	simm.s32 $0x7000  }
0x207: {  	(v2sf) =	vpush v25, $0xF;
	[tilespmem:s12], [sflag:$0x1] =	stream.linear.gather [hbm4b:s3+s4], $0x400, $0x38;
	[tilespmem:$0x10600] =	vst v63  }
0x208: {  	s3 =	spop (v2sf);
	s12 =	simm.s32 $0x3400  }
0x209: {  	[tilespmem:s12], [sflag:$0x1] =	stream.linear.gather [hbm4b:s3+s4], $0x400, $0x38;
	[tilespmem:$0x10600] =	vst v63  }
0x20a: {  	s3 =	spop (v2sf);
	s12 =	simm.s32 $0x7400  }
0x20b: {  	[tilespmem:s12], [sflag:$0x1] =	stream.linear.gather [hbm4b:s3+s4], $0x400, $0x38;
	[tilespmem:$0x10600] =	vst v63  }
0x20c: {  	s3 =	spop (v2sf);
	s12 =	simm.s32 $0x3800  }
0x20d: {  	[tilespmem:s12], [sflag:$0x1] =	stream.linear.gather [hbm4b:s3+s4], $0x400, $0x38;
	[tilespmem:$0x10600] =	vst v63  }
0x20e: {  	s3 =	spop (v2sf);
	s12 =	simm.s32 $0x7800  }
0x20f: {  	[tilespmem:s12], [sflag:$0x1] =	stream.linear.gather [hbm4b:s3+s4], $0x400, $0x38;
	[tilespmem:$0x10600] =	vst v63  }
0x210: {  	s3 =	spop (v2sf);
	s12 =	simm.s32 $0x3C00  }
0x211: {  	[tilespmem:s12], [sflag:$0x1] =	stream.linear.gather [hbm4b:s3+s4], $0x400, $0x38;
	[tilespmem:$0x10600] =	vst v63  }
0x212: {  	s3 =	spop (v2sf);
	s12 =	simm.s32 $0x7C00  }
0x213: {  	[tilespmem:s12], [sflag:$0x1] =	stream.linear.gather [hbm4b:s3+s4], $0x400, $0x38;
	[tilespmem:$0x10600] =	vst v63  }
.Ltmp5:
0x214: {  	s3 =	spop (v2sf);
	s12 =	simm.s32 $0x4000;
	(pc) =	sbr.rel .LBB2_4-.Ltmp5, $4  }
0x215: {  	[tilespmem:s12], [sflag:$0x1] =	stream.linear.gather [hbm4b:s3+s4], $0x400, $0x38;
	[tilespmem:$0x10600] =	vst v63  }
0x216: {  	s3 =	spop (v2sf);
	s12 =	simm.s32 $0x8000  }
0x217: {  	[tilespmem:s12], [sflag:$0x1] =	stream.linear.gather [hbm4b:s3+s4], $0x400, $0x38;
	[tilespmem:$0x10600] =	vst v63  }
0x218: {  	s3 =	simm.s32 $0x8800  }
.LBB2_6:
0x219: {  	_ =	sfence.sel $0x180000  }
0x21a: {  	[bflag:$0x0] =	sbarrier.arrive $0xFFFF  }
0x21b: {  	_ =	strace $0x90000047  }
0x21c: {  	s0 =	stileid.u32;
	[bflag:$0x2] =	sbarrier.arrive $0xFFFF  }
0x21d: {  	p0 =	sne.s32 s0, $0x0;
	s0 =	rddreg [dreg:$0x5]  }
0x21e: {  	s0 =	sadd.s32 @!p0 $0x100000, s0  }
0x21f: {  	[sflag:s0] =	ssyncadd.tile.s32 @!p0 $0x1;
	_ =	shalt  }
.Lfunc_end2:
_tile_overlayer_lowered:
.L_overlay_start_2:
0x220: {  	(tag) =	ssettag $0x2  }
0x221: {  	s0 =	rddreg [dreg:$0x0];
	s2 =	stileid.u32  }
0x222: {  	s1 =	rddreg [dreg:$0x1];
	p0 =	sne.s32 s2, $0x0  }
0x223: {  	s3 =	rddreg [dreg:$0x2];
	[bflag:$0x3] =	sbarrier.arrive $0xFFFF;
	s2 =	simm.s32 @!p0 $0x1C03  }
0x224: {  	[timem:s3], [sflag:s2] =	dma.local @!p0 [hbm:s0], s1  }
0x225: {  	s0 =	simm.s32 @!p0 $0x3  }
0x226: {  	_ =	swait.ge @!p0 [sflag:s0], s1  }
0x227: {  	s1 =	ssub.s32 @!p0 $0x0, s1;
	[sflag:s0] =	ssyncset.done @!p0 $0x0  }
0x228: {  	[sflag:s0] =	ssyncadd.s32 @!p0 s1  }
0x229: {  	[bflag:$0x3] =	sbarrier.arrive $0xFFFF  }
0x22a: {  	_ =	shalt  }

</sc_bundles>
